<compile_context>
chip_gen: v7x
topology: tpu7x:2x2x1
jax: 0.10.2.dev20260603
libtpu: 0.0.44.dev20260713+nightly
codegen_flags: <defaults>
</compile_context>

<pallas_src>
import dataclasses
import functools

import jax
import jax.numpy as jnp
from jax import lax
from jax.experimental import pallas as pl
from jax.experimental.pallas import tpu as pltpu
from jax.experimental.pallas import tpu_sc as plsc

F = 128
H = 4
C = 32
DE = F + 16
AT = 16
NW = 32
K = 96
ZR = 16


def _build_prep(np_, bp):
    def body(x_ref, w_ref, a16_ref, xle_ref, atab_ref):
        xl = jnp.dot(x_ref[...], w_ref[...], preferred_element_type=jnp.float32)
        cols = lax.broadcasted_iota(jnp.int32, (bp, 16), 1)
        extra = jnp.where(cols < H, 1.0, 0.0).astype(jnp.float32)
        xle_ref[...] = jnp.concatenate([xl, extra], axis=1)
        atab_ref[...] = jnp.dot(xl, a16_ref[...], preferred_element_type=jnp.float32)

    return pl.pallas_call(
        body,
        grid=(np_ // bp,),
        in_specs=[
            pl.BlockSpec((bp, F), lambda i: (i, 0)),
            pl.BlockSpec((F, F), lambda i: (0, 0)),
            pl.BlockSpec((F, AT), lambda i: (0, 0)),
        ],
        out_specs=[
            pl.BlockSpec((bp, DE), lambda i: (i, 0)),
            pl.BlockSpec((bp, AT), lambda i: (i, 0)),
        ],
        out_shape=[
            jax.ShapeDtypeStruct((np_, DE), jnp.float32),
            jax.ShapeDtypeStruct((np_, AT), jnp.float32),
        ],
    )


def _build_sc(np_, epw):
    iters = epw // K
    assert iters % 2 == 0
    rows_per_sub = np_ // 16
    mesh = plsc.VectorSubcoreMesh(core_axis_name="c", subcore_axis_name="s")
    cp = pltpu.CompilerParams()
    if "needs_layout_passes" in pltpu.CompilerParams.__dataclass_fields__:
        cp = dataclasses.replace(cp, needs_layout_passes=False)
    if "use_tc_tiling_on_sc" in pltpu.CompilerParams.__dataclass_fields__:
        cp = dataclasses.replace(cp, use_tc_tiling_on_sc=False)

    @functools.partial(
        pl.kernel,
        compiler_params=cp,
        out_type=jax.ShapeDtypeStruct((2, np_, DE), jnp.float32),
        mesh=mesh,
        scratch_types=[
            pltpu.VMEM((K, DE), jnp.float32),
            pltpu.VMEM((K, DE), jnp.float32),
            pltpu.VMEM((K, AT), jnp.float32),
            pltpu.VMEM((K, AT), jnp.float32),
            pltpu.VMEM((K, AT), jnp.float32),
            pltpu.VMEM((K, AT), jnp.float32),
            pltpu.VMEM((K * H,), jnp.float32),
            pltpu.VMEM((K,), jnp.int32),
            pltpu.VMEM((K,), jnp.int32),
            pltpu.VMEM((K,), jnp.int32),
            pltpu.VMEM((K,), jnp.int32),
            pltpu.VMEM((K,), jnp.int32),
            pltpu.VMEM((K,), jnp.int32),
            pltpu.VMEM((ZR, DE), jnp.float32),
            pltpu.VMEM_SHARED((np_, DE), jnp.float32),
            pltpu.SemaphoreType.DMA,
            pltpu.SemaphoreType.DMA,
            pltpu.SemaphoreType.DMA,
            pltpu.SemaphoreType.DMA,
            pltpu.SemaphoreType.DMA,
            pltpu.SemaphoreType.DMA,
            pltpu.SemaphoreType.DMA,
            pltpu.SemaphoreType.DMA,
            pltpu.SemaphoreType.DMA,
            pltpu.SemaphoreType.DMA,
            pltpu.SemaphoreType.DMA,
            pltpu.SemaphoreType.DMA,
        ],
    )
    def sc_gat(xle_hbm, atab_hbm, src_hbm, dst_hbm, out_hbm,
               rows0_v, rows1_v, asr0_v, asr1_v, adr0_v, adr1_v, ea_v,
               src0_v, src1_v, dst0_v, dst1_v, scd0_v, scd1_v, zbuf_v, acc_sh,
               sr0, sr1, sa0, sa1, sb0, sb1, ss0, ss1, sd0, sd1, sc0, sc1):
        rows_b = (rows0_v, rows1_v)
        asr_b = (asr0_v, asr1_v)
        adr_b = (adr0_v, adr1_v)
        src_b = (src0_v, src1_v)
        dst_b = (dst0_v, dst1_v)
        scd_b = (scd0_v, scd1_v)
        s_rows = (sr0, sr1)
        s_asr = (sa0, sa1)
        s_adr = (sb0, sb1)
        s_src = (ss0, ss1)
        s_dst = (sd0, sd1)
        s_sct = (sc0, sc1)
        c = lax.axis_index("c")
        s = lax.axis_index("s")
        wid = c * 16 + s
        iota16 = lax.iota(jnp.int32, 16)

        @pl.loop(0, ZR)
        def _(i):
            for j in range(DE // 16):
                zbuf_v[i, pl.ds(16 * j, 16)] = jnp.zeros((16,), jnp.float32)

        @pl.loop(0, rows_per_sub // ZR)
        def _(t):
            pltpu.sync_copy(zbuf_v, acc_sh.at[pl.ds(s * rows_per_sub + t * ZR, ZR)])

        plsc.subcore_barrier()

        def start_idx(chunk, b):
            base = wid * epw + chunk * K
            pltpu.async_copy(src_hbm.at[pl.ds(base, K)], src_b[b], s_src[b])
            pltpu.async_copy(dst_hbm.at[pl.ds(base, K)], dst_b[b], s_dst[b])

        def wait_idx(b):
            pltpu.make_async_copy(src_hbm.at[pl.ds(0, K)], src_b[b], s_src[b]).wait()
            pltpu.make_async_copy(dst_hbm.at[pl.ds(0, K)], dst_b[b], s_dst[b]).wait()

        def start_gather(b):
            pltpu.async_copy(xle_hbm.at[src_b[b]], rows_b[b], s_rows[b])
            pltpu.async_copy(atab_hbm.at[src_b[b]], asr_b[b], s_asr[b])
            pltpu.async_copy(atab_hbm.at[dst_b[b]], adr_b[b], s_adr[b])

        def wait_gather(b):
            pltpu.make_async_copy(xle_hbm.at[src_b[b]], rows_b[b], s_rows[b]).wait()
            pltpu.make_async_copy(atab_hbm.at[src_b[b]], asr_b[b], s_asr[b]).wait()
            pltpu.make_async_copy(atab_hbm.at[dst_b[b]], adr_b[b], s_adr[b]).wait()

        def start_scatter(b):
            pltpu.async_copy(rows_b[b], acc_sh.at[scd_b[b]], s_sct[b], add=True)

        def wait_scatter(b):
            pltpu.make_async_copy(rows_b[b], acc_sh.at[scd_b[b]], s_sct[b]).wait()

        @pl.loop(0, K)
        def _(r):
            for j in range(DE // 16):
                rows_b[1][r, pl.ds(16 * j, 16)] = jnp.zeros((16,), jnp.float32)

        @pl.loop(0, K // 16)
        def _(t):
            scd_b[1][pl.ds(16 * t, 16)] = jnp.zeros((16,), jnp.int32)

        start_scatter(1)

        base0 = wid * epw
        pltpu.sync_copy(src_hbm.at[pl.ds(base0, K)], src_b[0])
        pltpu.sync_copy(dst_hbm.at[pl.ds(base0, K)], dst_b[0])
        start_gather(0)
        start_idx(1, 1)

        @pl.loop(0, iters // 2)
        def _(g):
            for b in (0, 1):
                it = 2 * g + b
                o = 1 - b
                wait_idx(o)
                wait_scatter(o)
                start_gather(o)
                wait_gather(b)

                rv = rows_b[b]
                for gg in range(K // 16):
                    ev = iota16 + 16 * gg
                    for h in range(H):
                        a = (plsc.load_gather(asr_b[b], [ev, jnp.full((16,), h, jnp.int32)])
                             + plsc.load_gather(adr_b[b], [ev, jnp.full((16,), H + h, jnp.int32)]))
                        a = jnp.maximum(a, 0.2 * a)
                        plsc.store_scatter(ea_v, [ev * H + h], jnp.exp(a))

                @pl.loop(0, K, step=2)
                def _(e0):
                    for q in range(2):
                        e = e0 + q
                        eb = H * e
                        for h in range(H):
                            bb = plsc.load_gather(
                                ea_v, [jnp.full((16,), eb + h, jnp.int32)])
                            for jj in (2 * h, 2 * h + 1):
                                rv[e, pl.ds(16 * jj, 16)] = (
                                    rv[e, pl.ds(16 * jj, 16)] * bb)
                        bb = plsc.load_gather(ea_v, [eb + (iota16 & (H - 1))])
                        rv[e, pl.ds(F, 16)] = rv[e, pl.ds(F, 16)] * bb

                @pl.loop(0, K // 16)
                def _(t):
                    scd_b[b][pl.ds(16 * t, 16)] = dst_b[b][pl.ds(16 * t, 16)]

                start_scatter(b)
                start_idx(jnp.minimum(it + 2, iters - 1), b)

        wait_gather(0)
        wait_idx(1)
        wait_scatter(1)

        plsc.subcore_barrier()
        pltpu.sync_copy(acc_sh.at[pl.ds(s * rows_per_sub, rows_per_sub)],
                        out_hbm.at[c, pl.ds(s * rows_per_sub, rows_per_sub)])

    return sc_gat


def _build_fin(np_, bf):
    def body(p_ref, x_ref, b_ref, o_ref):
        sall = p_ref[0] + p_ref[1]
        acc = sall[:, :F]
        outs = []
        for h in range(H):
            ah = sall[:, F + h:F + h + 1]
            outs.append(acc[:, C * h:C * (h + 1)] / (ah + 1e-16))
        o = jnp.concatenate(outs, axis=1) + b_ref[...]
        o = jnp.where(o > 0, o, jnp.exp(o) - 1.0)
        o_ref[...] = o + x_ref[...]

    return pl.pallas_call(
        body,
        grid=(np_ // bf,),
        in_specs=[
            pl.BlockSpec((2, bf, DE), lambda i: (0, i, 0)),
            pl.BlockSpec((bf, F), lambda i: (i, 0)),
            pl.BlockSpec((1, F), lambda i: (0, 0)),
        ],
        out_specs=pl.BlockSpec((bf, F), lambda i: (i, 0)),
        out_shape=jax.ShapeDtypeStruct((np_, F), jnp.float32),
    )


def kernel(x, edge_index, W, att_src, att_dst, bias):
    n = x.shape[0]
    e = edge_index.shape[1]
    np_ = ((n + 1 + 1023) // 1024) * 1024
    etot = e + n
    epw = ((etot + NW * 2 * K - 1) // (NW * 2 * K)) * 2 * K
    ep = NW * epw

    ei = edge_index.astype(jnp.int32)
    loop = jnp.arange(n, dtype=jnp.int32)
    padi = jnp.full((ep - etot,), n, jnp.int32)
    src = jnp.concatenate([ei[0], loop, padi])
    dst = jnp.concatenate([ei[1], loop, padi])
    xp = jnp.zeros((np_, F), jnp.float32).at[:n, :].set(x)

    asr = att_src.reshape(H, C)
    adr = att_dst.reshape(H, C)
    eyeh = jnp.eye(H, dtype=jnp.float32)
    a16 = jnp.concatenate(
        [(asr[:, :, None] * eyeh[:, None, :]).reshape(H * C, H),
         (adr[:, :, None] * eyeh[:, None, :]).reshape(H * C, H),
         jnp.zeros((H * C, AT - 2 * H), jnp.float32)], axis=1)

    xle, atab = _build_prep(np_, 2048)(xp, W, a16)
    part = _build_sc(np_, epw)(xle, atab, src, dst)
    outp = _build_fin(np_, 1024)(part, xp, bias.reshape(1, F))
    return outp[:n]

# --- scband reference (transcript-rebuilt; emitter-appended) ---
"""Pipeline reference for scband-residual-gatlayer-88527865905436 (READ-ONLY COPY).

The authoritative reference and input builder live on the scoring server;
editing this copy changes nothing except your own understanding.
"""

import jax, jax.numpy as jnp
import numpy as np

N = 10000
E = 320000
F_IN = 128
H = 4
C = 32

def setup_inputs(seed: int = 0) -> dict:
    key = jax.random.key(seed)
    k1, k2, k3, k4, k5 = jax.random.split(key, 5)
    x = jax.random.normal(k1, (N, F_IN), dtype=jnp.float32)
    edge_index = jax.random.randint(k2, (2, E), 0, N, dtype=jnp.int64)
    W = jax.random.normal(k3, (F_IN, H * C), dtype=jnp.float32) * 0.05
    att_src = jax.random.normal(k4, (1, H, C), dtype=jnp.float32) * 0.05
    att_dst = jax.random.normal(k5, (1, H, C), dtype=jnp.float32) * 0.05
    bias = jnp.zeros((H * C,), dtype=jnp.float32)
    return {"x": x, "edge_index": edge_index, "W": W, "att_src": att_src, "att_dst": att_dst, "bias": bias}

def reference(x, edge_index, W, att_src, att_dst, bias):
    n = x.shape[0]
    # GATConv default add_self_loops=True
    loop = jnp.arange(n, dtype=edge_index.dtype)
    src = jnp.concatenate([edge_index[0], loop])
    dst = jnp.concatenate([edge_index[1], loop])
    xl = (x @ W).reshape(n, H, C)
    alpha_src = (xl * att_src).sum(-1)  # [N, H]
    alpha_dst = (xl * att_dst).sum(-1)  # [N, H]
    alpha = alpha_src[src] + alpha_dst[dst]  # [E+N, H]
    alpha = jax.nn.leaky_relu(alpha, 0.2)
    # softmax over incoming edges per dst node
    amax = jax.ops.segment_max(alpha, dst, num_segments=n)
    amax = jnp.where(jnp.isfinite(amax), amax, 0.0)
    amax = jax.lax.stop_gradient(amax)
    ealpha = jnp.exp(alpha - amax[dst])
    asum = jax.ops.segment_sum(ealpha, dst, num_segments=n)
    alpha_n = ealpha / (asum[dst] + 1e-16)
    # dropout on attention is identity in eval mode
    msg = xl[src] * alpha_n[..., None]  # [E+N, H, C]
    out = jax.ops.segment_sum(msg, dst, num_segments=n).reshape(n, H * C)
    out = out + bias
    out = jax.nn.elu(out)
    return out + x

if __name__ == "__main__":
    import jax
    _d = setup_inputs()
    print(jax.jit(kernel)(*tuple(_d.values())))

</pallas_src>

<mosaic_0001>
#map = affine_map<(d0, d1) -> (0, 0)>
#map1 = affine_map<(d0, d1) -> (0)>
#map2 = affine_map<(d0, d1) -> (0, 0, 0)>
module attributes {stable_mosaic.version = 14 : i64} {
  func.func @sc_gat(%arg0: i32, %arg1: i32, %arg2: memref<10240x144xf32, #tpu.memory_space<hbm>>, %arg3: memref<10240x16xf32, #tpu.memory_space<hbm>>, %arg4: memref<331776xi32, #tpu.memory_space<hbm>>, %arg5: memref<331776xi32, #tpu.memory_space<hbm>>, %arg6: memref<2x10240x144xf32, #tpu.memory_space<hbm>>, %arg7: memref<96x144xf32, #tpu.memory_space<vmem>>, %arg8: memref<96x144xf32, #tpu.memory_space<vmem>>, %arg9: memref<96x16xf32, #tpu.memory_space<vmem>>, %arg10: memref<96x16xf32, #tpu.memory_space<vmem>>, %arg11: memref<96x16xf32, #tpu.memory_space<vmem>>, %arg12: memref<96x16xf32, #tpu.memory_space<vmem>>, %arg13: memref<384xf32, #tpu.memory_space<vmem>>, %arg14: memref<96xi32, #tpu.memory_space<vmem>>, %arg15: memref<96xi32, #tpu.memory_space<vmem>>, %arg16: memref<96xi32, #tpu.memory_space<vmem>>, %arg17: memref<96xi32, #tpu.memory_space<vmem>>, %arg18: memref<96xi32, #tpu.memory_space<vmem>>, %arg19: memref<96xi32, #tpu.memory_space<vmem>>, %arg20: memref<16x144xf32, #tpu.memory_space<vmem>>, %arg21: memref<10240x144xf32, #tpu.memory_space<vmem_shared>>, %arg22: memref<!tpu.dma_semaphore, #tpu.memory_space<semaphore_mem>>, %arg23: memref<!tpu.dma_semaphore, #tpu.memory_space<semaphore_mem>>, %arg24: memref<!tpu.dma_semaphore, #tpu.memory_space<semaphore_mem>>, %arg25: memref<!tpu.dma_semaphore, #tpu.memory_space<semaphore_mem>>, %arg26: memref<!tpu.dma_semaphore, #tpu.memory_space<semaphore_mem>>, %arg27: memref<!tpu.dma_semaphore, #tpu.memory_space<semaphore_mem>>, %arg28: memref<!tpu.dma_semaphore, #tpu.memory_space<semaphore_mem>>, %arg29: memref<!tpu.dma_semaphore, #tpu.memory_space<semaphore_mem>>, %arg30: memref<!tpu.dma_semaphore, #tpu.memory_space<semaphore_mem>>, %arg31: memref<!tpu.dma_semaphore, #tpu.memory_space<semaphore_mem>>, %arg32: memref<!tpu.dma_semaphore, #tpu.memory_space<semaphore_mem>>, %arg33: memref<!tpu.dma_semaphore, #tpu.memory_space<semaphore_mem>>) attributes {dimension_semantics = [#tpu.dimension_semantics<core_parallel>, #tpu.dimension_semantics<subcore_parallel>], iteration_bounds = array<i64: 2, 16>, scalar_prefetch = 0 : i64, scratch_operands = 27 : i64, tpu.core_type = #tpu.core_type<sc_vector_subcore>, window_params = [{transform_indices = #map}, {transform_indices = #map}, {transform_indices = #map1}, {transform_indices = #map1}, {transform_indices = #map2}]} {
    %mul3A = arith.constant 16 : i32
    %mul3A_0 = arith.muli %arg0, %mul3A : i32
    %add3A = arith.addi %mul3A_0, %arg1 : i32
    %iota3A = tpu.iota {dimensions = array<i32: 0>} : vector<16xi32>
    %scan3A = arith.constant 0 : i32
    %scan3A_1 = arith.constant 16 : i32
    %scan3A_2 = arith.addi %scan3A, %scan3A_1 : i32
    %scan3A_3 = arith.constant 1 : i32
    scf.for %scan3A_70 = %scan3A to %scan3A_2 step %scan3A_3  : i32 {
      %mul3A_71 = arith.constant 1 : i32
      %mul3A_72 = arith.muli %scan3A_70, %mul3A_71 : i32
      %add3A_73 = arith.constant 0 : i32
      %add3A_74 = arith.addi %add3A_73, %mul3A_72 : i32
      %broadcast_in_dim3A = arith.constant 0.000000e+00 : f32
      %broadcast_in_dim3A_75 = vector.broadcast %broadcast_in_dim3A : f32 to vector<16xf32>
      %swap3A = arith.index_cast %add3A_74 : i32 to index
      %swap3A_76 = arith.constant 0 : index
      %swap3A_77 = tpu.vector_load %arg20[%swap3A, %swap3A_76] {strides = array<i32>} : memref<16x144xf32, #tpu.memory_space<vmem>>, vector<16xf32>,
      tpu.vector_store %arg20[%swap3A, %swap3A_76], %broadcast_in_dim3A_75 {strides = array<i32>} : memref<16x144xf32, #tpu.memory_space<vmem>>, vector<16xf32>,
      %broadcast_in_dim3A_78 = arith.constant 0.000000e+00 : f32
      %broadcast_in_dim3A_79 = vector.broadcast %broadcast_in_dim3A_78 : f32 to vector<16xf32>
      %swap3A_80 = arith.index_cast %add3A_74 : i32 to index
      %swap3A_81 = arith.constant 16 : index
      %swap3A_82 = tpu.vector_load %arg20[%swap3A_80, %swap3A_81] {strides = array<i32>} : memref<16x144xf32, #tpu.memory_space<vmem>>, vector<16xf32>,
      tpu.vector_store %arg20[%swap3A_80, %swap3A_81], %broadcast_in_dim3A_79 {strides = array<i32>} : memref<16x144xf32, #tpu.memory_space<vmem>>, vector<16xf32>,
      %broadcast_in_dim3A_83 = arith.constant 0.000000e+00 : f32
      %broadcast_in_dim3A_84 = vector.broadcast %broadcast_in_dim3A_83 : f32 to vector<16xf32>
      %swap3A_85 = arith.index_cast %add3A_74 : i32 to index
      %swap3A_86 = arith.constant 32 : index
      %swap3A_87 = tpu.vector_load %arg20[%swap3A_85, %swap3A_86] {strides = array<i32>} : memref<16x144xf32, #tpu.memory_space<vmem>>, vector<16xf32>,
      tpu.vector_store %arg20[%swap3A_85, %swap3A_86], %broadcast_in_dim3A_84 {strides = array<i32>} : memref<16x144xf32, #tpu.memory_space<vmem>>, vector<16xf32>,
      %broadcast_in_dim3A_88 = arith.constant 0.000000e+00 : f32
      %broadcast_in_dim3A_89 = vector.broadcast %broadcast_in_dim3A_88 : f32 to vector<16xf32>
      %swap3A_90 = arith.index_cast %add3A_74 : i32 to index
      %swap3A_91 = arith.constant 48 : index
      %swap3A_92 = tpu.vector_load %arg20[%swap3A_90, %swap3A_91] {strides = array<i32>} : memref<16x144xf32, #tpu.memory_space<vmem>>, vector<16xf32>,
      tpu.vector_store %arg20[%swap3A_90, %swap3A_91], %broadcast_in_dim3A_89 {strides = array<i32>} : memref<16x144xf32, #tpu.memory_space<vmem>>, vector<16xf32>,
      %broadcast_in_dim3A_93 = arith.constant 0.000000e+00 : f32
      %broadcast_in_dim3A_94 = vector.broadcast %broadcast_in_dim3A_93 : f32 to vector<16xf32>
      %swap3A_95 = arith.index_cast %add3A_74 : i32 to index
      %swap3A_96 = arith.constant 64 : index
      %swap3A_97 = tpu.vector_load %arg20[%swap3A_95, %swap3A_96] {strides = array<i32>} : memref<16x144xf32, #tpu.memory_space<vmem>>, vector<16xf32>,
      tpu.vector_store %arg20[%swap3A_95, %swap3A_96], %broadcast_in_dim3A_94 {strides = array<i32>} : memref<16x144xf32, #tpu.memory_space<vmem>>, vector<16xf32>,
      %broadcast_in_dim3A_98 = arith.constant 0.000000e+00 : f32
      %broadcast_in_dim3A_99 = vector.broadcast %broadcast_in_dim3A_98 : f32 to vector<16xf32>
      %swap3A_100 = arith.index_cast %add3A_74 : i32 to index
      %swap3A_101 = arith.constant 80 : index
      %swap3A_102 = tpu.vector_load %arg20[%swap3A_100, %swap3A_101] {strides = array<i32>} : memref<16x144xf32, #tpu.memory_space<vmem>>, vector<16xf32>,
      tpu.vector_store %arg20[%swap3A_100, %swap3A_101], %broadcast_in_dim3A_99 {strides = array<i32>} : memref<16x144xf32, #tpu.memory_space<vmem>>, vector<16xf32>,
      %broadcast_in_dim3A_103 = arith.constant 0.000000e+00 : f32
      %broadcast_in_dim3A_104 = vector.broadcast %broadcast_in_dim3A_103 : f32 to vector<16xf32>
      %swap3A_105 = arith.index_cast %add3A_74 : i32 to index
      %swap3A_106 = arith.constant 96 : index
      %swap3A_107 = tpu.vector_load %arg20[%swap3A_105, %swap3A_106] {strides = array<i32>} : memref<16x144xf32, #tpu.memory_space<vmem>>, vector<16xf32>,
      tpu.vector_store %arg20[%swap3A_105, %swap3A_106], %broadcast_in_dim3A_104 {strides = array<i32>} : memref<16x144xf32, #tpu.memory_space<vmem>>, vector<16xf32>,
      %broadcast_in_dim3A_108 = arith.constant 0.000000e+00 : f32
      %broadcast_in_dim3A_109 = vector.broadcast %broadcast_in_dim3A_108 : f32 to vector<16xf32>
      %swap3A_110 = arith.index_cast %add3A_74 : i32 to index
      %swap3A_111 = arith.constant 112 : index
      %swap3A_112 = tpu.vector_load %arg20[%swap3A_110, %swap3A_111] {strides = array<i32>} : memref<16x144xf32, #tpu.memory_space<vmem>>, vector<16xf32>,
      tpu.vector_store %arg20[%swap3A_110, %swap3A_111], %broadcast_in_dim3A_109 {strides = array<i32>} : memref<16x144xf32, #tpu.memory_space<vmem>>, vector<16xf32>,
      %broadcast_in_dim3A_113 = arith.constant 0.000000e+00 : f32
      %broadcast_in_dim3A_114 = vector.broadcast %broadcast_in_dim3A_113 : f32 to vector<16xf32>
      %swap3A_115 = arith.index_cast %add3A_74 : i32 to index
      %swap3A_116 = arith.constant 128 : index
      %swap3A_117 = tpu.vector_load %arg20[%swap3A_115, %swap3A_116] {strides = array<i32>} : memref<16x144xf32, #tpu.memory_space<vmem>>, vector<16xf32>,
      tpu.vector_store %arg20[%swap3A_115, %swap3A_116], %broadcast_in_dim3A_114 {strides = array<i32>} : memref<16x144xf32, #tpu.memory_space<vmem>>, vector<16xf32>,
    }
    %scan3A_4 = arith.constant 16 : i32
    %scan3A_5 = arith.constant 0 : i32
    %scan3A_6 = arith.constant 40 : i32
    %scan3A_7 = arith.addi %scan3A_5, %scan3A_6 : i32
    %scan3A_8 = arith.constant 1 : i32
    scf.for %scan3A_70 = %scan3A_5 to %scan3A_7 step %scan3A_8  : i32 {
      %mul3A_71 = arith.constant 1 : i32
      %mul3A_72 = arith.muli %scan3A_70, %mul3A_71 : i32
      %add3A_73 = arith.constant 0 : i32
      %add3A_74 = arith.addi %add3A_73, %mul3A_72 : i32
      %mul3A_75 = arith.constant 640 : i32
      %mul3A_76 = arith.muli %arg1, %mul3A_75 : i32
      %mul3A_77 = arith.constant 16 : i32
      %mul3A_78 = arith.muli %add3A_74, %mul3A_77 : i32
      %add3A_79 = arith.addi %mul3A_76, %mul3A_78 : i32
      "tpu.region"() ({
        %run_scoped3A = tpu.sem_alloc : memref<!tpu.dma_semaphore, #tpu.memory_space<semaphore_mem>>
        %dma_start3A_80 = arith.constant 0 : i32
        %dma_start3A_81 = tpu.memref_slice %arg21[%add3A_79, %dma_start3A_80] : memref<10240x144xf32, #tpu.memory_space<vmem_shared>> -> memref<16x144xf32, #tpu.memory_space<vmem_shared>>
        %dma_start3A_82 = arith.constant 0 : i32
        %dma_start3A_83 = tpu.memref_slice %arg21[%add3A_79, %dma_start3A_82] : memref<10240x144xf32, #tpu.memory_space<vmem_shared>> -> memref<16x144xf32, #tpu.memory_space<vmem_shared>>
        tpu.enqueue_dma source(%arg20 : memref<16x144xf32, #tpu.memory_space<vmem>>) target(%dma_start3A_83 : memref<16x144xf32, #tpu.memory_space<vmem_shared>>) target_semaphore(%run_scoped3A : memref<!tpu.dma_semaphore, #tpu.memory_space<semaphore_mem>>)
        %dma_wait3A_84 = arith.constant 0 : i32
        %dma_wait3A_85 = tpu.memref_slice %arg21[%add3A_79, %dma_wait3A_84] : memref<10240x144xf32, #tpu.memory_space<vmem_shared>> -> memref<16x144xf32, #tpu.memory_space<vmem_shared>>
        %dma_wait3A_86 = arith.constant 0 : i32
        %dma_wait3A_87 = tpu.memref_slice %arg21[%add3A_79, %dma_wait3A_86] : memref<10240x144xf32, #tpu.memory_space<vmem_shared>> -> memref<16x144xf32, #tpu.memory_space<vmem_shared>>
        tpu.wait_dma2 semaphore(%run_scoped3A : memref<!tpu.dma_semaphore, #tpu.memory_space<semaphore_mem>>) src(%arg20 : memref<16x144xf32, #tpu.memory_space<vmem>>) dst(%dma_wait3A_87 : memref<16x144xf32, #tpu.memory_space<vmem_shared>>)
        tpu.yield
      }) : () -> ()
    }
    %scan3A_9 = arith.constant 40 : i32
    %barrier3A = arith.constant 0 : index
    tpu.barrier barrier_id(%barrier3A)
    %scan3A_10 = arith.constant 0 : i32
    %scan3A_11 = arith.constant 96 : i32
    %scan3A_12 = arith.addi %scan3A_10, %scan3A_11 : i32
    %scan3A_13 = arith.constant 1 : i32
    scf.for %scan3A_70 = %scan3A_10 to %scan3A_12 step %scan3A_13  : i32 {
      %mul3A_71 = arith.constant 1 : i32
      %mul3A_72 = arith.muli %scan3A_70, %mul3A_71 : i32
      %add3A_73 = arith.constant 0 : i32
      %add3A_74 = arith.addi %add3A_73, %mul3A_72 : i32
      %broadcast_in_dim3A = arith.constant 0.000000e+00 : f32
      %broadcast_in_dim3A_75 = vector.broadcast %broadcast_in_dim3A : f32 to vector<16xf32>
      %swap3A = arith.index_cast %add3A_74 : i32 to index
      %swap3A_76 = arith.constant 0 : index
      %swap3A_77 = tpu.vector_load %arg8[%swap3A, %swap3A_76] {strides = array<i32>} : memref<96x144xf32, #tpu.memory_space<vmem>>, vector<16xf32>,
      tpu.vector_store %arg8[%swap3A, %swap3A_76], %broadcast_in_dim3A_75 {strides = array<i32>} : memref<96x144xf32, #tpu.memory_space<vmem>>, vector<16xf32>,
      %broadcast_in_dim3A_78 = arith.constant 0.000000e+00 : f32
      %broadcast_in_dim3A_79 = vector.broadcast %broadcast_in_dim3A_78 : f32 to vector<16xf32>
      %swap3A_80 = arith.index_cast %add3A_74 : i32 to index
      %swap3A_81 = arith.constant 16 : index
      %swap3A_82 = tpu.vector_load %arg8[%swap3A_80, %swap3A_81] {strides = array<i32>} : memref<96x144xf32, #tpu.memory_space<vmem>>, vector<16xf32>,
      tpu.vector_store %arg8[%swap3A_80, %swap3A_81], %broadcast_in_dim3A_79 {strides = array<i32>} : memref<96x144xf32, #tpu.memory_space<vmem>>, vector<16xf32>,
      %broadcast_in_dim3A_83 = arith.constant 0.000000e+00 : f32
      %broadcast_in_dim3A_84 = vector.broadcast %broadcast_in_dim3A_83 : f32 to vector<16xf32>
      %swap3A_85 = arith.index_cast %add3A_74 : i32 to index
      %swap3A_86 = arith.constant 32 : index
      %swap3A_87 = tpu.vector_load %arg8[%swap3A_85, %swap3A_86] {strides = array<i32>} : memref<96x144xf32, #tpu.memory_space<vmem>>, vector<16xf32>,
      tpu.vector_store %arg8[%swap3A_85, %swap3A_86], %broadcast_in_dim3A_84 {strides = array<i32>} : memref<96x144xf32, #tpu.memory_space<vmem>>, vector<16xf32>,
      %broadcast_in_dim3A_88 = arith.constant 0.000000e+00 : f32
      %broadcast_in_dim3A_89 = vector.broadcast %broadcast_in_dim3A_88 : f32 to vector<16xf32>
      %swap3A_90 = arith.index_cast %add3A_74 : i32 to index
      %swap3A_91 = arith.constant 48 : index
      %swap3A_92 = tpu.vector_load %arg8[%swap3A_90, %swap3A_91] {strides = array<i32>} : memref<96x144xf32, #tpu.memory_space<vmem>>, vector<16xf32>,
      tpu.vector_store %arg8[%swap3A_90, %swap3A_91], %broadcast_in_dim3A_89 {strides = array<i32>} : memref<96x144xf32, #tpu.memory_space<vmem>>, vector<16xf32>,
      %broadcast_in_dim3A_93 = arith.constant 0.000000e+00 : f32
      %broadcast_in_dim3A_94 = vector.broadcast %broadcast_in_dim3A_93 : f32 to vector<16xf32>
      %swap3A_95 = arith.index_cast %add3A_74 : i32 to index
      %swap3A_96 = arith.constant 64 : index
      %swap3A_97 = tpu.vector_load %arg8[%swap3A_95, %swap3A_96] {strides = array<i32>} : memref<96x144xf32, #tpu.memory_space<vmem>>, vector<16xf32>,
      tpu.vector_store %arg8[%swap3A_95, %swap3A_96], %broadcast_in_dim3A_94 {strides = array<i32>} : memref<96x144xf32, #tpu.memory_space<vmem>>, vector<16xf32>,
      %broadcast_in_dim3A_98 = arith.constant 0.000000e+00 : f32
      %broadcast_in_dim3A_99 = vector.broadcast %broadcast_in_dim3A_98 : f32 to vector<16xf32>
      %swap3A_100 = arith.index_cast %add3A_74 : i32 to index
      %swap3A_101 = arith.constant 80 : index
      %swap3A_102 = tpu.vector_load %arg8[%swap3A_100, %swap3A_101] {strides = array<i32>} : memref<96x144xf32, #tpu.memory_space<vmem>>, vector<16xf32>,
      tpu.vector_store %arg8[%swap3A_100, %swap3A_101], %broadcast_in_dim3A_99 {strides = array<i32>} : memref<96x144xf32, #tpu.memory_space<vmem>>, vector<16xf32>,
      %broadcast_in_dim3A_103 = arith.constant 0.000000e+00 : f32
      %broadcast_in_dim3A_104 = vector.broadcast %broadcast_in_dim3A_103 : f32 to vector<16xf32>
      %swap3A_105 = arith.index_cast %add3A_74 : i32 to index
      %swap3A_106 = arith.constant 96 : index
      %swap3A_107 = tpu.vector_load %arg8[%swap3A_105, %swap3A_106] {strides = array<i32>} : memref<96x144xf32, #tpu.memory_space<vmem>>, vector<16xf32>,
      tpu.vector_store %arg8[%swap3A_105, %swap3A_106], %broadcast_in_dim3A_104 {strides = array<i32>} : memref<96x144xf32, #tpu.memory_space<vmem>>, vector<16xf32>,
      %broadcast_in_dim3A_108 = arith.constant 0.000000e+00 : f32
      %broadcast_in_dim3A_109 = vector.broadcast %broadcast_in_dim3A_108 : f32 to vector<16xf32>
      %swap3A_110 = arith.index_cast %add3A_74 : i32 to index
      %swap3A_111 = arith.constant 112 : index
      %swap3A_112 = tpu.vector_load %arg8[%swap3A_110, %swap3A_111] {strides = array<i32>} : memref<96x144xf32, #tpu.memory_space<vmem>>, vector<16xf32>,
      tpu.vector_store %arg8[%swap3A_110, %swap3A_111], %broadcast_in_dim3A_109 {strides = array<i32>} : memref<96x144xf32, #tpu.memory_space<vmem>>, vector<16xf32>,
      %broadcast_in_dim3A_113 = arith.constant 0.000000e+00 : f32
      %broadcast_in_dim3A_114 = vector.broadcast %broadcast_in_dim3A_113 : f32 to vector<16xf32>
      %swap3A_115 = arith.index_cast %add3A_74 : i32 to index
      %swap3A_116 = arith.constant 128 : index
      %swap3A_117 = tpu.vector_load %arg8[%swap3A_115, %swap3A_116] {strides = array<i32>} : memref<96x144xf32, #tpu.memory_space<vmem>>, vector<16xf32>,
      tpu.vector_store %arg8[%swap3A_115, %swap3A_116], %broadcast_in_dim3A_114 {strides = array<i32>} : memref<96x144xf32, #tpu.memory_space<vmem>>, vector<16xf32>,
    }
    %scan3A_14 = arith.constant 96 : i32
    %scan3A_15 = arith.constant 0 : i32
    %scan3A_16 = arith.constant 6 : i32
    %scan3A_17 = arith.addi %scan3A_15, %scan3A_16 : i32
    %scan3A_18 = arith.constant 1 : i32
    scf.for %scan3A_70 = %scan3A_15 to %scan3A_17 step %scan3A_18  : i32 {
      %mul3A_71 = arith.constant 1 : i32
      %mul3A_72 = arith.muli %scan3A_70, %mul3A_71 : i32
      %add3A_73 = arith.constant 0 : i32
      %add3A_74 = arith.addi %add3A_73, %mul3A_72 : i32
      %broadcast_in_dim3A = arith.constant 0 : i32
      %broadcast_in_dim3A_75 = vector.broadcast %broadcast_in_dim3A : i32 to vector<16xi32>
      %mul3A_76 = arith.constant 16 : i32
      %mul3A_77 = arith.muli %mul3A_76, %add3A_74 : i32
      %swap3A = arith.index_cast %mul3A_77 : i32 to index
      %swap3A_78 = tpu.vector_load %arg19[%swap3A] {strides = array<i32>} : memref<96xi32, #tpu.memory_space<vmem>>, vector<16xi32>,
      tpu.vector_store %arg19[%swap3A], %broadcast_in_dim3A_75 {strides = array<i32>} : memref<96xi32, #tpu.memory_space<vmem>>, vector<16xi32>,
    }
    %scan3A_19 = arith.constant 6 : i32
    %dma_start3A = arith.constant 0 : i32
    %dma_start3A_20 = arith.constant 0 : i32
    %dma_start3A_21 = tpu.memref_slice %arg21[%dma_start3A, %dma_start3A_20] : memref<10240x144xf32, #tpu.memory_space<vmem_shared>> -> memref<10240x144xf32, #tpu.memory_space<vmem_shared>>
    tpu.enqueue_indirect_dma source(%arg8 : memref<96x144xf32, #tpu.memory_space<vmem>>) target(%dma_start3A_21 : memref<10240x144xf32, #tpu.memory_space<vmem_shared>>) offsets(%arg19 : memref<96xi32, #tpu.memory_space<vmem>>) semaphore(%arg33 : memref<!tpu.dma_semaphore, #tpu.memory_space<semaphore_mem>>) {add = true}
    %mul3A_22 = arith.constant 10368 : i32
    %mul3A_23 = arith.muli %add3A, %mul3A_22 : i32
    "tpu.region"() ({
      %run_scoped3A = tpu.sem_alloc : memref<!tpu.dma_semaphore, #tpu.memory_space<semaphore_mem>>
      %dma_start3A_70 = tpu.memref_slice %arg4[%mul3A_23] : memref<331776xi32, #tpu.memory_space<hbm>> -> memref<96xi32, #tpu.memory_space<hbm>>
      %dma_start3A_71 = tpu.memref_slice %arg4[%mul3A_23] : memref<331776xi32, #tpu.memory_space<hbm>> -> memref<96xi32, #tpu.memory_space<hbm>>
      tpu.enqueue_dma source(%dma_start3A_71 : memref<96xi32, #tpu.memory_space<hbm>>) target(%arg14 : memref<96xi32, #tpu.memory_space<vmem>>) target_semaphore(%run_scoped3A : memref<!tpu.dma_semaphore, #tpu.memory_space<semaphore_mem>>)
      %dma_wait3A_72 = tpu.memref_slice %arg4[%mul3A_23] : memref<331776xi32, #tpu.memory_space<hbm>> -> memref<96xi32, #tpu.memory_space<hbm>>
      %dma_wait3A_73 = tpu.memref_slice %arg4[%mul3A_23] : memref<331776xi32, #tpu.memory_space<hbm>> -> memref<96xi32, #tpu.memory_space<hbm>>
      tpu.wait_dma2 semaphore(%run_scoped3A : memref<!tpu.dma_semaphore, #tpu.memory_space<semaphore_mem>>) src(%dma_wait3A_73 : memref<96xi32, #tpu.memory_space<hbm>>) dst(%arg14 : memref<96xi32, #tpu.memory_space<vmem>>)
      tpu.yield
    }) : () -> ()
    "tpu.region"() ({
      %run_scoped3A = tpu.sem_alloc : memref<!tpu.dma_semaphore, #tpu.memory_space<semaphore_mem>>
      %dma_start3A_70 = tpu.memref_slice %arg5[%mul3A_23] : memref<331776xi32, #tpu.memory_space<hbm>> -> memref<96xi32, #tpu.memory_space<hbm>>
      %dma_start3A_71 = tpu.memref_slice %arg5[%mul3A_23] : memref<331776xi32, #tpu.memory_space<hbm>> -> memref<96xi32, #tpu.memory_space<hbm>>
      tpu.enqueue_dma source(%dma_start3A_71 : memref<96xi32, #tpu.memory_space<hbm>>) target(%arg16 : memref<96xi32, #tpu.memory_space<vmem>>) target_semaphore(%run_scoped3A : memref<!tpu.dma_semaphore, #tpu.memory_space<semaphore_mem>>)
      %dma_wait3A_72 = tpu.memref_slice %arg5[%mul3A_23] : memref<331776xi32, #tpu.memory_space<hbm>> -> memref<96xi32, #tpu.memory_space<hbm>>
      %dma_wait3A_73 = tpu.memref_slice %arg5[%mul3A_23] : memref<331776xi32, #tpu.memory_space<hbm>> -> memref<96xi32, #tpu.memory_space<hbm>>
      tpu.wait_dma2 semaphore(%run_scoped3A : memref<!tpu.dma_semaphore, #tpu.memory_space<semaphore_mem>>) src(%dma_wait3A_73 : memref<96xi32, #tpu.memory_space<hbm>>) dst(%arg16 : memref<96xi32, #tpu.memory_space<vmem>>)
      tpu.yield
    }) : () -> ()
    %dma_start3A_24 = arith.constant 0 : i32
    %dma_start3A_25 = arith.constant 0 : i32
    %dma_start3A_26 = tpu.memref_slice %arg2[%dma_start3A_24, %dma_start3A_25] : memref<10240x144xf32, #tpu.memory_space<hbm>> -> memref<10240x144xf32, #tpu.memory_space<hbm>>
    tpu.enqueue_indirect_dma source(%dma_start3A_26 : memref<10240x144xf32, #tpu.memory_space<hbm>>) target(%arg7 : memref<96x144xf32, #tpu.memory_space<vmem>>) offsets(%arg14 : memref<96xi32, #tpu.memory_space<vmem>>) semaphore(%arg22 : memref<!tpu.dma_semaphore, #tpu.memory_space<semaphore_mem>>)
    %dma_start3A_27 = arith.constant 0 : i32
    %dma_start3A_28 = arith.constant 0 : i32
    %dma_start3A_29 = tpu.memref_slice %arg3[%dma_start3A_27, %dma_start3A_28] : memref<10240x16xf32, #tpu.memory_space<hbm>> -> memref<10240x16xf32, #tpu.memory_space<hbm>>
    tpu.enqueue_indirect_dma source(%dma_start3A_29 : memref<10240x16xf32, #tpu.memory_space<hbm>>) target(%arg9 : memref<96x16xf32, #tpu.memory_space<vmem>>) offsets(%arg14 : memref<96xi32, #tpu.memory_space<vmem>>) semaphore(%arg24 : memref<!tpu.dma_semaphore, #tpu.memory_space<semaphore_mem>>)
    %dma_start3A_30 = arith.constant 0 : i32
    %dma_start3A_31 = arith.constant 0 : i32
    %dma_start3A_32 = tpu.memref_slice %arg3[%dma_start3A_30, %dma_start3A_31] : memref<10240x16xf32, #tpu.memory_space<hbm>> -> memref<10240x16xf32, #tpu.memory_space<hbm>>
    tpu.enqueue_indirect_dma source(%dma_start3A_32 : memref<10240x16xf32, #tpu.memory_space<hbm>>) target(%arg11 : memref<96x16xf32, #tpu.memory_space<vmem>>) offsets(%arg16 : memref<96xi32, #tpu.memory_space<vmem>>) semaphore(%arg26 : memref<!tpu.dma_semaphore, #tpu.memory_space<semaphore_mem>>)
    %mul3A_33 = arith.constant 10368 : i32
    %mul3A_34 = arith.muli %add3A, %mul3A_33 : i32
    %add3A_35 = arith.constant 96 : i32
    %add3A_36 = arith.addi %mul3A_34, %add3A_35 : i32
    %dma_start3A_37 = tpu.memref_slice %arg4[%add3A_36] : memref<331776xi32, #tpu.memory_space<hbm>> -> memref<96xi32, #tpu.memory_space<hbm>>
    %dma_start3A_38 = tpu.memref_slice %arg4[%add3A_36] : memref<331776xi32, #tpu.memory_space<hbm>> -> memref<96xi32, #tpu.memory_space<hbm>>
    tpu.enqueue_dma source(%dma_start3A_38 : memref<96xi32, #tpu.memory_space<hbm>>) target(%arg15 : memref<96xi32, #tpu.memory_space<vmem>>) target_semaphore(%arg29 : memref<!tpu.dma_semaphore, #tpu.memory_space<semaphore_mem>>)
    %dma_start3A_39 = tpu.memref_slice %arg5[%add3A_36] : memref<331776xi32, #tpu.memory_space<hbm>> -> memref<96xi32, #tpu.memory_space<hbm>>
    %dma_start3A_40 = tpu.memref_slice %arg5[%add3A_36] : memref<331776xi32, #tpu.memory_space<hbm>> -> memref<96xi32, #tpu.memory_space<hbm>>
    tpu.enqueue_dma source(%dma_start3A_40 : memref<96xi32, #tpu.memory_space<hbm>>) target(%arg17 : memref<96xi32, #tpu.memory_space<vmem>>) target_semaphore(%arg31 : memref<!tpu.dma_semaphore, #tpu.memory_space<semaphore_mem>>)
    %scan3A_41 = arith.constant 0 : i32
    %scan3A_42 = arith.constant 54 : i32
    %scan3A_43 = arith.addi %scan3A_41, %scan3A_42 : i32
    %scan3A_44 = arith.constant 1 : i32
    scf.for %scan3A_70 = %scan3A_41 to %scan3A_43 step %scan3A_44  : i32 {
      %mul3A_71 = arith.constant 1 : i32
      %mul3A_72 = arith.muli %scan3A_70, %mul3A_71 : i32
      %add3A_73 = arith.constant 0 : i32
      %add3A_74 = arith.addi %add3A_73, %mul3A_72 : i32
      %mul3A_75 = arith.constant 2 : i32
      %mul3A_76 = arith.muli %mul3A_75, %add3A_74 : i32
      %add3A_77 = arith.constant 0 : i32
      %add3A_78 = arith.addi %mul3A_76, %add3A_77 : i32
      %dma_wait3A_79 = arith.constant 0 : i32
      %dma_wait3A_80 = tpu.memref_slice %arg4[%dma_wait3A_79] : memref<331776xi32, #tpu.memory_space<hbm>> -> memref<96xi32, #tpu.memory_space<hbm>>
      %dma_wait3A_81 = arith.constant 0 : i32
      %dma_wait3A_82 = tpu.memref_slice %arg4[%dma_wait3A_81] : memref<331776xi32, #tpu.memory_space<hbm>> -> memref<96xi32, #tpu.memory_space<hbm>>
      tpu.wait_dma2 semaphore(%arg29 : memref<!tpu.dma_semaphore, #tpu.memory_space<semaphore_mem>>) src(%dma_wait3A_82 : memref<96xi32, #tpu.memory_space<hbm>>) dst(%arg15 : memref<96xi32, #tpu.memory_space<vmem>>)
      %dma_wait3A_83 = arith.constant 0 : i32
      %dma_wait3A_84 = tpu.memref_slice %arg5[%dma_wait3A_83] : memref<331776xi32, #tpu.memory_space<hbm>> -> memref<96xi32, #tpu.memory_space<hbm>>
      %dma_wait3A_85 = arith.constant 0 : i32
      %dma_wait3A_86 = tpu.memref_slice %arg5[%dma_wait3A_85] : memref<331776xi32, #tpu.memory_space<hbm>> -> memref<96xi32, #tpu.memory_space<hbm>>
      tpu.wait_dma2 semaphore(%arg31 : memref<!tpu.dma_semaphore, #tpu.memory_space<semaphore_mem>>) src(%dma_wait3A_86 : memref<96xi32, #tpu.memory_space<hbm>>) dst(%arg17 : memref<96xi32, #tpu.memory_space<vmem>>)
      %dma_wait3A_87 = arith.constant 0 : i32
      %dma_wait3A_88 = arith.constant 0 : i32
      %dma_wait3A_89 = tpu.memref_slice %arg21[%dma_wait3A_87, %dma_wait3A_88] : memref<10240x144xf32, #tpu.memory_space<vmem_shared>> -> memref<10240x144xf32, #tpu.memory_space<vmem_shared>>
      tpu.wait_indirect_dma semaphore(%arg33 : memref<!tpu.dma_semaphore, #tpu.memory_space<semaphore_mem>>) src(%arg8 : memref<96x144xf32, #tpu.memory_space<vmem>>) dst(%dma_wait3A_89 : memref<10240x144xf32, #tpu.memory_space<vmem_shared>>)
      %dma_start3A_90 = arith.constant 0 : i32
      %dma_start3A_91 = arith.constant 0 : i32
      %dma_start3A_92 = tpu.memref_slice %arg2[%dma_start3A_90, %dma_start3A_91] : memref<10240x144xf32, #tpu.memory_space<hbm>> -> memref<10240x144xf32, #tpu.memory_space<hbm>>
      tpu.enqueue_indirect_dma source(%dma_start3A_92 : memref<10240x144xf32, #tpu.memory_space<hbm>>) target(%arg8 : memref<96x144xf32, #tpu.memory_space<vmem>>) offsets(%arg15 : memref<96xi32, #tpu.memory_space<vmem>>) semaphore(%arg23 : memref<!tpu.dma_semaphore, #tpu.memory_space<semaphore_mem>>)
      %dma_start3A_93 = arith.constant 0 : i32
      %dma_start3A_94 = arith.constant 0 : i32
      %dma_start3A_95 = tpu.memref_slice %arg3[%dma_start3A_93, %dma_start3A_94] : memref<10240x16xf32, #tpu.memory_space<hbm>> -> memref<10240x16xf32, #tpu.memory_space<hbm>>
      tpu.enqueue_indirect_dma source(%dma_start3A_95 : memref<10240x16xf32, #tpu.memory_space<hbm>>) target(%arg10 : memref<96x16xf32, #tpu.memory_space<vmem>>) offsets(%arg15 : memref<96xi32, #tpu.memory_space<vmem>>) semaphore(%arg25 : memref<!tpu.dma_semaphore, #tpu.memory_space<semaphore_mem>>)
      %dma_start3A_96 = arith.constant 0 : i32
      %dma_start3A_97 = arith.constant 0 : i32
      %dma_start3A_98 = tpu.memref_slice %arg3[%dma_start3A_96, %dma_start3A_97] : memref<10240x16xf32, #tpu.memory_space<hbm>> -> memref<10240x16xf32, #tpu.memory_space<hbm>>
      tpu.enqueue_indirect_dma source(%dma_start3A_98 : memref<10240x16xf32, #tpu.memory_space<hbm>>) target(%arg12 : memref<96x16xf32, #tpu.memory_space<vmem>>) offsets(%arg17 : memref<96xi32, #tpu.memory_space<vmem>>) semaphore(%arg27 : memref<!tpu.dma_semaphore, #tpu.memory_space<semaphore_mem>>)
      %dma_wait3A_99 = arith.constant 0 : i32
      %dma_wait3A_100 = arith.constant 0 : i32
      %dma_wait3A_101 = tpu.memref_slice %arg2[%dma_wait3A_99, %dma_wait3A_100] : memref<10240x144xf32, #tpu.memory_space<hbm>> -> memref<10240x144xf32, #tpu.memory_space<hbm>>
      tpu.wait_indirect_dma semaphore(%arg22 : memref<!tpu.dma_semaphore, #tpu.memory_space<semaphore_mem>>) src(%dma_wait3A_101 : memref<10240x144xf32, #tpu.memory_space<hbm>>) dst(%arg7 : memref<96x144xf32, #tpu.memory_space<vmem>>)
      %dma_wait3A_102 = arith.constant 0 : i32
      %dma_wait3A_103 = arith.constant 0 : i32
      %dma_wait3A_104 = tpu.memref_slice %arg3[%dma_wait3A_102, %dma_wait3A_103] : memref<10240x16xf32, #tpu.memory_space<hbm>> -> memref<10240x16xf32, #tpu.memory_space<hbm>>
      tpu.wait_indirect_dma semaphore(%arg24 : memref<!tpu.dma_semaphore, #tpu.memory_space<semaphore_mem>>) src(%dma_wait3A_104 : memref<10240x16xf32, #tpu.memory_space<hbm>>) dst(%arg9 : memref<96x16xf32, #tpu.memory_space<vmem>>)
      %dma_wait3A_105 = arith.constant 0 : i32
      %dma_wait3A_106 = arith.constant 0 : i32
      %dma_wait3A_107 = tpu.memref_slice %arg3[%dma_wait3A_105, %dma_wait3A_106] : memref<10240x16xf32, #tpu.memory_space<hbm>> -> memref<10240x16xf32, #tpu.memory_space<hbm>>
      tpu.wait_indirect_dma semaphore(%arg26 : memref<!tpu.dma_semaphore, #tpu.memory_space<semaphore_mem>>) src(%dma_wait3A_107 : memref<10240x16xf32, #tpu.memory_space<hbm>>) dst(%arg11 : memref<96x16xf32, #tpu.memory_space<vmem>>)
      %add3A_108 = arith.constant 0 : i32
      %add3A_109 = vector.broadcast %add3A_108 : i32 to vector<16xi32>
      %add3A_110 = arith.addi %iota3A, %add3A_109 : vector<16xi32>
      %broadcast_in_dim3A = arith.constant 0 : i32
      %broadcast_in_dim3A_111 = vector.broadcast %broadcast_in_dim3A : i32 to vector<16xi32>
      %gather3A = tpu.vector_load_idx %arg9[%add3A_110, %broadcast_in_dim3A_111] : memref<96x16xf32, #tpu.memory_space<vmem>>[vector<16xi32>, vector<16xi32>], vector<16xf32>,
      %broadcast_in_dim3A_112 = arith.constant 4 : i32
      %broadcast_in_dim3A_113 = vector.broadcast %broadcast_in_dim3A_112 : i32 to vector<16xi32>
      %gather3A_114 = tpu.vector_load_idx %arg11[%add3A_110, %broadcast_in_dim3A_113] : memref<96x16xf32, #tpu.memory_space<vmem>>[vector<16xi32>, vector<16xi32>], vector<16xf32>,
      %add3A_115 = arith.addf %gather3A, %gather3A_114 : vector<16xf32>
      %mul3A_116 = arith.constant 2.000000e-01 : f32
      %mul3A_117 = vector.broadcast %mul3A_116 : f32 to vector<16xf32>
      %mul3A_118 = arith.mulf %mul3A_117, %add3A_115 : vector<16xf32>
      %max3A = arith.maximumf %add3A_115, %mul3A_118 : vector<16xf32>
      %mul3A_119 = arith.constant 4 : i32
      %mul3A_120 = vector.broadcast %mul3A_119 : i32 to vector<16xi32>
      %mul3A_121 = arith.muli %add3A_110, %mul3A_120 : vector<16xi32>
      %add3A_122 = arith.constant 0 : i32
      %add3A_123 = vector.broadcast %add3A_122 : i32 to vector<16xi32>
      %add3A_124 = arith.addi %mul3A_121, %add3A_123 : vector<16xi32>
      %exp3A = math.exp %max3A : vector<16xf32>
      tpu.vector_store_idx %arg13[%add3A_124], %exp3A : memref<384xf32, #tpu.memory_space<vmem>>[vector<16xi32>], vector<16xf32>,
      %broadcast_in_dim3A_125 = arith.constant 1 : i32
      %broadcast_in_dim3A_126 = vector.broadcast %broadcast_in_dim3A_125 : i32 to vector<16xi32>
      %gather3A_127 = tpu.vector_load_idx %arg9[%add3A_110, %broadcast_in_dim3A_126] : memref<96x16xf32, #tpu.memory_space<vmem>>[vector<16xi32>, vector<16xi32>], vector<16xf32>,
      %broadcast_in_dim3A_128 = arith.constant 5 : i32
      %broadcast_in_dim3A_129 = vector.broadcast %broadcast_in_dim3A_128 : i32 to vector<16xi32>
      %gather3A_130 = tpu.vector_load_idx %arg11[%add3A_110, %broadcast_in_dim3A_129] : memref<96x16xf32, #tpu.memory_space<vmem>>[vector<16xi32>, vector<16xi32>], vector<16xf32>,
      %add3A_131 = arith.addf %gather3A_127, %gather3A_130 : vector<16xf32>
      %mul3A_132 = arith.constant 2.000000e-01 : f32
      %mul3A_133 = vector.broadcast %mul3A_132 : f32 to vector<16xf32>
      %mul3A_134 = arith.mulf %mul3A_133, %add3A_131 : vector<16xf32>
      %max3A_135 = arith.maximumf %add3A_131, %mul3A_134 : vector<16xf32>
      %mul3A_136 = arith.constant 4 : i32
      %mul3A_137 = vector.broadcast %mul3A_136 : i32 to vector<16xi32>
      %mul3A_138 = arith.muli %add3A_110, %mul3A_137 : vector<16xi32>
      %add3A_139 = arith.constant 1 : i32
      %add3A_140 = vector.broadcast %add3A_139 : i32 to vector<16xi32>
      %add3A_141 = arith.addi %mul3A_138, %add3A_140 : vector<16xi32>
      %exp3A_142 = math.exp %max3A_135 : vector<16xf32>
      tpu.vector_store_idx %arg13[%add3A_141], %exp3A_142 : memref<384xf32, #tpu.memory_space<vmem>>[vector<16xi32>], vector<16xf32>,
      %broadcast_in_dim3A_143 = arith.constant 2 : i32
      %broadcast_in_dim3A_144 = vector.broadcast %broadcast_in_dim3A_143 : i32 to vector<16xi32>
      %gather3A_145 = tpu.vector_load_idx %arg9[%add3A_110, %broadcast_in_dim3A_144] : memref<96x16xf32, #tpu.memory_space<vmem>>[vector<16xi32>, vector<16xi32>], vector<16xf32>,
      %broadcast_in_dim3A_146 = arith.constant 6 : i32
      %broadcast_in_dim3A_147 = vector.broadcast %broadcast_in_dim3A_146 : i32 to vector<16xi32>
      %gather3A_148 = tpu.vector_load_idx %arg11[%add3A_110, %broadcast_in_dim3A_147] : memref<96x16xf32, #tpu.memory_space<vmem>>[vector<16xi32>, vector<16xi32>], vector<16xf32>,
      %add3A_149 = arith.addf %gather3A_145, %gather3A_148 : vector<16xf32>
      %mul3A_150 = arith.constant 2.000000e-01 : f32
      %mul3A_151 = vector.broadcast %mul3A_150 : f32 to vector<16xf32>
      %mul3A_152 = arith.mulf %mul3A_151, %add3A_149 : vector<16xf32>
      %max3A_153 = arith.maximumf %add3A_149, %mul3A_152 : vector<16xf32>
      %mul3A_154 = arith.constant 4 : i32
      %mul3A_155 = vector.broadcast %mul3A_154 : i32 to vector<16xi32>
      %mul3A_156 = arith.muli %add3A_110, %mul3A_155 : vector<16xi32>
      %add3A_157 = arith.constant 2 : i32
      %add3A_158 = vector.broadcast %add3A_157 : i32 to vector<16xi32>
      %add3A_159 = arith.addi %mul3A_156, %add3A_158 : vector<16xi32>
      %exp3A_160 = math.exp %max3A_153 : vector<16xf32>
      tpu.vector_store_idx %arg13[%add3A_159], %exp3A_160 : memref<384xf32, #tpu.memory_space<vmem>>[vector<16xi32>], vector<16xf32>,
      %broadcast_in_dim3A_161 = arith.constant 3 : i32
      %broadcast_in_dim3A_162 = vector.broadcast %broadcast_in_dim3A_161 : i32 to vector<16xi32>
      %gather3A_163 = tpu.vector_load_idx %arg9[%add3A_110, %broadcast_in_dim3A_162] : memref<96x16xf32, #tpu.memory_space<vmem>>[vector<16xi32>, vector<16xi32>], vector<16xf32>,
      %broadcast_in_dim3A_164 = arith.constant 7 : i32
      %broadcast_in_dim3A_165 = vector.broadcast %broadcast_in_dim3A_164 : i32 to vector<16xi32>
      %gather3A_166 = tpu.vector_load_idx %arg11[%add3A_110, %broadcast_in_dim3A_165] : memref<96x16xf32, #tpu.memory_space<vmem>>[vector<16xi32>, vector<16xi32>], vector<16xf32>,
      %add3A_167 = arith.addf %gather3A_163, %gather3A_166 : vector<16xf32>
      %mul3A_168 = arith.constant 2.000000e-01 : f32
      %mul3A_169 = vector.broadcast %mul3A_168 : f32 to vector<16xf32>
      %mul3A_170 = arith.mulf %mul3A_169, %add3A_167 : vector<16xf32>
      %max3A_171 = arith.maximumf %add3A_167, %mul3A_170 : vector<16xf32>
      %mul3A_172 = arith.constant 4 : i32
      %mul3A_173 = vector.broadcast %mul3A_172 : i32 to vector<16xi32>
      %mul3A_174 = arith.muli %add3A_110, %mul3A_173 : vector<16xi32>
      %add3A_175 = arith.constant 3 : i32
      %add3A_176 = vector.broadcast %add3A_175 : i32 to vector<16xi32>
      %add3A_177 = arith.addi %mul3A_174, %add3A_176 : vector<16xi32>
      %exp3A_178 = math.exp %max3A_171 : vector<16xf32>
      tpu.vector_store_idx %arg13[%add3A_177], %exp3A_178 : memref<384xf32, #tpu.memory_space<vmem>>[vector<16xi32>], vector<16xf32>,
      %add3A_179 = arith.constant 16 : i32
      %add3A_180 = vector.broadcast %add3A_179 : i32 to vector<16xi32>
      %add3A_181 = arith.addi %iota3A, %add3A_180 : vector<16xi32>
      %broadcast_in_dim3A_182 = arith.constant 0 : i32
      %broadcast_in_dim3A_183 = vector.broadcast %broadcast_in_dim3A_182 : i32 to vector<16xi32>
      %gather3A_184 = tpu.vector_load_idx %arg9[%add3A_181, %broadcast_in_dim3A_183] : memref<96x16xf32, #tpu.memory_space<vmem>>[vector<16xi32>, vector<16xi32>], vector<16xf32>,
      %broadcast_in_dim3A_185 = arith.constant 4 : i32
      %broadcast_in_dim3A_186 = vector.broadcast %broadcast_in_dim3A_185 : i32 to vector<16xi32>
      %gather3A_187 = tpu.vector_load_idx %arg11[%add3A_181, %broadcast_in_dim3A_186] : memref<96x16xf32, #tpu.memory_space<vmem>>[vector<16xi32>, vector<16xi32>], vector<16xf32>,
      %add3A_188 = arith.addf %gather3A_184, %gather3A_187 : vector<16xf32>
      %mul3A_189 = arith.constant 2.000000e-01 : f32
      %mul3A_190 = vector.broadcast %mul3A_189 : f32 to vector<16xf32>
      %mul3A_191 = arith.mulf %mul3A_190, %add3A_188 : vector<16xf32>
      %max3A_192 = arith.maximumf %add3A_188, %mul3A_191 : vector<16xf32>
      %mul3A_193 = arith.constant 4 : i32
      %mul3A_194 = vector.broadcast %mul3A_193 : i32 to vector<16xi32>
      %mul3A_195 = arith.muli %add3A_181, %mul3A_194 : vector<16xi32>
      %add3A_196 = arith.constant 0 : i32
      %add3A_197 = vector.broadcast %add3A_196 : i32 to vector<16xi32>
      %add3A_198 = arith.addi %mul3A_195, %add3A_197 : vector<16xi32>
      %exp3A_199 = math.exp %max3A_192 : vector<16xf32>
      tpu.vector_store_idx %arg13[%add3A_198], %exp3A_199 : memref<384xf32, #tpu.memory_space<vmem>>[vector<16xi32>], vector<16xf32>,
      %broadcast_in_dim3A_200 = arith.constant 1 : i32
      %broadcast_in_dim3A_201 = vector.broadcast %broadcast_in_dim3A_200 : i32 to vector<16xi32>
      %gather3A_202 = tpu.vector_load_idx %arg9[%add3A_181, %broadcast_in_dim3A_201] : memref<96x16xf32, #tpu.memory_space<vmem>>[vector<16xi32>, vector<16xi32>], vector<16xf32>,
      %broadcast_in_dim3A_203 = arith.constant 5 : i32
      %broadcast_in_dim3A_204 = vector.broadcast %broadcast_in_dim3A_203 : i32 to vector<16xi32>
      %gather3A_205 = tpu.vector_load_idx %arg11[%add3A_181, %broadcast_in_dim3A_204] : memref<96x16xf32, #tpu.memory_space<vmem>>[vector<16xi32>, vector<16xi32>], vector<16xf32>,
      %add3A_206 = arith.addf %gather3A_202, %gather3A_205 : vector<16xf32>
      %mul3A_207 = arith.constant 2.000000e-01 : f32
      %mul3A_208 = vector.broadcast %mul3A_207 : f32 to vector<16xf32>
      %mul3A_209 = arith.mulf %mul3A_208, %add3A_206 : vector<16xf32>
      %max3A_210 = arith.maximumf %add3A_206, %mul3A_209 : vector<16xf32>
      %mul3A_211 = arith.constant 4 : i32
      %mul3A_212 = vector.broadcast %mul3A_211 : i32 to vector<16xi32>
      %mul3A_213 = arith.muli %add3A_181, %mul3A_212 : vector<16xi32>
      %add3A_214 = arith.constant 1 : i32
      %add3A_215 = vector.broadcast %add3A_214 : i32 to vector<16xi32>
      %add3A_216 = arith.addi %mul3A_213, %add3A_215 : vector<16xi32>
      %exp3A_217 = math.exp %max3A_210 : vector<16xf32>
      tpu.vector_store_idx %arg13[%add3A_216], %exp3A_217 : memref<384xf32, #tpu.memory_space<vmem>>[vector<16xi32>], vector<16xf32>,
      %broadcast_in_dim3A_218 = arith.constant 2 : i32
      %broadcast_in_dim3A_219 = vector.broadcast %broadcast_in_dim3A_218 : i32 to vector<16xi32>
      %gather3A_220 = tpu.vector_load_idx %arg9[%add3A_181, %broadcast_in_dim3A_219] : memref<96x16xf32, #tpu.memory_space<vmem>>[vector<16xi32>, vector<16xi32>], vector<16xf32>,
      %broadcast_in_dim3A_221 = arith.constant 6 : i32
      %broadcast_in_dim3A_222 = vector.broadcast %broadcast_in_dim3A_221 : i32 to vector<16xi32>
      %gather3A_223 = tpu.vector_load_idx %arg11[%add3A_181, %broadcast_in_dim3A_222] : memref<96x16xf32, #tpu.memory_space<vmem>>[vector<16xi32>, vector<16xi32>], vector<16xf32>,
      %add3A_224 = arith.addf %gather3A_220, %gather3A_223 : vector<16xf32>
      %mul3A_225 = arith.constant 2.000000e-01 : f32
      %mul3A_226 = vector.broadcast %mul3A_225 : f32 to vector<16xf32>
      %mul3A_227 = arith.mulf %mul3A_226, %add3A_224 : vector<16xf32>
      %max3A_228 = arith.maximumf %add3A_224, %mul3A_227 : vector<16xf32>
      %mul3A_229 = arith.constant 4 : i32
      %mul3A_230 = vector.broadcast %mul3A_229 : i32 to vector<16xi32>
      %mul3A_231 = arith.muli %add3A_181, %mul3A_230 : vector<16xi32>
      %add3A_232 = arith.constant 2 : i32
      %add3A_233 = vector.broadcast %add3A_232 : i32 to vector<16xi32>
      %add3A_234 = arith.addi %mul3A_231, %add3A_233 : vector<16xi32>
      %exp3A_235 = math.exp %max3A_228 : vector<16xf32>
      tpu.vector_store_idx %arg13[%add3A_234], %exp3A_235 : memref<384xf32, #tpu.memory_space<vmem>>[vector<16xi32>], vector<16xf32>,
      %broadcast_in_dim3A_236 = arith.constant 3 : i32
      %broadcast_in_dim3A_237 = vector.broadcast %broadcast_in_dim3A_236 : i32 to vector<16xi32>
      %gather3A_238 = tpu.vector_load_idx %arg9[%add3A_181, %broadcast_in_dim3A_237] : memref<96x16xf32, #tpu.memory_space<vmem>>[vector<16xi32>, vector<16xi32>], vector<16xf32>,
      %broadcast_in_dim3A_239 = arith.constant 7 : i32
      %broadcast_in_dim3A_240 = vector.broadcast %broadcast_in_dim3A_239 : i32 to vector<16xi32>
      %gather3A_241 = tpu.vector_load_idx %arg11[%add3A_181, %broadcast_in_dim3A_240] : memref<96x16xf32, #tpu.memory_space<vmem>>[vector<16xi32>, vector<16xi32>], vector<16xf32>,
      %add3A_242 = arith.addf %gather3A_238, %gather3A_241 : vector<16xf32>
      %mul3A_243 = arith.constant 2.000000e-01 : f32
      %mul3A_244 = vector.broadcast %mul3A_243 : f32 to vector<16xf32>
      %mul3A_245 = arith.mulf %mul3A_244, %add3A_242 : vector<16xf32>
      %max3A_246 = arith.maximumf %add3A_242, %mul3A_245 : vector<16xf32>
      %mul3A_247 = arith.constant 4 : i32
      %mul3A_248 = vector.broadcast %mul3A_247 : i32 to vector<16xi32>
      %mul3A_249 = arith.muli %add3A_181, %mul3A_248 : vector<16xi32>
      %add3A_250 = arith.constant 3 : i32
      %add3A_251 = vector.broadcast %add3A_250 : i32 to vector<16xi32>
      %add3A_252 = arith.addi %mul3A_249, %add3A_251 : vector<16xi32>
      %exp3A_253 = math.exp %max3A_246 : vector<16xf32>
      tpu.vector_store_idx %arg13[%add3A_252], %exp3A_253 : memref<384xf32, #tpu.memory_space<vmem>>[vector<16xi32>], vector<16xf32>,
      %add3A_254 = arith.constant 32 : i32
      %add3A_255 = vector.broadcast %add3A_254 : i32 to vector<16xi32>
      %add3A_256 = arith.addi %iota3A, %add3A_255 : vector<16xi32>
      %broadcast_in_dim3A_257 = arith.constant 0 : i32
      %broadcast_in_dim3A_258 = vector.broadcast %broadcast_in_dim3A_257 : i32 to vector<16xi32>
      %gather3A_259 = tpu.vector_load_idx %arg9[%add3A_256, %broadcast_in_dim3A_258] : memref<96x16xf32, #tpu.memory_space<vmem>>[vector<16xi32>, vector<16xi32>], vector<16xf32>,
      %broadcast_in_dim3A_260 = arith.constant 4 : i32
      %broadcast_in_dim3A_261 = vector.broadcast %broadcast_in_dim3A_260 : i32 to vector<16xi32>
      %gather3A_262 = tpu.vector_load_idx %arg11[%add3A_256, %broadcast_in_dim3A_261] : memref<96x16xf32, #tpu.memory_space<vmem>>[vector<16xi32>, vector<16xi32>], vector<16xf32>,
      %add3A_263 = arith.addf %gather3A_259, %gather3A_262 : vector<16xf32>
      %mul3A_264 = arith.constant 2.000000e-01 : f32
      %mul3A_265 = vector.broadcast %mul3A_264 : f32 to vector<16xf32>
      %mul3A_266 = arith.mulf %mul3A_265, %add3A_263 : vector<16xf32>
      %max3A_267 = arith.maximumf %add3A_263, %mul3A_266 : vector<16xf32>
      %mul3A_268 = arith.constant 4 : i32
      %mul3A_269 = vector.broadcast %mul3A_268 : i32 to vector<16xi32>
      %mul3A_270 = arith.muli %add3A_256, %mul3A_269 : vector<16xi32>
      %add3A_271 = arith.constant 0 : i32
      %add3A_272 = vector.broadcast %add3A_271 : i32 to vector<16xi32>
      %add3A_273 = arith.addi %mul3A_270, %add3A_272 : vector<16xi32>
      %exp3A_274 = math.exp %max3A_267 : vector<16xf32>
      tpu.vector_store_idx %arg13[%add3A_273], %exp3A_274 : memref<384xf32, #tpu.memory_space<vmem>>[vector<16xi32>], vector<16xf32>,
      %broadcast_in_dim3A_275 = arith.constant 1 : i32
      %broadcast_in_dim3A_276 = vector.broadcast %broadcast_in_dim3A_275 : i32 to vector<16xi32>
      %gather3A_277 = tpu.vector_load_idx %arg9[%add3A_256, %broadcast_in_dim3A_276] : memref<96x16xf32, #tpu.memory_space<vmem>>[vector<16xi32>, vector<16xi32>], vector<16xf32>,
      %broadcast_in_dim3A_278 = arith.constant 5 : i32
      %broadcast_in_dim3A_279 = vector.broadcast %broadcast_in_dim3A_278 : i32 to vector<16xi32>
      %gather3A_280 = tpu.vector_load_idx %arg11[%add3A_256, %broadcast_in_dim3A_279] : memref<96x16xf32, #tpu.memory_space<vmem>>[vector<16xi32>, vector<16xi32>], vector<16xf32>,
      %add3A_281 = arith.addf %gather3A_277, %gather3A_280 : vector<16xf32>
      %mul3A_282 = arith.constant 2.000000e-01 : f32
      %mul3A_283 = vector.broadcast %mul3A_282 : f32 to vector<16xf32>
      %mul3A_284 = arith.mulf %mul3A_283, %add3A_281 : vector<16xf32>
      %max3A_285 = arith.maximumf %add3A_281, %mul3A_284 : vector<16xf32>
      %mul3A_286 = arith.constant 4 : i32
      %mul3A_287 = vector.broadcast %mul3A_286 : i32 to vector<16xi32>
      %mul3A_288 = arith.muli %add3A_256, %mul3A_287 : vector<16xi32>
      %add3A_289 = arith.constant 1 : i32
      %add3A_290 = vector.broadcast %add3A_289 : i32 to vector<16xi32>
      %add3A_291 = arith.addi %mul3A_288, %add3A_290 : vector<16xi32>
      %exp3A_292 = math.exp %max3A_285 : vector<16xf32>
      tpu.vector_store_idx %arg13[%add3A_291], %exp3A_292 : memref<384xf32, #tpu.memory_space<vmem>>[vector<16xi32>], vector<16xf32>,
      %broadcast_in_dim3A_293 = arith.constant 2 : i32
      %broadcast_in_dim3A_294 = vector.broadcast %broadcast_in_dim3A_293 : i32 to vector<16xi32>
      %gather3A_295 = tpu.vector_load_idx %arg9[%add3A_256, %broadcast_in_dim3A_294] : memref<96x16xf32, #tpu.memory_space<vmem>>[vector<16xi32>, vector<16xi32>], vector<16xf32>,
      %broadcast_in_dim3A_296 = arith.constant 6 : i32
      %broadcast_in_dim3A_297 = vector.broadcast %broadcast_in_dim3A_296 : i32 to vector<16xi32>
      %gather3A_298 = tpu.vector_load_idx %arg11[%add3A_256, %broadcast_in_dim3A_297] : memref<96x16xf32, #tpu.memory_space<vmem>>[vector<16xi32>, vector<16xi32>], vector<16xf32>,
      %add3A_299 = arith.addf %gather3A_295, %gather3A_298 : vector<16xf32>
      %mul3A_300 = arith.constant 2.000000e-01 : f32
      %mul3A_301 = vector.broadcast %mul3A_300 : f32 to vector<16xf32>
      %mul3A_302 = arith.mulf %mul3A_301, %add3A_299 : vector<16xf32>
      %max3A_303 = arith.maximumf %add3A_299, %mul3A_302 : vector<16xf32>
      %mul3A_304 = arith.constant 4 : i32
      %mul3A_305 = vector.broadcast %mul3A_304 : i32 to vector<16xi32>
      %mul3A_306 = arith.muli %add3A_256, %mul3A_305 : vector<16xi32>
      %add3A_307 = arith.constant 2 : i32
      %add3A_308 = vector.broadcast %add3A_307 : i32 to vector<16xi32>
      %add3A_309 = arith.addi %mul3A_306, %add3A_308 : vector<16xi32>
      %exp3A_310 = math.exp %max3A_303 : vector<16xf32>
      tpu.vector_store_idx %arg13[%add3A_309], %exp3A_310 : memref<384xf32, #tpu.memory_space<vmem>>[vector<16xi32>], vector<16xf32>,
      %broadcast_in_dim3A_311 = arith.constant 3 : i32
      %broadcast_in_dim3A_312 = vector.broadcast %broadcast_in_dim3A_311 : i32 to vector<16xi32>
      %gather3A_313 = tpu.vector_load_idx %arg9[%add3A_256, %broadcast_in_dim3A_312] : memref<96x16xf32, #tpu.memory_space<vmem>>[vector<16xi32>, vector<16xi32>], vector<16xf32>,
      %broadcast_in_dim3A_314 = arith.constant 7 : i32
      %broadcast_in_dim3A_315 = vector.broadcast %broadcast_in_dim3A_314 : i32 to vector<16xi32>
      %gather3A_316 = tpu.vector_load_idx %arg11[%add3A_256, %broadcast_in_dim3A_315] : memref<96x16xf32, #tpu.memory_space<vmem>>[vector<16xi32>, vector<16xi32>], vector<16xf32>,
      %add3A_317 = arith.addf %gather3A_313, %gather3A_316 : vector<16xf32>
      %mul3A_318 = arith.constant 2.000000e-01 : f32
      %mul3A_319 = vector.broadcast %mul3A_318 : f32 to vector<16xf32>
      %mul3A_320 = arith.mulf %mul3A_319, %add3A_317 : vector<16xf32>
      %max3A_321 = arith.maximumf %add3A_317, %mul3A_320 : vector<16xf32>
      %mul3A_322 = arith.constant 4 : i32
      %mul3A_323 = vector.broadcast %mul3A_322 : i32 to vector<16xi32>
      %mul3A_324 = arith.muli %add3A_256, %mul3A_323 : vector<16xi32>
      %add3A_325 = arith.constant 3 : i32
      %add3A_326 = vector.broadcast %add3A_325 : i32 to vector<16xi32>
      %add3A_327 = arith.addi %mul3A_324, %add3A_326 : vector<16xi32>
      %exp3A_328 = math.exp %max3A_321 : vector<16xf32>
      tpu.vector_store_idx %arg13[%add3A_327], %exp3A_328 : memref<384xf32, #tpu.memory_space<vmem>>[vector<16xi32>], vector<16xf32>,
      %add3A_329 = arith.constant 48 : i32
      %add3A_330 = vector.broadcast %add3A_329 : i32 to vector<16xi32>
      %add3A_331 = arith.addi %iota3A, %add3A_330 : vector<16xi32>
      %broadcast_in_dim3A_332 = arith.constant 0 : i32
      %broadcast_in_dim3A_333 = vector.broadcast %broadcast_in_dim3A_332 : i32 to vector<16xi32>
      %gather3A_334 = tpu.vector_load_idx %arg9[%add3A_331, %broadcast_in_dim3A_333] : memref<96x16xf32, #tpu.memory_space<vmem>>[vector<16xi32>, vector<16xi32>], vector<16xf32>,
      %broadcast_in_dim3A_335 = arith.constant 4 : i32
      %broadcast_in_dim3A_336 = vector.broadcast %broadcast_in_dim3A_335 : i32 to vector<16xi32>
      %gather3A_337 = tpu.vector_load_idx %arg11[%add3A_331, %broadcast_in_dim3A_336] : memref<96x16xf32, #tpu.memory_space<vmem>>[vector<16xi32>, vector<16xi32>], vector<16xf32>,
      %add3A_338 = arith.addf %gather3A_334, %gather3A_337 : vector<16xf32>
      %mul3A_339 = arith.constant 2.000000e-01 : f32
      %mul3A_340 = vector.broadcast %mul3A_339 : f32 to vector<16xf32>
      %mul3A_341 = arith.mulf %mul3A_340, %add3A_338 : vector<16xf32>
      %max3A_342 = arith.maximumf %add3A_338, %mul3A_341 : vector<16xf32>
      %mul3A_343 = arith.constant 4 : i32
      %mul3A_344 = vector.broadcast %mul3A_343 : i32 to vector<16xi32>
      %mul3A_345 = arith.muli %add3A_331, %mul3A_344 : vector<16xi32>
      %add3A_346 = arith.constant 0 : i32
      %add3A_347 = vector.broadcast %add3A_346 : i32 to vector<16xi32>
      %add3A_348 = arith.addi %mul3A_345, %add3A_347 : vector<16xi32>
      %exp3A_349 = math.exp %max3A_342 : vector<16xf32>
      tpu.vector_store_idx %arg13[%add3A_348], %exp3A_349 : memref<384xf32, #tpu.memory_space<vmem>>[vector<16xi32>], vector<16xf32>,
      %broadcast_in_dim3A_350 = arith.constant 1 : i32
      %broadcast_in_dim3A_351 = vector.broadcast %broadcast_in_dim3A_350 : i32 to vector<16xi32>
      %gather3A_352 = tpu.vector_load_idx %arg9[%add3A_331, %broadcast_in_dim3A_351] : memref<96x16xf32, #tpu.memory_space<vmem>>[vector<16xi32>, vector<16xi32>], vector<16xf32>,
      %broadcast_in_dim3A_353 = arith.constant 5 : i32
      %broadcast_in_dim3A_354 = vector.broadcast %broadcast_in_dim3A_353 : i32 to vector<16xi32>
      %gather3A_355 = tpu.vector_load_idx %arg11[%add3A_331, %broadcast_in_dim3A_354] : memref<96x16xf32, #tpu.memory_space<vmem>>[vector<16xi32>, vector<16xi32>], vector<16xf32>,
      %add3A_356 = arith.addf %gather3A_352, %gather3A_355 : vector<16xf32>
      %mul3A_357 = arith.constant 2.000000e-01 : f32
      %mul3A_358 = vector.broadcast %mul3A_357 : f32 to vector<16xf32>
      %mul3A_359 = arith.mulf %mul3A_358, %add3A_356 : vector<16xf32>
      %max3A_360 = arith.maximumf %add3A_356, %mul3A_359 : vector<16xf32>
      %mul3A_361 = arith.constant 4 : i32
      %mul3A_362 = vector.broadcast %mul3A_361 : i32 to vector<16xi32>
      %mul3A_363 = arith.muli %add3A_331, %mul3A_362 : vector<16xi32>
      %add3A_364 = arith.constant 1 : i32
      %add3A_365 = vector.broadcast %add3A_364 : i32 to vector<16xi32>
      %add3A_366 = arith.addi %mul3A_363, %add3A_365 : vector<16xi32>
      %exp3A_367 = math.exp %max3A_360 : vector<16xf32>
      tpu.vector_store_idx %arg13[%add3A_366], %exp3A_367 : memref<384xf32, #tpu.memory_space<vmem>>[vector<16xi32>], vector<16xf32>,
      %broadcast_in_dim3A_368 = arith.constant 2 : i32
      %broadcast_in_dim3A_369 = vector.broadcast %broadcast_in_dim3A_368 : i32 to vector<16xi32>
      %gather3A_370 = tpu.vector_load_idx %arg9[%add3A_331, %broadcast_in_dim3A_369] : memref<96x16xf32, #tpu.memory_space<vmem>>[vector<16xi32>, vector<16xi32>], vector<16xf32>,
      %broadcast_in_dim3A_371 = arith.constant 6 : i32
      %broadcast_in_dim3A_372 = vector.broadcast %broadcast_in_dim3A_371 : i32 to vector<16xi32>
      %gather3A_373 = tpu.vector_load_idx %arg11[%add3A_331, %broadcast_in_dim3A_372] : memref<96x16xf32, #tpu.memory_space<vmem>>[vector<16xi32>, vector<16xi32>], vector<16xf32>,
      %add3A_374 = arith.addf %gather3A_370, %gather3A_373 : vector<16xf32>
      %mul3A_375 = arith.constant 2.000000e-01 : f32
      %mul3A_376 = vector.broadcast %mul3A_375 : f32 to vector<16xf32>
      %mul3A_377 = arith.mulf %mul3A_376, %add3A_374 : vector<16xf32>
      %max3A_378 = arith.maximumf %add3A_374, %mul3A_377 : vector<16xf32>
      %mul3A_379 = arith.constant 4 : i32
      %mul3A_380 = vector.broadcast %mul3A_379 : i32 to vector<16xi32>
      %mul3A_381 = arith.muli %add3A_331, %mul3A_380 : vector<16xi32>
      %add3A_382 = arith.constant 2 : i32
      %add3A_383 = vector.broadcast %add3A_382 : i32 to vector<16xi32>
      %add3A_384 = arith.addi %mul3A_381, %add3A_383 : vector<16xi32>
      %exp3A_385 = math.exp %max3A_378 : vector<16xf32>
      tpu.vector_store_idx %arg13[%add3A_384], %exp3A_385 : memref<384xf32, #tpu.memory_space<vmem>>[vector<16xi32>], vector<16xf32>,
      %broadcast_in_dim3A_386 = arith.constant 3 : i32
      %broadcast_in_dim3A_387 = vector.broadcast %broadcast_in_dim3A_386 : i32 to vector<16xi32>
      %gather3A_388 = tpu.vector_load_idx %arg9[%add3A_331, %broadcast_in_dim3A_387] : memref<96x16xf32, #tpu.memory_space<vmem>>[vector<16xi32>, vector<16xi32>], vector<16xf32>,
      %broadcast_in_dim3A_389 = arith.constant 7 : i32
      %broadcast_in_dim3A_390 = vector.broadcast %broadcast_in_dim3A_389 : i32 to vector<16xi32>
      %gather3A_391 = tpu.vector_load_idx %arg11[%add3A_331, %broadcast_in_dim3A_390] : memref<96x16xf32, #tpu.memory_space<vmem>>[vector<16xi32>, vector<16xi32>], vector<16xf32>,
      %add3A_392 = arith.addf %gather3A_388, %gather3A_391 : vector<16xf32>
      %mul3A_393 = arith.constant 2.000000e-01 : f32
      %mul3A_394 = vector.broadcast %mul3A_393 : f32 to vector<16xf32>
      %mul3A_395 = arith.mulf %mul3A_394, %add3A_392 : vector<16xf32>
      %max3A_396 = arith.maximumf %add3A_392, %mul3A_395 : vector<16xf32>
      %mul3A_397 = arith.constant 4 : i32
      %mul3A_398 = vector.broadcast %mul3A_397 : i32 to vector<16xi32>
      %mul3A_399 = arith.muli %add3A_331, %mul3A_398 : vector<16xi32>
      %add3A_400 = arith.constant 3 : i32
      %add3A_401 = vector.broadcast %add3A_400 : i32 to vector<16xi32>
      %add3A_402 = arith.addi %mul3A_399, %add3A_401 : vector<16xi32>
      %exp3A_403 = math.exp %max3A_396 : vector<16xf32>
      tpu.vector_store_idx %arg13[%add3A_402], %exp3A_403 : memref<384xf32, #tpu.memory_space<vmem>>[vector<16xi32>], vector<16xf32>,
      %add3A_404 = arith.constant 64 : i32
      %add3A_405 = vector.broadcast %add3A_404 : i32 to vector<16xi32>
      %add3A_406 = arith.addi %iota3A, %add3A_405 : vector<16xi32>
      %broadcast_in_dim3A_407 = arith.constant 0 : i32
      %broadcast_in_dim3A_408 = vector.broadcast %broadcast_in_dim3A_407 : i32 to vector<16xi32>
      %gather3A_409 = tpu.vector_load_idx %arg9[%add3A_406, %broadcast_in_dim3A_408] : memref<96x16xf32, #tpu.memory_space<vmem>>[vector<16xi32>, vector<16xi32>], vector<16xf32>,
      %broadcast_in_dim3A_410 = arith.constant 4 : i32
      %broadcast_in_dim3A_411 = vector.broadcast %broadcast_in_dim3A_410 : i32 to vector<16xi32>
      %gather3A_412 = tpu.vector_load_idx %arg11[%add3A_406, %broadcast_in_dim3A_411] : memref<96x16xf32, #tpu.memory_space<vmem>>[vector<16xi32>, vector<16xi32>], vector<16xf32>,
      %add3A_413 = arith.addf %gather3A_409, %gather3A_412 : vector<16xf32>
      %mul3A_414 = arith.constant 2.000000e-01 : f32
      %mul3A_415 = vector.broadcast %mul3A_414 : f32 to vector<16xf32>
      %mul3A_416 = arith.mulf %mul3A_415, %add3A_413 : vector<16xf32>
      %max3A_417 = arith.maximumf %add3A_413, %mul3A_416 : vector<16xf32>
      %mul3A_418 = arith.constant 4 : i32
      %mul3A_419 = vector.broadcast %mul3A_418 : i32 to vector<16xi32>
      %mul3A_420 = arith.muli %add3A_406, %mul3A_419 : vector<16xi32>
      %add3A_421 = arith.constant 0 : i32
      %add3A_422 = vector.broadcast %add3A_421 : i32 to vector<16xi32>
      %add3A_423 = arith.addi %mul3A_420, %add3A_422 : vector<16xi32>
      %exp3A_424 = math.exp %max3A_417 : vector<16xf32>
      tpu.vector_store_idx %arg13[%add3A_423], %exp3A_424 : memref<384xf32, #tpu.memory_space<vmem>>[vector<16xi32>], vector<16xf32>,
      %broadcast_in_dim3A_425 = arith.constant 1 : i32
      %broadcast_in_dim3A_426 = vector.broadcast %broadcast_in_dim3A_425 : i32 to vector<16xi32>
      %gather3A_427 = tpu.vector_load_idx %arg9[%add3A_406, %broadcast_in_dim3A_426] : memref<96x16xf32, #tpu.memory_space<vmem>>[vector<16xi32>, vector<16xi32>], vector<16xf32>,
      %broadcast_in_dim3A_428 = arith.constant 5 : i32
      %broadcast_in_dim3A_429 = vector.broadcast %broadcast_in_dim3A_428 : i32 to vector<16xi32>
      %gather3A_430 = tpu.vector_load_idx %arg11[%add3A_406, %broadcast_in_dim3A_429] : memref<96x16xf32, #tpu.memory_space<vmem>>[vector<16xi32>, vector<16xi32>], vector<16xf32>,
      %add3A_431 = arith.addf %gather3A_427, %gather3A_430 : vector<16xf32>
      %mul3A_432 = arith.constant 2.000000e-01 : f32
      %mul3A_433 = vector.broadcast %mul3A_432 : f32 to vector<16xf32>
      %mul3A_434 = arith.mulf %mul3A_433, %add3A_431 : vector<16xf32>
      %max3A_435 = arith.maximumf %add3A_431, %mul3A_434 : vector<16xf32>
      %mul3A_436 = arith.constant 4 : i32
      %mul3A_437 = vector.broadcast %mul3A_436 : i32 to vector<16xi32>
      %mul3A_438 = arith.muli %add3A_406, %mul3A_437 : vector<16xi32>
      %add3A_439 = arith.constant 1 : i32
      %add3A_440 = vector.broadcast %add3A_439 : i32 to vector<16xi32>
      %add3A_441 = arith.addi %mul3A_438, %add3A_440 : vector<16xi32>
      %exp3A_442 = math.exp %max3A_435 : vector<16xf32>
      tpu.vector_store_idx %arg13[%add3A_441], %exp3A_442 : memref<384xf32, #tpu.memory_space<vmem>>[vector<16xi32>], vector<16xf32>,
      %broadcast_in_dim3A_443 = arith.constant 2 : i32
      %broadcast_in_dim3A_444 = vector.broadcast %broadcast_in_dim3A_443 : i32 to vector<16xi32>
      %gather3A_445 = tpu.vector_load_idx %arg9[%add3A_406, %broadcast_in_dim3A_444] : memref<96x16xf32, #tpu.memory_space<vmem>>[vector<16xi32>, vector<16xi32>], vector<16xf32>,
      %broadcast_in_dim3A_446 = arith.constant 6 : i32
      %broadcast_in_dim3A_447 = vector.broadcast %broadcast_in_dim3A_446 : i32 to vector<16xi32>
      %gather3A_448 = tpu.vector_load_idx %arg11[%add3A_406, %broadcast_in_dim3A_447] : memref<96x16xf32, #tpu.memory_space<vmem>>[vector<16xi32>, vector<16xi32>], vector<16xf32>,
      %add3A_449 = arith.addf %gather3A_445, %gather3A_448 : vector<16xf32>
      %mul3A_450 = arith.constant 2.000000e-01 : f32
      %mul3A_451 = vector.broadcast %mul3A_450 : f32 to vector<16xf32>
      %mul3A_452 = arith.mulf %mul3A_451, %add3A_449 : vector<16xf32>
      %max3A_453 = arith.maximumf %add3A_449, %mul3A_452 : vector<16xf32>
      %mul3A_454 = arith.constant 4 : i32
      %mul3A_455 = vector.broadcast %mul3A_454 : i32 to vector<16xi32>
      %mul3A_456 = arith.muli %add3A_406, %mul3A_455 : vector<16xi32>
      %add3A_457 = arith.constant 2 : i32
      %add3A_458 = vector.broadcast %add3A_457 : i32 to vector<16xi32>
      %add3A_459 = arith.addi %mul3A_456, %add3A_458 : vector<16xi32>
      %exp3A_460 = math.exp %max3A_453 : vector<16xf32>
      tpu.vector_store_idx %arg13[%add3A_459], %exp3A_460 : memref<384xf32, #tpu.memory_space<vmem>>[vector<16xi32>], vector<16xf32>,
      %broadcast_in_dim3A_461 = arith.constant 3 : i32
      %broadcast_in_dim3A_462 = vector.broadcast %broadcast_in_dim3A_461 : i32 to vector<16xi32>
      %gather3A_463 = tpu.vector_load_idx %arg9[%add3A_406, %broadcast_in_dim3A_462] : memref<96x16xf32, #tpu.memory_space<vmem>>[vector<16xi32>, vector<16xi32>], vector<16xf32>,
      %broadcast_in_dim3A_464 = arith.constant 7 : i32
      %broadcast_in_dim3A_465 = vector.broadcast %broadcast_in_dim3A_464 : i32 to vector<16xi32>
      %gather3A_466 = tpu.vector_load_idx %arg11[%add3A_406, %broadcast_in_dim3A_465] : memref<96x16xf32, #tpu.memory_space<vmem>>[vector<16xi32>, vector<16xi32>], vector<16xf32>,
      %add3A_467 = arith.addf %gather3A_463, %gather3A_466 : vector<16xf32>
      %mul3A_468 = arith.constant 2.000000e-01 : f32
      %mul3A_469 = vector.broadcast %mul3A_468 : f32 to vector<16xf32>
      %mul3A_470 = arith.mulf %mul3A_469, %add3A_467 : vector<16xf32>
      %max3A_471 = arith.maximumf %add3A_467, %mul3A_470 : vector<16xf32>
      %mul3A_472 = arith.constant 4 : i32
      %mul3A_473 = vector.broadcast %mul3A_472 : i32 to vector<16xi32>
      %mul3A_474 = arith.muli %add3A_406, %mul3A_473 : vector<16xi32>
      %add3A_475 = arith.constant 3 : i32
      %add3A_476 = vector.broadcast %add3A_475 : i32 to vector<16xi32>
      %add3A_477 = arith.addi %mul3A_474, %add3A_476 : vector<16xi32>
      %exp3A_478 = math.exp %max3A_471 : vector<16xf32>
      tpu.vector_store_idx %arg13[%add3A_477], %exp3A_478 : memref<384xf32, #tpu.memory_space<vmem>>[vector<16xi32>], vector<16xf32>,
      %add3A_479 = arith.constant 80 : i32
      %add3A_480 = vector.broadcast %add3A_479 : i32 to vector<16xi32>
      %add3A_481 = arith.addi %iota3A, %add3A_480 : vector<16xi32>
      %broadcast_in_dim3A_482 = arith.constant 0 : i32
      %broadcast_in_dim3A_483 = vector.broadcast %broadcast_in_dim3A_482 : i32 to vector<16xi32>
      %gather3A_484 = tpu.vector_load_idx %arg9[%add3A_481, %broadcast_in_dim3A_483] : memref<96x16xf32, #tpu.memory_space<vmem>>[vector<16xi32>, vector<16xi32>], vector<16xf32>,
      %broadcast_in_dim3A_485 = arith.constant 4 : i32
      %broadcast_in_dim3A_486 = vector.broadcast %broadcast_in_dim3A_485 : i32 to vector<16xi32>
      %gather3A_487 = tpu.vector_load_idx %arg11[%add3A_481, %broadcast_in_dim3A_486] : memref<96x16xf32, #tpu.memory_space<vmem>>[vector<16xi32>, vector<16xi32>], vector<16xf32>,
      %add3A_488 = arith.addf %gather3A_484, %gather3A_487 : vector<16xf32>
      %mul3A_489 = arith.constant 2.000000e-01 : f32
      %mul3A_490 = vector.broadcast %mul3A_489 : f32 to vector<16xf32>
      %mul3A_491 = arith.mulf %mul3A_490, %add3A_488 : vector<16xf32>
      %max3A_492 = arith.maximumf %add3A_488, %mul3A_491 : vector<16xf32>
      %mul3A_493 = arith.constant 4 : i32
      %mul3A_494 = vector.broadcast %mul3A_493 : i32 to vector<16xi32>
      %mul3A_495 = arith.muli %add3A_481, %mul3A_494 : vector<16xi32>
      %add3A_496 = arith.constant 0 : i32
      %add3A_497 = vector.broadcast %add3A_496 : i32 to vector<16xi32>
      %add3A_498 = arith.addi %mul3A_495, %add3A_497 : vector<16xi32>
      %exp3A_499 = math.exp %max3A_492 : vector<16xf32>
      tpu.vector_store_idx %arg13[%add3A_498], %exp3A_499 : memref<384xf32, #tpu.memory_space<vmem>>[vector<16xi32>], vector<16xf32>,
      %broadcast_in_dim3A_500 = arith.constant 1 : i32
      %broadcast_in_dim3A_501 = vector.broadcast %broadcast_in_dim3A_500 : i32 to vector<16xi32>
      %gather3A_502 = tpu.vector_load_idx %arg9[%add3A_481, %broadcast_in_dim3A_501] : memref<96x16xf32, #tpu.memory_space<vmem>>[vector<16xi32>, vector<16xi32>], vector<16xf32>,
      %broadcast_in_dim3A_503 = arith.constant 5 : i32
      %broadcast_in_dim3A_504 = vector.broadcast %broadcast_in_dim3A_503 : i32 to vector<16xi32>
      %gather3A_505 = tpu.vector_load_idx %arg11[%add3A_481, %broadcast_in_dim3A_504] : memref<96x16xf32, #tpu.memory_space<vmem>>[vector<16xi32>, vector<16xi32>], vector<16xf32>,
      %add3A_506 = arith.addf %gather3A_502, %gather3A_505 : vector<16xf32>
      %mul3A_507 = arith.constant 2.000000e-01 : f32
      %mul3A_508 = vector.broadcast %mul3A_507 : f32 to vector<16xf32>
      %mul3A_509 = arith.mulf %mul3A_508, %add3A_506 : vector<16xf32>
      %max3A_510 = arith.maximumf %add3A_506, %mul3A_509 : vector<16xf32>
      %mul3A_511 = arith.constant 4 : i32
      %mul3A_512 = vector.broadcast %mul3A_511 : i32 to vector<16xi32>
      %mul3A_513 = arith.muli %add3A_481, %mul3A_512 : vector<16xi32>
      %add3A_514 = arith.constant 1 : i32
      %add3A_515 = vector.broadcast %add3A_514 : i32 to vector<16xi32>
      %add3A_516 = arith.addi %mul3A_513, %add3A_515 : vector<16xi32>
      %exp3A_517 = math.exp %max3A_510 : vector<16xf32>
      tpu.vector_store_idx %arg13[%add3A_516], %exp3A_517 : memref<384xf32, #tpu.memory_space<vmem>>[vector<16xi32>], vector<16xf32>,
      %broadcast_in_dim3A_518 = arith.constant 2 : i32
      %broadcast_in_dim3A_519 = vector.broadcast %broadcast_in_dim3A_518 : i32 to vector<16xi32>
      %gather3A_520 = tpu.vector_load_idx %arg9[%add3A_481, %broadcast_in_dim3A_519] : memref<96x16xf32, #tpu.memory_space<vmem>>[vector<16xi32>, vector<16xi32>], vector<16xf32>,
      %broadcast_in_dim3A_521 = arith.constant 6 : i32
      %broadcast_in_dim3A_522 = vector.broadcast %broadcast_in_dim3A_521 : i32 to vector<16xi32>
      %gather3A_523 = tpu.vector_load_idx %arg11[%add3A_481, %broadcast_in_dim3A_522] : memref<96x16xf32, #tpu.memory_space<vmem>>[vector<16xi32>, vector<16xi32>], vector<16xf32>,
      %add3A_524 = arith.addf %gather3A_520, %gather3A_523 : vector<16xf32>
      %mul3A_525 = arith.constant 2.000000e-01 : f32
      %mul3A_526 = vector.broadcast %mul3A_525 : f32 to vector<16xf32>
      %mul3A_527 = arith.mulf %mul3A_526, %add3A_524 : vector<16xf32>
      %max3A_528 = arith.maximumf %add3A_524, %mul3A_527 : vector<16xf32>
      %mul3A_529 = arith.constant 4 : i32
      %mul3A_530 = vector.broadcast %mul3A_529 : i32 to vector<16xi32>
      %mul3A_531 = arith.muli %add3A_481, %mul3A_530 : vector<16xi32>
      %add3A_532 = arith.constant 2 : i32
      %add3A_533 = vector.broadcast %add3A_532 : i32 to vector<16xi32>
      %add3A_534 = arith.addi %mul3A_531, %add3A_533 : vector<16xi32>
      %exp3A_535 = math.exp %max3A_528 : vector<16xf32>
      tpu.vector_store_idx %arg13[%add3A_534], %exp3A_535 : memref<384xf32, #tpu.memory_space<vmem>>[vector<16xi32>], vector<16xf32>,
      %broadcast_in_dim3A_536 = arith.constant 3 : i32
      %broadcast_in_dim3A_537 = vector.broadcast %broadcast_in_dim3A_536 : i32 to vector<16xi32>
      %gather3A_538 = tpu.vector_load_idx %arg9[%add3A_481, %broadcast_in_dim3A_537] : memref<96x16xf32, #tpu.memory_space<vmem>>[vector<16xi32>, vector<16xi32>], vector<16xf32>,
      %broadcast_in_dim3A_539 = arith.constant 7 : i32
      %broadcast_in_dim3A_540 = vector.broadcast %broadcast_in_dim3A_539 : i32 to vector<16xi32>
      %gather3A_541 = tpu.vector_load_idx %arg11[%add3A_481, %broadcast_in_dim3A_540] : memref<96x16xf32, #tpu.memory_space<vmem>>[vector<16xi32>, vector<16xi32>], vector<16xf32>,
      %add3A_542 = arith.addf %gather3A_538, %gather3A_541 : vector<16xf32>
      %mul3A_543 = arith.constant 2.000000e-01 : f32
      %mul3A_544 = vector.broadcast %mul3A_543 : f32 to vector<16xf32>
      %mul3A_545 = arith.mulf %mul3A_544, %add3A_542 : vector<16xf32>
      %max3A_546 = arith.maximumf %add3A_542, %mul3A_545 : vector<16xf32>
      %mul3A_547 = arith.constant 4 : i32
      %mul3A_548 = vector.broadcast %mul3A_547 : i32 to vector<16xi32>
      %mul3A_549 = arith.muli %add3A_481, %mul3A_548 : vector<16xi32>
      %add3A_550 = arith.constant 3 : i32
      %add3A_551 = vector.broadcast %add3A_550 : i32 to vector<16xi32>
      %add3A_552 = arith.addi %mul3A_549, %add3A_551 : vector<16xi32>
      %exp3A_553 = math.exp %max3A_546 : vector<16xf32>
      tpu.vector_store_idx %arg13[%add3A_552], %exp3A_553 : memref<384xf32, #tpu.memory_space<vmem>>[vector<16xi32>], vector<16xf32>,
      %scan3A_554 = arith.constant 0 : i32
      %scan3A_555 = arith.constant 48 : i32
      %scan3A_556 = arith.addi %scan3A_554, %scan3A_555 : i32
      %scan3A_557 = arith.constant 1 : i32
      scf.for %scan3A_1088 = %scan3A_554 to %scan3A_556 step %scan3A_557  : i32 {
        %mul3A_1089 = arith.constant 2 : i32
        %mul3A_1090 = arith.muli %scan3A_1088, %mul3A_1089 : i32
        %add3A_1091 = arith.constant 0 : i32
        %add3A_1092 = arith.addi %add3A_1091, %mul3A_1090 : i32
        %add3A_1093 = arith.constant 0 : i32
        %add3A_1094 = arith.addi %add3A_1092, %add3A_1093 : i32
        %mul3A_1095 = arith.constant 4 : i32
        %mul3A_1096 = arith.muli %mul3A_1095, %add3A_1094 : i32
        %add3A_1097 = arith.constant 0 : i32
        %add3A_1098 = arith.addi %mul3A_1096, %add3A_1097 : i32
        %broadcast_in_dim3A_1099 = vector.broadcast %add3A_1098 : i32 to vector<16xi32>
        %gather3A_1100 = tpu.vector_load_idx %arg13[%broadcast_in_dim3A_1099] : memref<384xf32, #tpu.memory_space<vmem>>[vector<16xi32>], vector<16xf32>,
        %get3A = arith.index_cast %add3A_1094 : i32 to index
        %get3A_1101 = arith.constant 0 : index
        %get3A_1102 = tpu.vector_load %arg7[%get3A, %get3A_1101] {strides = array<i32>} : memref<96x144xf32, #tpu.memory_space<vmem>>, vector<16xf32>,
        %mul3A_1103 = arith.mulf %get3A_1102, %gather3A_1100 : vector<16xf32>
        %swap3A = arith.index_cast %add3A_1094 : i32 to index
        %swap3A_1104 = arith.constant 0 : index
        %swap3A_1105 = tpu.vector_load %arg7[%swap3A, %swap3A_1104] {strides = array<i32>} : memref<96x144xf32, #tpu.memory_space<vmem>>, vector<16xf32>,
        tpu.vector_store %arg7[%swap3A, %swap3A_1104], %mul3A_1103 {strides = array<i32>} : memref<96x144xf32, #tpu.memory_space<vmem>>, vector<16xf32>,
        %get3A_1106 = arith.index_cast %add3A_1094 : i32 to index
        %get3A_1107 = arith.constant 16 : index
        %get3A_1108 = tpu.vector_load %arg7[%get3A_1106, %get3A_1107] {strides = array<i32>} : memref<96x144xf32, #tpu.memory_space<vmem>>, vector<16xf32>,
        %mul3A_1109 = arith.mulf %get3A_1108, %gather3A_1100 : vector<16xf32>
        %swap3A_1110 = arith.index_cast %add3A_1094 : i32 to index
        %swap3A_1111 = arith.constant 16 : index
        %swap3A_1112 = tpu.vector_load %arg7[%swap3A_1110, %swap3A_1111] {strides = array<i32>} : memref<96x144xf32, #tpu.memory_space<vmem>>, vector<16xf32>,
        tpu.vector_store %arg7[%swap3A_1110, %swap3A_1111], %mul3A_1109 {strides = array<i32>} : memref<96x144xf32, #tpu.memory_space<vmem>>, vector<16xf32>,
        %add3A_1113 = arith.constant 1 : i32
        %add3A_1114 = arith.addi %mul3A_1096, %add3A_1113 : i32
        %broadcast_in_dim3A_1115 = vector.broadcast %add3A_1114 : i32 to vector<16xi32>
        %gather3A_1116 = tpu.vector_load_idx %arg13[%broadcast_in_dim3A_1115] : memref<384xf32, #tpu.memory_space<vmem>>[vector<16xi32>], vector<16xf32>,
        %get3A_1117 = arith.index_cast %add3A_1094 : i32 to index
        %get3A_1118 = arith.constant 32 : index
        %get3A_1119 = tpu.vector_load %arg7[%get3A_1117, %get3A_1118] {strides = array<i32>} : memref<96x144xf32, #tpu.memory_space<vmem>>, vector<16xf32>,
        %mul3A_1120 = arith.mulf %get3A_1119, %gather3A_1116 : vector<16xf32>
        %swap3A_1121 = arith.index_cast %add3A_1094 : i32 to index
        %swap3A_1122 = arith.constant 32 : index
        %swap3A_1123 = tpu.vector_load %arg7[%swap3A_1121, %swap3A_1122] {strides = array<i32>} : memref<96x144xf32, #tpu.memory_space<vmem>>, vector<16xf32>,
        tpu.vector_store %arg7[%swap3A_1121, %swap3A_1122], %mul3A_1120 {strides = array<i32>} : memref<96x144xf32, #tpu.memory_space<vmem>>, vector<16xf32>,
        %get3A_1124 = arith.index_cast %add3A_1094 : i32 to index
        %get3A_1125 = arith.constant 48 : index
        %get3A_1126 = tpu.vector_load %arg7[%get3A_1124, %get3A_1125] {strides = array<i32>} : memref<96x144xf32, #tpu.memory_space<vmem>>, vector<16xf32>,
        %mul3A_1127 = arith.mulf %get3A_1126, %gather3A_1116 : vector<16xf32>
        %swap3A_1128 = arith.index_cast %add3A_1094 : i32 to index
        %swap3A_1129 = arith.constant 48 : index
        %swap3A_1130 = tpu.vector_load %arg7[%swap3A_1128, %swap3A_1129] {strides = array<i32>} : memref<96x144xf32, #tpu.memory_space<vmem>>, vector<16xf32>,
        tpu.vector_store %arg7[%swap3A_1128, %swap3A_1129], %mul3A_1127 {strides = array<i32>} : memref<96x144xf32, #tpu.memory_space<vmem>>, vector<16xf32>,
        %add3A_1131 = arith.constant 2 : i32
        %add3A_1132 = arith.addi %mul3A_1096, %add3A_1131 : i32
        %broadcast_in_dim3A_1133 = vector.broadcast %add3A_1132 : i32 to vector<16xi32>
        %gather3A_1134 = tpu.vector_load_idx %arg13[%broadcast_in_dim3A_1133] : memref<384xf32, #tpu.memory_space<vmem>>[vector<16xi32>], vector<16xf32>,
        %get3A_1135 = arith.index_cast %add3A_1094 : i32 to index
        %get3A_1136 = arith.constant 64 : index
        %get3A_1137 = tpu.vector_load %arg7[%get3A_1135, %get3A_1136] {strides = array<i32>} : memref<96x144xf32, #tpu.memory_space<vmem>>, vector<16xf32>,
        %mul3A_1138 = arith.mulf %get3A_1137, %gather3A_1134 : vector<16xf32>
        %swap3A_1139 = arith.index_cast %add3A_1094 : i32 to index
        %swap3A_1140 = arith.constant 64 : index
        %swap3A_1141 = tpu.vector_load %arg7[%swap3A_1139, %swap3A_1140] {strides = array<i32>} : memref<96x144xf32, #tpu.memory_space<vmem>>, vector<16xf32>,
        tpu.vector_store %arg7[%swap3A_1139, %swap3A_1140], %mul3A_1138 {strides = array<i32>} : memref<96x144xf32, #tpu.memory_space<vmem>>, vector<16xf32>,
        %get3A_1142 = arith.index_cast %add3A_1094 : i32 to index
        %get3A_1143 = arith.constant 80 : index
        %get3A_1144 = tpu.vector_load %arg7[%get3A_1142, %get3A_1143] {strides = array<i32>} : memref<96x144xf32, #tpu.memory_space<vmem>>, vector<16xf32>,
        %mul3A_1145 = arith.mulf %get3A_1144, %gather3A_1134 : vector<16xf32>
        %swap3A_1146 = arith.index_cast %add3A_1094 : i32 to index
        %swap3A_1147 = arith.constant 80 : index
        %swap3A_1148 = tpu.vector_load %arg7[%swap3A_1146, %swap3A_1147] {strides = array<i32>} : memref<96x144xf32, #tpu.memory_space<vmem>>, vector<16xf32>,
        tpu.vector_store %arg7[%swap3A_1146, %swap3A_1147], %mul3A_1145 {strides = array<i32>} : memref<96x144xf32, #tpu.memory_space<vmem>>, vector<16xf32>,
        %add3A_1149 = arith.constant 3 : i32
        %add3A_1150 = arith.addi %mul3A_1096, %add3A_1149 : i32
        %broadcast_in_dim3A_1151 = vector.broadcast %add3A_1150 : i32 to vector<16xi32>
        %gather3A_1152 = tpu.vector_load_idx %arg13[%broadcast_in_dim3A_1151] : memref<384xf32, #tpu.memory_space<vmem>>[vector<16xi32>], vector<16xf32>,
        %get3A_1153 = arith.index_cast %add3A_1094 : i32 to index
        %get3A_1154 = arith.constant 96 : index
        %get3A_1155 = tpu.vector_load %arg7[%get3A_1153, %get3A_1154] {strides = array<i32>} : memref<96x144xf32, #tpu.memory_space<vmem>>, vector<16xf32>,
        %mul3A_1156 = arith.mulf %get3A_1155, %gather3A_1152 : vector<16xf32>
        %swap3A_1157 = arith.index_cast %add3A_1094 : i32 to index
        %swap3A_1158 = arith.constant 96 : index
        %swap3A_1159 = tpu.vector_load %arg7[%swap3A_1157, %swap3A_1158] {strides = array<i32>} : memref<96x144xf32, #tpu.memory_space<vmem>>, vector<16xf32>,
        tpu.vector_store %arg7[%swap3A_1157, %swap3A_1158], %mul3A_1156 {strides = array<i32>} : memref<96x144xf32, #tpu.memory_space<vmem>>, vector<16xf32>,
        %get3A_1160 = arith.index_cast %add3A_1094 : i32 to index
        %get3A_1161 = arith.constant 112 : index
        %get3A_1162 = tpu.vector_load %arg7[%get3A_1160, %get3A_1161] {strides = array<i32>} : memref<96x144xf32, #tpu.memory_space<vmem>>, vector<16xf32>,
        %mul3A_1163 = arith.mulf %get3A_1162, %gather3A_1152 : vector<16xf32>
        %swap3A_1164 = arith.index_cast %add3A_1094 : i32 to index
        %swap3A_1165 = arith.constant 112 : index
        %swap3A_1166 = tpu.vector_load %arg7[%swap3A_1164, %swap3A_1165] {strides = array<i32>} : memref<96x144xf32, #tpu.memory_space<vmem>>, vector<16xf32>,
        tpu.vector_store %arg7[%swap3A_1164, %swap3A_1165], %mul3A_1163 {strides = array<i32>} : memref<96x144xf32, #tpu.memory_space<vmem>>, vector<16xf32>,
        %and3A = arith.constant 3 : i32
        %and3A_1167 = vector.broadcast %and3A : i32 to vector<16xi32>
        %and3A_1168 = arith.andi %iota3A, %and3A_1167 : vector<16xi32>
        %add3A_1169 = vector.broadcast %mul3A_1096 : i32 to vector<16xi32>
        %add3A_1170 = arith.addi %add3A_1169, %and3A_1168 : vector<16xi32>
        %gather3A_1171 = tpu.vector_load_idx %arg13[%add3A_1170] : memref<384xf32, #tpu.memory_space<vmem>>[vector<16xi32>], vector<16xf32>,
        %get3A_1172 = arith.index_cast %add3A_1094 : i32 to index
        %get3A_1173 = arith.constant 128 : index
        %get3A_1174 = tpu.vector_load %arg7[%get3A_1172, %get3A_1173] {strides = array<i32>} : memref<96x144xf32, #tpu.memory_space<vmem>>, vector<16xf32>,
        %mul3A_1175 = arith.mulf %get3A_1174, %gather3A_1171 : vector<16xf32>
        %swap3A_1176 = arith.index_cast %add3A_1094 : i32 to index
        %swap3A_1177 = arith.constant 128 : index
        %swap3A_1178 = tpu.vector_load %arg7[%swap3A_1176, %swap3A_1177] {strides = array<i32>} : memref<96x144xf32, #tpu.memory_space<vmem>>, vector<16xf32>,
        tpu.vector_store %arg7[%swap3A_1176, %swap3A_1177], %mul3A_1175 {strides = array<i32>} : memref<96x144xf32, #tpu.memory_space<vmem>>, vector<16xf32>,
        %add3A_1179 = arith.constant 1 : i32
        %add3A_1180 = arith.addi %add3A_1092, %add3A_1179 : i32
        %mul3A_1181 = arith.constant 4 : i32
        %mul3A_1182 = arith.muli %mul3A_1181, %add3A_1180 : i32
        %add3A_1183 = arith.constant 0 : i32
        %add3A_1184 = arith.addi %mul3A_1182, %add3A_1183 : i32
        %broadcast_in_dim3A_1185 = vector.broadcast %add3A_1184 : i32 to vector<16xi32>
        %gather3A_1186 = tpu.vector_load_idx %arg13[%broadcast_in_dim3A_1185] : memref<384xf32, #tpu.memory_space<vmem>>[vector<16xi32>], vector<16xf32>,
        %get3A_1187 = arith.index_cast %add3A_1180 : i32 to index
        %get3A_1188 = arith.constant 0 : index
        %get3A_1189 = tpu.vector_load %arg7[%get3A_1187, %get3A_1188] {strides = array<i32>} : memref<96x144xf32, #tpu.memory_space<vmem>>, vector<16xf32>,
        %mul3A_1190 = arith.mulf %get3A_1189, %gather3A_1186 : vector<16xf32>
        %swap3A_1191 = arith.index_cast %add3A_1180 : i32 to index
        %swap3A_1192 = arith.constant 0 : index
        %swap3A_1193 = tpu.vector_load %arg7[%swap3A_1191, %swap3A_1192] {strides = array<i32>} : memref<96x144xf32, #tpu.memory_space<vmem>>, vector<16xf32>,
        tpu.vector_store %arg7[%swap3A_1191, %swap3A_1192], %mul3A_1190 {strides = array<i32>} : memref<96x144xf32, #tpu.memory_space<vmem>>, vector<16xf32>,
        %get3A_1194 = arith.index_cast %add3A_1180 : i32 to index
        %get3A_1195 = arith.constant 16 : index
        %get3A_1196 = tpu.vector_load %arg7[%get3A_1194, %get3A_1195] {strides = array<i32>} : memref<96x144xf32, #tpu.memory_space<vmem>>, vector<16xf32>,
        %mul3A_1197 = arith.mulf %get3A_1196, %gather3A_1186 : vector<16xf32>
        %swap3A_1198 = arith.index_cast %add3A_1180 : i32 to index
        %swap3A_1199 = arith.constant 16 : index
        %swap3A_1200 = tpu.vector_load %arg7[%swap3A_1198, %swap3A_1199] {strides = array<i32>} : memref<96x144xf32, #tpu.memory_space<vmem>>, vector<16xf32>,
        tpu.vector_store %arg7[%swap3A_1198, %swap3A_1199], %mul3A_1197 {strides = array<i32>} : memref<96x144xf32, #tpu.memory_space<vmem>>, vector<16xf32>,
        %add3A_1201 = arith.constant 1 : i32
        %add3A_1202 = arith.addi %mul3A_1182, %add3A_1201 : i32
        %broadcast_in_dim3A_1203 = vector.broadcast %add3A_1202 : i32 to vector<16xi32>
        %gather3A_1204 = tpu.vector_load_idx %arg13[%broadcast_in_dim3A_1203] : memref<384xf32, #tpu.memory_space<vmem>>[vector<16xi32>], vector<16xf32>,
        %get3A_1205 = arith.index_cast %add3A_1180 : i32 to index
        %get3A_1206 = arith.constant 32 : index
        %get3A_1207 = tpu.vector_load %arg7[%get3A_1205, %get3A_1206] {strides = array<i32>} : memref<96x144xf32, #tpu.memory_space<vmem>>, vector<16xf32>,
        %mul3A_1208 = arith.mulf %get3A_1207, %gather3A_1204 : vector<16xf32>
        %swap3A_1209 = arith.index_cast %add3A_1180 : i32 to index
        %swap3A_1210 = arith.constant 32 : index
        %swap3A_1211 = tpu.vector_load %arg7[%swap3A_1209, %swap3A_1210] {strides = array<i32>} : memref<96x144xf32, #tpu.memory_space<vmem>>, vector<16xf32>,
        tpu.vector_store %arg7[%swap3A_1209, %swap3A_1210], %mul3A_1208 {strides = array<i32>} : memref<96x144xf32, #tpu.memory_space<vmem>>, vector<16xf32>,
        %get3A_1212 = arith.index_cast %add3A_1180 : i32 to index
        %get3A_1213 = arith.constant 48 : index
        %get3A_1214 = tpu.vector_load %arg7[%get3A_1212, %get3A_1213] {strides = array<i32>} : memref<96x144xf32, #tpu.memory_space<vmem>>, vector<16xf32>,
        %mul3A_1215 = arith.mulf %get3A_1214, %gather3A_1204 : vector<16xf32>
        %swap3A_1216 = arith.index_cast %add3A_1180 : i32 to index
        %swap3A_1217 = arith.constant 48 : index
        %swap3A_1218 = tpu.vector_load %arg7[%swap3A_1216, %swap3A_1217] {strides = array<i32>} : memref<96x144xf32, #tpu.memory_space<vmem>>, vector<16xf32>,
        tpu.vector_store %arg7[%swap3A_1216, %swap3A_1217], %mul3A_1215 {strides = array<i32>} : memref<96x144xf32, #tpu.memory_space<vmem>>, vector<16xf32>,
        %add3A_1219 = arith.constant 2 : i32
        %add3A_1220 = arith.addi %mul3A_1182, %add3A_1219 : i32
        %broadcast_in_dim3A_1221 = vector.broadcast %add3A_1220 : i32 to vector<16xi32>
        %gather3A_1222 = tpu.vector_load_idx %arg13[%broadcast_in_dim3A_1221] : memref<384xf32, #tpu.memory_space<vmem>>[vector<16xi32>], vector<16xf32>,
        %get3A_1223 = arith.index_cast %add3A_1180 : i32 to index
        %get3A_1224 = arith.constant 64 : index
        %get3A_1225 = tpu.vector_load %arg7[%get3A_1223, %get3A_1224] {strides = array<i32>} : memref<96x144xf32, #tpu.memory_space<vmem>>, vector<16xf32>,
        %mul3A_1226 = arith.mulf %get3A_1225, %gather3A_1222 : vector<16xf32>
        %swap3A_1227 = arith.index_cast %add3A_1180 : i32 to index
        %swap3A_1228 = arith.constant 64 : index
        %swap3A_1229 = tpu.vector_load %arg7[%swap3A_1227, %swap3A_1228] {strides = array<i32>} : memref<96x144xf32, #tpu.memory_space<vmem>>, vector<16xf32>,
        tpu.vector_store %arg7[%swap3A_1227, %swap3A_1228], %mul3A_1226 {strides = array<i32>} : memref<96x144xf32, #tpu.memory_space<vmem>>, vector<16xf32>,
        %get3A_1230 = arith.index_cast %add3A_1180 : i32 to index
        %get3A_1231 = arith.constant 80 : index
        %get3A_1232 = tpu.vector_load %arg7[%get3A_1230, %get3A_1231] {strides = array<i32>} : memref<96x144xf32, #tpu.memory_space<vmem>>, vector<16xf32>,
        %mul3A_1233 = arith.mulf %get3A_1232, %gather3A_1222 : vector<16xf32>
        %swap3A_1234 = arith.index_cast %add3A_1180 : i32 to index
        %swap3A_1235 = arith.constant 80 : index
        %swap3A_1236 = tpu.vector_load %arg7[%swap3A_1234, %swap3A_1235] {strides = array<i32>} : memref<96x144xf32, #tpu.memory_space<vmem>>, vector<16xf32>,
        tpu.vector_store %arg7[%swap3A_1234, %swap3A_1235], %mul3A_1233 {strides = array<i32>} : memref<96x144xf32, #tpu.memory_space<vmem>>, vector<16xf32>,
        %add3A_1237 = arith.constant 3 : i32
        %add3A_1238 = arith.addi %mul3A_1182, %add3A_1237 : i32
        %broadcast_in_dim3A_1239 = vector.broadcast %add3A_1238 : i32 to vector<16xi32>
        %gather3A_1240 = tpu.vector_load_idx %arg13[%broadcast_in_dim3A_1239] : memref<384xf32, #tpu.memory_space<vmem>>[vector<16xi32>], vector<16xf32>,
        %get3A_1241 = arith.index_cast %add3A_1180 : i32 to index
        %get3A_1242 = arith.constant 96 : index
        %get3A_1243 = tpu.vector_load %arg7[%get3A_1241, %get3A_1242] {strides = array<i32>} : memref<96x144xf32, #tpu.memory_space<vmem>>, vector<16xf32>,
        %mul3A_1244 = arith.mulf %get3A_1243, %gather3A_1240 : vector<16xf32>
        %swap3A_1245 = arith.index_cast %add3A_1180 : i32 to index
        %swap3A_1246 = arith.constant 96 : index
        %swap3A_1247 = tpu.vector_load %arg7[%swap3A_1245, %swap3A_1246] {strides = array<i32>} : memref<96x144xf32, #tpu.memory_space<vmem>>, vector<16xf32>,
        tpu.vector_store %arg7[%swap3A_1245, %swap3A_1246], %mul3A_1244 {strides = array<i32>} : memref<96x144xf32, #tpu.memory_space<vmem>>, vector<16xf32>,
        %get3A_1248 = arith.index_cast %add3A_1180 : i32 to index
        %get3A_1249 = arith.constant 112 : index
        %get3A_1250 = tpu.vector_load %arg7[%get3A_1248, %get3A_1249] {strides = array<i32>} : memref<96x144xf32, #tpu.memory_space<vmem>>, vector<16xf32>,
        %mul3A_1251 = arith.mulf %get3A_1250, %gather3A_1240 : vector<16xf32>
        %swap3A_1252 = arith.index_cast %add3A_1180 : i32 to index
        %swap3A_1253 = arith.constant 112 : index
        %swap3A_1254 = tpu.vector_load %arg7[%swap3A_1252, %swap3A_1253] {strides = array<i32>} : memref<96x144xf32, #tpu.memory_space<vmem>>, vector<16xf32>,
        tpu.vector_store %arg7[%swap3A_1252, %swap3A_1253], %mul3A_1251 {strides = array<i32>} : memref<96x144xf32, #tpu.memory_space<vmem>>, vector<16xf32>,
        %and3A_1255 = arith.constant 3 : i32
        %and3A_1256 = vector.broadcast %and3A_1255 : i32 to vector<16xi32>
        %and3A_1257 = arith.andi %iota3A, %and3A_1256 : vector<16xi32>
        %add3A_1258 = vector.broadcast %mul3A_1182 : i32 to vector<16xi32>
        %add3A_1259 = arith.addi %add3A_1258, %and3A_1257 : vector<16xi32>
        %gather3A_1260 = tpu.vector_load_idx %arg13[%add3A_1259] : memref<384xf32, #tpu.memory_space<vmem>>[vector<16xi32>], vector<16xf32>,
        %get3A_1261 = arith.index_cast %add3A_1180 : i32 to index
        %get3A_1262 = arith.constant 128 : index
        %get3A_1263 = tpu.vector_load %arg7[%get3A_1261, %get3A_1262] {strides = array<i32>} : memref<96x144xf32, #tpu.memory_space<vmem>>, vector<16xf32>,
        %mul3A_1264 = arith.mulf %get3A_1263, %gather3A_1260 : vector<16xf32>
        %swap3A_1265 = arith.index_cast %add3A_1180 : i32 to index
        %swap3A_1266 = arith.constant 128 : index
        %swap3A_1267 = tpu.vector_load %arg7[%swap3A_1265, %swap3A_1266] {strides = array<i32>} : memref<96x144xf32, #tpu.memory_space<vmem>>, vector<16xf32>,
        tpu.vector_store %arg7[%swap3A_1265, %swap3A_1266], %mul3A_1264 {strides = array<i32>} : memref<96x144xf32, #tpu.memory_space<vmem>>, vector<16xf32>,
      }
      %scan3A_558 = arith.constant 48 : i32
      %scan3A_559 = arith.constant 0 : i32
      %scan3A_560 = arith.constant 6 : i32
      %scan3A_561 = arith.addi %scan3A_559, %scan3A_560 : i32
      %scan3A_562 = arith.constant 1 : i32
      scf.for %scan3A_1088 = %scan3A_559 to %scan3A_561 step %scan3A_562  : i32 {
        %mul3A_1089 = arith.constant 1 : i32
        %mul3A_1090 = arith.muli %scan3A_1088, %mul3A_1089 : i32
        %add3A_1091 = arith.constant 0 : i32
        %add3A_1092 = arith.addi %add3A_1091, %mul3A_1090 : i32
        %mul3A_1093 = arith.constant 16 : i32
        %mul3A_1094 = arith.muli %mul3A_1093, %add3A_1092 : i32
        %get3A = arith.index_cast %mul3A_1094 : i32 to index
        %get3A_1095 = tpu.vector_load %arg16[%get3A] {strides = array<i32>} : memref<96xi32, #tpu.memory_space<vmem>>, vector<16xi32>,
        %mul3A_1096 = arith.constant 16 : i32
        %mul3A_1097 = arith.muli %mul3A_1096, %add3A_1092 : i32
        %swap3A = arith.index_cast %mul3A_1097 : i32 to index
        %swap3A_1098 = tpu.vector_load %arg18[%swap3A] {strides = array<i32>} : memref<96xi32, #tpu.memory_space<vmem>>, vector<16xi32>,
        tpu.vector_store %arg18[%swap3A], %get3A_1095 {strides = array<i32>} : memref<96xi32, #tpu.memory_space<vmem>>, vector<16xi32>,
      }
      %scan3A_563 = arith.constant 6 : i32
      %dma_start3A_564 = arith.constant 0 : i32
      %dma_start3A_565 = arith.constant 0 : i32
      %dma_start3A_566 = tpu.memref_slice %arg21[%dma_start3A_564, %dma_start3A_565] : memref<10240x144xf32, #tpu.memory_space<vmem_shared>> -> memref<10240x144xf32, #tpu.memory_space<vmem_shared>>
      tpu.enqueue_indirect_dma source(%arg7 : memref<96x144xf32, #tpu.memory_space<vmem>>) target(%dma_start3A_566 : memref<10240x144xf32, #tpu.memory_space<vmem_shared>>) offsets(%arg18 : memref<96xi32, #tpu.memory_space<vmem>>) semaphore(%arg32 : memref<!tpu.dma_semaphore, #tpu.memory_space<semaphore_mem>>) {add = true}
      %add3A_567 = arith.constant 2 : i32
      %add3A_568 = arith.addi %add3A_78, %add3A_567 : i32
      %min3A = arith.constant 107 : i32
      %min3A_569 = arith.minsi %add3A_568, %min3A : i32
      %mul3A_570 = arith.constant 10368 : i32
      %mul3A_571 = arith.muli %add3A, %mul3A_570 : i32
      %mul3A_572 = arith.constant 96 : i32
      %mul3A_573 = arith.muli %min3A_569, %mul3A_572 : i32
      %add3A_574 = arith.addi %mul3A_571, %mul3A_573 : i32
      %dma_start3A_575 = tpu.memref_slice %arg4[%add3A_574] : memref<331776xi32, #tpu.memory_space<hbm>> -> memref<96xi32, #tpu.memory_space<hbm>>
      %dma_start3A_576 = tpu.memref_slice %arg4[%add3A_574] : memref<331776xi32, #tpu.memory_space<hbm>> -> memref<96xi32, #tpu.memory_space<hbm>>
      tpu.enqueue_dma source(%dma_start3A_576 : memref<96xi32, #tpu.memory_space<hbm>>) target(%arg14 : memref<96xi32, #tpu.memory_space<vmem>>) target_semaphore(%arg28 : memref<!tpu.dma_semaphore, #tpu.memory_space<semaphore_mem>>)
      %dma_start3A_577 = tpu.memref_slice %arg5[%add3A_574] : memref<331776xi32, #tpu.memory_space<hbm>> -> memref<96xi32, #tpu.memory_space<hbm>>
      %dma_start3A_578 = tpu.memref_slice %arg5[%add3A_574] : memref<331776xi32, #tpu.memory_space<hbm>> -> memref<96xi32, #tpu.memory_space<hbm>>
      tpu.enqueue_dma source(%dma_start3A_578 : memref<96xi32, #tpu.memory_space<hbm>>) target(%arg16 : memref<96xi32, #tpu.memory_space<vmem>>) target_semaphore(%arg30 : memref<!tpu.dma_semaphore, #tpu.memory_space<semaphore_mem>>)
      %mul3A_579 = arith.constant 2 : i32
      %mul3A_580 = arith.muli %mul3A_579, %add3A_74 : i32
      %add3A_581 = arith.constant 1 : i32
      %add3A_582 = arith.addi %mul3A_580, %add3A_581 : i32
      %dma_wait3A_583 = arith.constant 0 : i32
      %dma_wait3A_584 = tpu.memref_slice %arg4[%dma_wait3A_583] : memref<331776xi32, #tpu.memory_space<hbm>> -> memref<96xi32, #tpu.memory_space<hbm>>
      %dma_wait3A_585 = arith.constant 0 : i32
      %dma_wait3A_586 = tpu.memref_slice %arg4[%dma_wait3A_585] : memref<331776xi32, #tpu.memory_space<hbm>> -> memref<96xi32, #tpu.memory_space<hbm>>
      tpu.wait_dma2 semaphore(%arg28 : memref<!tpu.dma_semaphore, #tpu.memory_space<semaphore_mem>>) src(%dma_wait3A_586 : memref<96xi32, #tpu.memory_space<hbm>>) dst(%arg14 : memref<96xi32, #tpu.memory_space<vmem>>)
      %dma_wait3A_587 = arith.constant 0 : i32
      %dma_wait3A_588 = tpu.memref_slice %arg5[%dma_wait3A_587] : memref<331776xi32, #tpu.memory_space<hbm>> -> memref<96xi32, #tpu.memory_space<hbm>>
      %dma_wait3A_589 = arith.constant 0 : i32
      %dma_wait3A_590 = tpu.memref_slice %arg5[%dma_wait3A_589] : memref<331776xi32, #tpu.memory_space<hbm>> -> memref<96xi32, #tpu.memory_space<hbm>>
      tpu.wait_dma2 semaphore(%arg30 : memref<!tpu.dma_semaphore, #tpu.memory_space<semaphore_mem>>) src(%dma_wait3A_590 : memref<96xi32, #tpu.memory_space<hbm>>) dst(%arg16 : memref<96xi32, #tpu.memory_space<vmem>>)
      %dma_wait3A_591 = arith.constant 0 : i32
      %dma_wait3A_592 = arith.constant 0 : i32
      %dma_wait3A_593 = tpu.memref_slice %arg21[%dma_wait3A_591, %dma_wait3A_592] : memref<10240x144xf32, #tpu.memory_space<vmem_shared>> -> memref<10240x144xf32, #tpu.memory_space<vmem_shared>>
      tpu.wait_indirect_dma semaphore(%arg32 : memref<!tpu.dma_semaphore, #tpu.memory_space<semaphore_mem>>) src(%arg7 : memref<96x144xf32, #tpu.memory_space<vmem>>) dst(%dma_wait3A_593 : memref<10240x144xf32, #tpu.memory_space<vmem_shared>>)
      %dma_start3A_594 = arith.constant 0 : i32
      %dma_start3A_595 = arith.constant 0 : i32
      %dma_start3A_596 = tpu.memref_slice %arg2[%dma_start3A_594, %dma_start3A_595] : memref<10240x144xf32, #tpu.memory_space<hbm>> -> memref<10240x144xf32, #tpu.memory_space<hbm>>
      tpu.enqueue_indirect_dma source(%dma_start3A_596 : memref<10240x144xf32, #tpu.memory_space<hbm>>) target(%arg7 : memref<96x144xf32, #tpu.memory_space<vmem>>) offsets(%arg14 : memref<96xi32, #tpu.memory_space<vmem>>) semaphore(%arg22 : memref<!tpu.dma_semaphore, #tpu.memory_space<semaphore_mem>>)
      %dma_start3A_597 = arith.constant 0 : i32
      %dma_start3A_598 = arith.constant 0 : i32
      %dma_start3A_599 = tpu.memref_slice %arg3[%dma_start3A_597, %dma_start3A_598] : memref<10240x16xf32, #tpu.memory_space<hbm>> -> memref<10240x16xf32, #tpu.memory_space<hbm>>
      tpu.enqueue_indirect_dma source(%dma_start3A_599 : memref<10240x16xf32, #tpu.memory_space<hbm>>) target(%arg9 : memref<96x16xf32, #tpu.memory_space<vmem>>) offsets(%arg14 : memref<96xi32, #tpu.memory_space<vmem>>) semaphore(%arg24 : memref<!tpu.dma_semaphore, #tpu.memory_space<semaphore_mem>>)
      %dma_start3A_600 = arith.constant 0 : i32
      %dma_start3A_601 = arith.constant 0 : i32
      %dma_start3A_602 = tpu.memref_slice %arg3[%dma_start3A_600, %dma_start3A_601] : memref<10240x16xf32, #tpu.memory_space<hbm>> -> memref<10240x16xf32, #tpu.memory_space<hbm>>
      tpu.enqueue_indirect_dma source(%dma_start3A_602 : memref<10240x16xf32, #tpu.memory_space<hbm>>) target(%arg11 : memref<96x16xf32, #tpu.memory_space<vmem>>) offsets(%arg16 : memref<96xi32, #tpu.memory_space<vmem>>) semaphore(%arg26 : memref<!tpu.dma_semaphore, #tpu.memory_space<semaphore_mem>>)
      %dma_wait3A_603 = arith.constant 0 : i32
      %dma_wait3A_604 = arith.constant 0 : i32
      %dma_wait3A_605 = tpu.memref_slice %arg2[%dma_wait3A_603, %dma_wait3A_604] : memref<10240x144xf32, #tpu.memory_space<hbm>> -> memref<10240x144xf32, #tpu.memory_space<hbm>>
      tpu.wait_indirect_dma semaphore(%arg23 : memref<!tpu.dma_semaphore, #tpu.memory_space<semaphore_mem>>) src(%dma_wait3A_605 : memref<10240x144xf32, #tpu.memory_space<hbm>>) dst(%arg8 : memref<96x144xf32, #tpu.memory_space<vmem>>)
      %dma_wait3A_606 = arith.constant 0 : i32
      %dma_wait3A_607 = arith.constant 0 : i32
      %dma_wait3A_608 = tpu.memref_slice %arg3[%dma_wait3A_606, %dma_wait3A_607] : memref<10240x16xf32, #tpu.memory_space<hbm>> -> memref<10240x16xf32, #tpu.memory_space<hbm>>
      tpu.wait_indirect_dma semaphore(%arg25 : memref<!tpu.dma_semaphore, #tpu.memory_space<semaphore_mem>>) src(%dma_wait3A_608 : memref<10240x16xf32, #tpu.memory_space<hbm>>) dst(%arg10 : memref<96x16xf32, #tpu.memory_space<vmem>>)
      %dma_wait3A_609 = arith.constant 0 : i32
      %dma_wait3A_610 = arith.constant 0 : i32
      %dma_wait3A_611 = tpu.memref_slice %arg3[%dma_wait3A_609, %dma_wait3A_610] : memref<10240x16xf32, #tpu.memory_space<hbm>> -> memref<10240x16xf32, #tpu.memory_space<hbm>>
      tpu.wait_indirect_dma semaphore(%arg27 : memref<!tpu.dma_semaphore, #tpu.memory_space<semaphore_mem>>) src(%dma_wait3A_611 : memref<10240x16xf32, #tpu.memory_space<hbm>>) dst(%arg12 : memref<96x16xf32, #tpu.memory_space<vmem>>)
      %add3A_612 = arith.constant 0 : i32
      %add3A_613 = vector.broadcast %add3A_612 : i32 to vector<16xi32>
      %add3A_614 = arith.addi %iota3A, %add3A_613 : vector<16xi32>
      %broadcast_in_dim3A_615 = arith.constant 0 : i32
      %broadcast_in_dim3A_616 = vector.broadcast %broadcast_in_dim3A_615 : i32 to vector<16xi32>
      %gather3A_617 = tpu.vector_load_idx %arg10[%add3A_614, %broadcast_in_dim3A_616] : memref<96x16xf32, #tpu.memory_space<vmem>>[vector<16xi32>, vector<16xi32>], vector<16xf32>,
      %broadcast_in_dim3A_618 = arith.constant 4 : i32
      %broadcast_in_dim3A_619 = vector.broadcast %broadcast_in_dim3A_618 : i32 to vector<16xi32>
      %gather3A_620 = tpu.vector_load_idx %arg12[%add3A_614, %broadcast_in_dim3A_619] : memref<96x16xf32, #tpu.memory_space<vmem>>[vector<16xi32>, vector<16xi32>], vector<16xf32>,
      %add3A_621 = arith.addf %gather3A_617, %gather3A_620 : vector<16xf32>
      %mul3A_622 = arith.constant 2.000000e-01 : f32
      %mul3A_623 = vector.broadcast %mul3A_622 : f32 to vector<16xf32>
      %mul3A_624 = arith.mulf %mul3A_623, %add3A_621 : vector<16xf32>
      %max3A_625 = arith.maximumf %add3A_621, %mul3A_624 : vector<16xf32>
      %mul3A_626 = arith.constant 4 : i32
      %mul3A_627 = vector.broadcast %mul3A_626 : i32 to vector<16xi32>
      %mul3A_628 = arith.muli %add3A_614, %mul3A_627 : vector<16xi32>
      %add3A_629 = arith.constant 0 : i32
      %add3A_630 = vector.broadcast %add3A_629 : i32 to vector<16xi32>
      %add3A_631 = arith.addi %mul3A_628, %add3A_630 : vector<16xi32>
      %exp3A_632 = math.exp %max3A_625 : vector<16xf32>
      tpu.vector_store_idx %arg13[%add3A_631], %exp3A_632 : memref<384xf32, #tpu.memory_space<vmem>>[vector<16xi32>], vector<16xf32>,
      %broadcast_in_dim3A_633 = arith.constant 1 : i32
      %broadcast_in_dim3A_634 = vector.broadcast %broadcast_in_dim3A_633 : i32 to vector<16xi32>
      %gather3A_635 = tpu.vector_load_idx %arg10[%add3A_614, %broadcast_in_dim3A_634] : memref<96x16xf32, #tpu.memory_space<vmem>>[vector<16xi32>, vector<16xi32>], vector<16xf32>,
      %broadcast_in_dim3A_636 = arith.constant 5 : i32
      %broadcast_in_dim3A_637 = vector.broadcast %broadcast_in_dim3A_636 : i32 to vector<16xi32>
      %gather3A_638 = tpu.vector_load_idx %arg12[%add3A_614, %broadcast_in_dim3A_637] : memref<96x16xf32, #tpu.memory_space<vmem>>[vector<16xi32>, vector<16xi32>], vector<16xf32>,
      %add3A_639 = arith.addf %gather3A_635, %gather3A_638 : vector<16xf32>
      %mul3A_640 = arith.constant 2.000000e-01 : f32
      %mul3A_641 = vector.broadcast %mul3A_640 : f32 to vector<16xf32>
      %mul3A_642 = arith.mulf %mul3A_641, %add3A_639 : vector<16xf32>
      %max3A_643 = arith.maximumf %add3A_639, %mul3A_642 : vector<16xf32>
      %mul3A_644 = arith.constant 4 : i32
      %mul3A_645 = vector.broadcast %mul3A_644 : i32 to vector<16xi32>
      %mul3A_646 = arith.muli %add3A_614, %mul3A_645 : vector<16xi32>
      %add3A_647 = arith.constant 1 : i32
      %add3A_648 = vector.broadcast %add3A_647 : i32 to vector<16xi32>
      %add3A_649 = arith.addi %mul3A_646, %add3A_648 : vector<16xi32>
      %exp3A_650 = math.exp %max3A_643 : vector<16xf32>
      tpu.vector_store_idx %arg13[%add3A_649], %exp3A_650 : memref<384xf32, #tpu.memory_space<vmem>>[vector<16xi32>], vector<16xf32>,
      %broadcast_in_dim3A_651 = arith.constant 2 : i32
      %broadcast_in_dim3A_652 = vector.broadcast %broadcast_in_dim3A_651 : i32 to vector<16xi32>
      %gather3A_653 = tpu.vector_load_idx %arg10[%add3A_614, %broadcast_in_dim3A_652] : memref<96x16xf32, #tpu.memory_space<vmem>>[vector<16xi32>, vector<16xi32>], vector<16xf32>,
      %broadcast_in_dim3A_654 = arith.constant 6 : i32
      %broadcast_in_dim3A_655 = vector.broadcast %broadcast_in_dim3A_654 : i32 to vector<16xi32>
      %gather3A_656 = tpu.vector_load_idx %arg12[%add3A_614, %broadcast_in_dim3A_655] : memref<96x16xf32, #tpu.memory_space<vmem>>[vector<16xi32>, vector<16xi32>], vector<16xf32>,
      %add3A_657 = arith.addf %gather3A_653, %gather3A_656 : vector<16xf32>
      %mul3A_658 = arith.constant 2.000000e-01 : f32
      %mul3A_659 = vector.broadcast %mul3A_658 : f32 to vector<16xf32>
      %mul3A_660 = arith.mulf %mul3A_659, %add3A_657 : vector<16xf32>
      %max3A_661 = arith.maximumf %add3A_657, %mul3A_660 : vector<16xf32>
      %mul3A_662 = arith.constant 4 : i32
      %mul3A_663 = vector.broadcast %mul3A_662 : i32 to vector<16xi32>
      %mul3A_664 = arith.muli %add3A_614, %mul3A_663 : vector<16xi32>
      %add3A_665 = arith.constant 2 : i32
      %add3A_666 = vector.broadcast %add3A_665 : i32 to vector<16xi32>
      %add3A_667 = arith.addi %mul3A_664, %add3A_666 : vector<16xi32>
      %exp3A_668 = math.exp %max3A_661 : vector<16xf32>
      tpu.vector_store_idx %arg13[%add3A_667], %exp3A_668 : memref<384xf32, #tpu.memory_space<vmem>>[vector<16xi32>], vector<16xf32>,
      %broadcast_in_dim3A_669 = arith.constant 3 : i32
      %broadcast_in_dim3A_670 = vector.broadcast %broadcast_in_dim3A_669 : i32 to vector<16xi32>
      %gather3A_671 = tpu.vector_load_idx %arg10[%add3A_614, %broadcast_in_dim3A_670] : memref<96x16xf32, #tpu.memory_space<vmem>>[vector<16xi32>, vector<16xi32>], vector<16xf32>,
      %broadcast_in_dim3A_672 = arith.constant 7 : i32
      %broadcast_in_dim3A_673 = vector.broadcast %broadcast_in_dim3A_672 : i32 to vector<16xi32>
      %gather3A_674 = tpu.vector_load_idx %arg12[%add3A_614, %broadcast_in_dim3A_673] : memref<96x16xf32, #tpu.memory_space<vmem>>[vector<16xi32>, vector<16xi32>], vector<16xf32>,
      %add3A_675 = arith.addf %gather3A_671, %gather3A_674 : vector<16xf32>
      %mul3A_676 = arith.constant 2.000000e-01 : f32
      %mul3A_677 = vector.broadcast %mul3A_676 : f32 to vector<16xf32>
      %mul3A_678 = arith.mulf %mul3A_677, %add3A_675 : vector<16xf32>
      %max3A_679 = arith.maximumf %add3A_675, %mul3A_678 : vector<16xf32>
      %mul3A_680 = arith.constant 4 : i32
      %mul3A_681 = vector.broadcast %mul3A_680 : i32 to vector<16xi32>
      %mul3A_682 = arith.muli %add3A_614, %mul3A_681 : vector<16xi32>
      %add3A_683 = arith.constant 3 : i32
      %add3A_684 = vector.broadcast %add3A_683 : i32 to vector<16xi32>
      %add3A_685 = arith.addi %mul3A_682, %add3A_684 : vector<16xi32>
      %exp3A_686 = math.exp %max3A_679 : vector<16xf32>
      tpu.vector_store_idx %arg13[%add3A_685], %exp3A_686 : memref<384xf32, #tpu.memory_space<vmem>>[vector<16xi32>], vector<16xf32>,
      %add3A_687 = arith.constant 16 : i32
      %add3A_688 = vector.broadcast %add3A_687 : i32 to vector<16xi32>
      %add3A_689 = arith.addi %iota3A, %add3A_688 : vector<16xi32>
      %broadcast_in_dim3A_690 = arith.constant 0 : i32
      %broadcast_in_dim3A_691 = vector.broadcast %broadcast_in_dim3A_690 : i32 to vector<16xi32>
      %gather3A_692 = tpu.vector_load_idx %arg10[%add3A_689, %broadcast_in_dim3A_691] : memref<96x16xf32, #tpu.memory_space<vmem>>[vector<16xi32>, vector<16xi32>], vector<16xf32>,
      %broadcast_in_dim3A_693 = arith.constant 4 : i32
      %broadcast_in_dim3A_694 = vector.broadcast %broadcast_in_dim3A_693 : i32 to vector<16xi32>
      %gather3A_695 = tpu.vector_load_idx %arg12[%add3A_689, %broadcast_in_dim3A_694] : memref<96x16xf32, #tpu.memory_space<vmem>>[vector<16xi32>, vector<16xi32>], vector<16xf32>,
      %add3A_696 = arith.addf %gather3A_692, %gather3A_695 : vector<16xf32>
      %mul3A_697 = arith.constant 2.000000e-01 : f32
      %mul3A_698 = vector.broadcast %mul3A_697 : f32 to vector<16xf32>
      %mul3A_699 = arith.mulf %mul3A_698, %add3A_696 : vector<16xf32>
      %max3A_700 = arith.maximumf %add3A_696, %mul3A_699 : vector<16xf32>
      %mul3A_701 = arith.constant 4 : i32
      %mul3A_702 = vector.broadcast %mul3A_701 : i32 to vector<16xi32>
      %mul3A_703 = arith.muli %add3A_689, %mul3A_702 : vector<16xi32>
      %add3A_704 = arith.constant 0 : i32
      %add3A_705 = vector.broadcast %add3A_704 : i32 to vector<16xi32>
      %add3A_706 = arith.addi %mul3A_703, %add3A_705 : vector<16xi32>
      %exp3A_707 = math.exp %max3A_700 : vector<16xf32>
      tpu.vector_store_idx %arg13[%add3A_706], %exp3A_707 : memref<384xf32, #tpu.memory_space<vmem>>[vector<16xi32>], vector<16xf32>,
      %broadcast_in_dim3A_708 = arith.constant 1 : i32
      %broadcast_in_dim3A_709 = vector.broadcast %broadcast_in_dim3A_708 : i32 to vector<16xi32>
      %gather3A_710 = tpu.vector_load_idx %arg10[%add3A_689, %broadcast_in_dim3A_709] : memref<96x16xf32, #tpu.memory_space<vmem>>[vector<16xi32>, vector<16xi32>], vector<16xf32>,
      %broadcast_in_dim3A_711 = arith.constant 5 : i32
      %broadcast_in_dim3A_712 = vector.broadcast %broadcast_in_dim3A_711 : i32 to vector<16xi32>
      %gather3A_713 = tpu.vector_load_idx %arg12[%add3A_689, %broadcast_in_dim3A_712] : memref<96x16xf32, #tpu.memory_space<vmem>>[vector<16xi32>, vector<16xi32>], vector<16xf32>,
      %add3A_714 = arith.addf %gather3A_710, %gather3A_713 : vector<16xf32>
      %mul3A_715 = arith.constant 2.000000e-01 : f32
      %mul3A_716 = vector.broadcast %mul3A_715 : f32 to vector<16xf32>
      %mul3A_717 = arith.mulf %mul3A_716, %add3A_714 : vector<16xf32>
      %max3A_718 = arith.maximumf %add3A_714, %mul3A_717 : vector<16xf32>
      %mul3A_719 = arith.constant 4 : i32
      %mul3A_720 = vector.broadcast %mul3A_719 : i32 to vector<16xi32>
      %mul3A_721 = arith.muli %add3A_689, %mul3A_720 : vector<16xi32>
      %add3A_722 = arith.constant 1 : i32
      %add3A_723 = vector.broadcast %add3A_722 : i32 to vector<16xi32>
      %add3A_724 = arith.addi %mul3A_721, %add3A_723 : vector<16xi32>
      %exp3A_725 = math.exp %max3A_718 : vector<16xf32>
      tpu.vector_store_idx %arg13[%add3A_724], %exp3A_725 : memref<384xf32, #tpu.memory_space<vmem>>[vector<16xi32>], vector<16xf32>,
      %broadcast_in_dim3A_726 = arith.constant 2 : i32
      %broadcast_in_dim3A_727 = vector.broadcast %broadcast_in_dim3A_726 : i32 to vector<16xi32>
      %gather3A_728 = tpu.vector_load_idx %arg10[%add3A_689, %broadcast_in_dim3A_727] : memref<96x16xf32, #tpu.memory_space<vmem>>[vector<16xi32>, vector<16xi32>], vector<16xf32>,
      %broadcast_in_dim3A_729 = arith.constant 6 : i32
      %broadcast_in_dim3A_730 = vector.broadcast %broadcast_in_dim3A_729 : i32 to vector<16xi32>
      %gather3A_731 = tpu.vector_load_idx %arg12[%add3A_689, %broadcast_in_dim3A_730] : memref<96x16xf32, #tpu.memory_space<vmem>>[vector<16xi32>, vector<16xi32>], vector<16xf32>,
      %add3A_732 = arith.addf %gather3A_728, %gather3A_731 : vector<16xf32>
      %mul3A_733 = arith.constant 2.000000e-01 : f32
      %mul3A_734 = vector.broadcast %mul3A_733 : f32 to vector<16xf32>
      %mul3A_735 = arith.mulf %mul3A_734, %add3A_732 : vector<16xf32>
      %max3A_736 = arith.maximumf %add3A_732, %mul3A_735 : vector<16xf32>
      %mul3A_737 = arith.constant 4 : i32
      %mul3A_738 = vector.broadcast %mul3A_737 : i32 to vector<16xi32>
      %mul3A_739 = arith.muli %add3A_689, %mul3A_738 : vector<16xi32>
      %add3A_740 = arith.constant 2 : i32
      %add3A_741 = vector.broadcast %add3A_740 : i32 to vector<16xi32>
      %add3A_742 = arith.addi %mul3A_739, %add3A_741 : vector<16xi32>
      %exp3A_743 = math.exp %max3A_736 : vector<16xf32>
      tpu.vector_store_idx %arg13[%add3A_742], %exp3A_743 : memref<384xf32, #tpu.memory_space<vmem>>[vector<16xi32>], vector<16xf32>,
      %broadcast_in_dim3A_744 = arith.constant 3 : i32
      %broadcast_in_dim3A_745 = vector.broadcast %broadcast_in_dim3A_744 : i32 to vector<16xi32>
      %gather3A_746 = tpu.vector_load_idx %arg10[%add3A_689, %broadcast_in_dim3A_745] : memref<96x16xf32, #tpu.memory_space<vmem>>[vector<16xi32>, vector<16xi32>], vector<16xf32>,
      %broadcast_in_dim3A_747 = arith.constant 7 : i32
      %broadcast_in_dim3A_748 = vector.broadcast %broadcast_in_dim3A_747 : i32 to vector<16xi32>
      %gather3A_749 = tpu.vector_load_idx %arg12[%add3A_689, %broadcast_in_dim3A_748] : memref<96x16xf32, #tpu.memory_space<vmem>>[vector<16xi32>, vector<16xi32>], vector<16xf32>,
      %add3A_750 = arith.addf %gather3A_746, %gather3A_749 : vector<16xf32>
      %mul3A_751 = arith.constant 2.000000e-01 : f32
      %mul3A_752 = vector.broadcast %mul3A_751 : f32 to vector<16xf32>
      %mul3A_753 = arith.mulf %mul3A_752, %add3A_750 : vector<16xf32>
      %max3A_754 = arith.maximumf %add3A_750, %mul3A_753 : vector<16xf32>
      %mul3A_755 = arith.constant 4 : i32
      %mul3A_756 = vector.broadcast %mul3A_755 : i32 to vector<16xi32>
      %mul3A_757 = arith.muli %add3A_689, %mul3A_756 : vector<16xi32>
      %add3A_758 = arith.constant 3 : i32
      %add3A_759 = vector.broadcast %add3A_758 : i32 to vector<16xi32>
      %add3A_760 = arith.addi %mul3A_757, %add3A_759 : vector<16xi32>
      %exp3A_761 = math.exp %max3A_754 : vector<16xf32>
      tpu.vector_store_idx %arg13[%add3A_760], %exp3A_761 : memref<384xf32, #tpu.memory_space<vmem>>[vector<16xi32>], vector<16xf32>,
      %add3A_762 = arith.constant 32 : i32
      %add3A_763 = vector.broadcast %add3A_762 : i32 to vector<16xi32>
      %add3A_764 = arith.addi %iota3A, %add3A_763 : vector<16xi32>
      %broadcast_in_dim3A_765 = arith.constant 0 : i32
      %broadcast_in_dim3A_766 = vector.broadcast %broadcast_in_dim3A_765 : i32 to vector<16xi32>
      %gather3A_767 = tpu.vector_load_idx %arg10[%add3A_764, %broadcast_in_dim3A_766] : memref<96x16xf32, #tpu.memory_space<vmem>>[vector<16xi32>, vector<16xi32>], vector<16xf32>,
      %broadcast_in_dim3A_768 = arith.constant 4 : i32
      %broadcast_in_dim3A_769 = vector.broadcast %broadcast_in_dim3A_768 : i32 to vector<16xi32>
      %gather3A_770 = tpu.vector_load_idx %arg12[%add3A_764, %broadcast_in_dim3A_769] : memref<96x16xf32, #tpu.memory_space<vmem>>[vector<16xi32>, vector<16xi32>], vector<16xf32>,
      %add3A_771 = arith.addf %gather3A_767, %gather3A_770 : vector<16xf32>
      %mul3A_772 = arith.constant 2.000000e-01 : f32
      %mul3A_773 = vector.broadcast %mul3A_772 : f32 to vector<16xf32>
      %mul3A_774 = arith.mulf %mul3A_773, %add3A_771 : vector<16xf32>
      %max3A_775 = arith.maximumf %add3A_771, %mul3A_774 : vector<16xf32>
      %mul3A_776 = arith.constant 4 : i32
      %mul3A_777 = vector.broadcast %mul3A_776 : i32 to vector<16xi32>
      %mul3A_778 = arith.muli %add3A_764, %mul3A_777 : vector<16xi32>
      %add3A_779 = arith.constant 0 : i32
      %add3A_780 = vector.broadcast %add3A_779 : i32 to vector<16xi32>
      %add3A_781 = arith.addi %mul3A_778, %add3A_780 : vector<16xi32>
      %exp3A_782 = math.exp %max3A_775 : vector<16xf32>
      tpu.vector_store_idx %arg13[%add3A_781], %exp3A_782 : memref<384xf32, #tpu.memory_space<vmem>>[vector<16xi32>], vector<16xf32>,
      %broadcast_in_dim3A_783 = arith.constant 1 : i32
      %broadcast_in_dim3A_784 = vector.broadcast %broadcast_in_dim3A_783 : i32 to vector<16xi32>
      %gather3A_785 = tpu.vector_load_idx %arg10[%add3A_764, %broadcast_in_dim3A_784] : memref<96x16xf32, #tpu.memory_space<vmem>>[vector<16xi32>, vector<16xi32>], vector<16xf32>,
      %broadcast_in_dim3A_786 = arith.constant 5 : i32
      %broadcast_in_dim3A_787 = vector.broadcast %broadcast_in_dim3A_786 : i32 to vector<16xi32>
      %gather3A_788 = tpu.vector_load_idx %arg12[%add3A_764, %broadcast_in_dim3A_787] : memref<96x16xf32, #tpu.memory_space<vmem>>[vector<16xi32>, vector<16xi32>], vector<16xf32>,
      %add3A_789 = arith.addf %gather3A_785, %gather3A_788 : vector<16xf32>
      %mul3A_790 = arith.constant 2.000000e-01 : f32
      %mul3A_791 = vector.broadcast %mul3A_790 : f32 to vector<16xf32>
      %mul3A_792 = arith.mulf %mul3A_791, %add3A_789 : vector<16xf32>
      %max3A_793 = arith.maximumf %add3A_789, %mul3A_792 : vector<16xf32>
      %mul3A_794 = arith.constant 4 : i32
      %mul3A_795 = vector.broadcast %mul3A_794 : i32 to vector<16xi32>
      %mul3A_796 = arith.muli %add3A_764, %mul3A_795 : vector<16xi32>
      %add3A_797 = arith.constant 1 : i32
      %add3A_798 = vector.broadcast %add3A_797 : i32 to vector<16xi32>
      %add3A_799 = arith.addi %mul3A_796, %add3A_798 : vector<16xi32>
      %exp3A_800 = math.exp %max3A_793 : vector<16xf32>
      tpu.vector_store_idx %arg13[%add3A_799], %exp3A_800 : memref<384xf32, #tpu.memory_space<vmem>>[vector<16xi32>], vector<16xf32>,
      %broadcast_in_dim3A_801 = arith.constant 2 : i32
      %broadcast_in_dim3A_802 = vector.broadcast %broadcast_in_dim3A_801 : i32 to vector<16xi32>
      %gather3A_803 = tpu.vector_load_idx %arg10[%add3A_764, %broadcast_in_dim3A_802] : memref<96x16xf32, #tpu.memory_space<vmem>>[vector<16xi32>, vector<16xi32>], vector<16xf32>,
      %broadcast_in_dim3A_804 = arith.constant 6 : i32
      %broadcast_in_dim3A_805 = vector.broadcast %broadcast_in_dim3A_804 : i32 to vector<16xi32>
      %gather3A_806 = tpu.vector_load_idx %arg12[%add3A_764, %broadcast_in_dim3A_805] : memref<96x16xf32, #tpu.memory_space<vmem>>[vector<16xi32>, vector<16xi32>], vector<16xf32>,
      %add3A_807 = arith.addf %gather3A_803, %gather3A_806 : vector<16xf32>
      %mul3A_808 = arith.constant 2.000000e-01 : f32
      %mul3A_809 = vector.broadcast %mul3A_808 : f32 to vector<16xf32>
      %mul3A_810 = arith.mulf %mul3A_809, %add3A_807 : vector<16xf32>
      %max3A_811 = arith.maximumf %add3A_807, %mul3A_810 : vector<16xf32>
      %mul3A_812 = arith.constant 4 : i32
      %mul3A_813 = vector.broadcast %mul3A_812 : i32 to vector<16xi32>
      %mul3A_814 = arith.muli %add3A_764, %mul3A_813 : vector<16xi32>
      %add3A_815 = arith.constant 2 : i32
      %add3A_816 = vector.broadcast %add3A_815 : i32 to vector<16xi32>
      %add3A_817 = arith.addi %mul3A_814, %add3A_816 : vector<16xi32>
      %exp3A_818 = math.exp %max3A_811 : vector<16xf32>
      tpu.vector_store_idx %arg13[%add3A_817], %exp3A_818 : memref<384xf32, #tpu.memory_space<vmem>>[vector<16xi32>], vector<16xf32>,
      %broadcast_in_dim3A_819 = arith.constant 3 : i32
      %broadcast_in_dim3A_820 = vector.broadcast %broadcast_in_dim3A_819 : i32 to vector<16xi32>
      %gather3A_821 = tpu.vector_load_idx %arg10[%add3A_764, %broadcast_in_dim3A_820] : memref<96x16xf32, #tpu.memory_space<vmem>>[vector<16xi32>, vector<16xi32>], vector<16xf32>,
      %broadcast_in_dim3A_822 = arith.constant 7 : i32
      %broadcast_in_dim3A_823 = vector.broadcast %broadcast_in_dim3A_822 : i32 to vector<16xi32>
      %gather3A_824 = tpu.vector_load_idx %arg12[%add3A_764, %broadcast_in_dim3A_823] : memref<96x16xf32, #tpu.memory_space<vmem>>[vector<16xi32>, vector<16xi32>], vector<16xf32>,
      %add3A_825 = arith.addf %gather3A_821, %gather3A_824 : vector<16xf32>
      %mul3A_826 = arith.constant 2.000000e-01 : f32
      %mul3A_827 = vector.broadcast %mul3A_826 : f32 to vector<16xf32>
      %mul3A_828 = arith.mulf %mul3A_827, %add3A_825 : vector<16xf32>
      %max3A_829 = arith.maximumf %add3A_825, %mul3A_828 : vector<16xf32>
      %mul3A_830 = arith.constant 4 : i32
      %mul3A_831 = vector.broadcast %mul3A_830 : i32 to vector<16xi32>
      %mul3A_832 = arith.muli %add3A_764, %mul3A_831 : vector<16xi32>
      %add3A_833 = arith.constant 3 : i32
      %add3A_834 = vector.broadcast %add3A_833 : i32 to vector<16xi32>
      %add3A_835 = arith.addi %mul3A_832, %add3A_834 : vector<16xi32>
      %exp3A_836 = math.exp %max3A_829 : vector<16xf32>
      tpu.vector_store_idx %arg13[%add3A_835], %exp3A_836 : memref<384xf32, #tpu.memory_space<vmem>>[vector<16xi32>], vector<16xf32>,
      %add3A_837 = arith.constant 48 : i32
      %add3A_838 = vector.broadcast %add3A_837 : i32 to vector<16xi32>
      %add3A_839 = arith.addi %iota3A, %add3A_838 : vector<16xi32>
      %broadcast_in_dim3A_840 = arith.constant 0 : i32
      %broadcast_in_dim3A_841 = vector.broadcast %broadcast_in_dim3A_840 : i32 to vector<16xi32>
      %gather3A_842 = tpu.vector_load_idx %arg10[%add3A_839, %broadcast_in_dim3A_841] : memref<96x16xf32, #tpu.memory_space<vmem>>[vector<16xi32>, vector<16xi32>], vector<16xf32>,
      %broadcast_in_dim3A_843 = arith.constant 4 : i32
      %broadcast_in_dim3A_844 = vector.broadcast %broadcast_in_dim3A_843 : i32 to vector<16xi32>
      %gather3A_845 = tpu.vector_load_idx %arg12[%add3A_839, %broadcast_in_dim3A_844] : memref<96x16xf32, #tpu.memory_space<vmem>>[vector<16xi32>, vector<16xi32>], vector<16xf32>,
      %add3A_846 = arith.addf %gather3A_842, %gather3A_845 : vector<16xf32>
      %mul3A_847 = arith.constant 2.000000e-01 : f32
      %mul3A_848 = vector.broadcast %mul3A_847 : f32 to vector<16xf32>
      %mul3A_849 = arith.mulf %mul3A_848, %add3A_846 : vector<16xf32>
      %max3A_850 = arith.maximumf %add3A_846, %mul3A_849 : vector<16xf32>
      %mul3A_851 = arith.constant 4 : i32
      %mul3A_852 = vector.broadcast %mul3A_851 : i32 to vector<16xi32>
      %mul3A_853 = arith.muli %add3A_839, %mul3A_852 : vector<16xi32>
      %add3A_854 = arith.constant 0 : i32
      %add3A_855 = vector.broadcast %add3A_854 : i32 to vector<16xi32>
      %add3A_856 = arith.addi %mul3A_853, %add3A_855 : vector<16xi32>
      %exp3A_857 = math.exp %max3A_850 : vector<16xf32>
      tpu.vector_store_idx %arg13[%add3A_856], %exp3A_857 : memref<384xf32, #tpu.memory_space<vmem>>[vector<16xi32>], vector<16xf32>,
      %broadcast_in_dim3A_858 = arith.constant 1 : i32
      %broadcast_in_dim3A_859 = vector.broadcast %broadcast_in_dim3A_858 : i32 to vector<16xi32>
      %gather3A_860 = tpu.vector_load_idx %arg10[%add3A_839, %broadcast_in_dim3A_859] : memref<96x16xf32, #tpu.memory_space<vmem>>[vector<16xi32>, vector<16xi32>], vector<16xf32>,
      %broadcast_in_dim3A_861 = arith.constant 5 : i32
      %broadcast_in_dim3A_862 = vector.broadcast %broadcast_in_dim3A_861 : i32 to vector<16xi32>
      %gather3A_863 = tpu.vector_load_idx %arg12[%add3A_839, %broadcast_in_dim3A_862] : memref<96x16xf32, #tpu.memory_space<vmem>>[vector<16xi32>, vector<16xi32>], vector<16xf32>,
      %add3A_864 = arith.addf %gather3A_860, %gather3A_863 : vector<16xf32>
      %mul3A_865 = arith.constant 2.000000e-01 : f32
      %mul3A_866 = vector.broadcast %mul3A_865 : f32 to vector<16xf32>
      %mul3A_867 = arith.mulf %mul3A_866, %add3A_864 : vector<16xf32>
      %max3A_868 = arith.maximumf %add3A_864, %mul3A_867 : vector<16xf32>
      %mul3A_869 = arith.constant 4 : i32
      %mul3A_870 = vector.broadcast %mul3A_869 : i32 to vector<16xi32>
      %mul3A_871 = arith.muli %add3A_839, %mul3A_870 : vector<16xi32>
      %add3A_872 = arith.constant 1 : i32
      %add3A_873 = vector.broadcast %add3A_872 : i32 to vector<16xi32>
      %add3A_874 = arith.addi %mul3A_871, %add3A_873 : vector<16xi32>
      %exp3A_875 = math.exp %max3A_868 : vector<16xf32>
      tpu.vector_store_idx %arg13[%add3A_874], %exp3A_875 : memref<384xf32, #tpu.memory_space<vmem>>[vector<16xi32>], vector<16xf32>,
      %broadcast_in_dim3A_876 = arith.constant 2 : i32
      %broadcast_in_dim3A_877 = vector.broadcast %broadcast_in_dim3A_876 : i32 to vector<16xi32>
      %gather3A_878 = tpu.vector_load_idx %arg10[%add3A_839, %broadcast_in_dim3A_877] : memref<96x16xf32, #tpu.memory_space<vmem>>[vector<16xi32>, vector<16xi32>], vector<16xf32>,
      %broadcast_in_dim3A_879 = arith.constant 6 : i32
      %broadcast_in_dim3A_880 = vector.broadcast %broadcast_in_dim3A_879 : i32 to vector<16xi32>
      %gather3A_881 = tpu.vector_load_idx %arg12[%add3A_839, %broadcast_in_dim3A_880] : memref<96x16xf32, #tpu.memory_space<vmem>>[vector<16xi32>, vector<16xi32>], vector<16xf32>,
      %add3A_882 = arith.addf %gather3A_878, %gather3A_881 : vector<16xf32>
      %mul3A_883 = arith.constant 2.000000e-01 : f32
      %mul3A_884 = vector.broadcast %mul3A_883 : f32 to vector<16xf32>
      %mul3A_885 = arith.mulf %mul3A_884, %add3A_882 : vector<16xf32>
      %max3A_886 = arith.maximumf %add3A_882, %mul3A_885 : vector<16xf32>
      %mul3A_887 = arith.constant 4 : i32
      %mul3A_888 = vector.broadcast %mul3A_887 : i32 to vector<16xi32>
      %mul3A_889 = arith.muli %add3A_839, %mul3A_888 : vector<16xi32>
      %add3A_890 = arith.constant 2 : i32
      %add3A_891 = vector.broadcast %add3A_890 : i32 to vector<16xi32>
      %add3A_892 = arith.addi %mul3A_889, %add3A_891 : vector<16xi32>
      %exp3A_893 = math.exp %max3A_886 : vector<16xf32>
      tpu.vector_store_idx %arg13[%add3A_892], %exp3A_893 : memref<384xf32, #tpu.memory_space<vmem>>[vector<16xi32>], vector<16xf32>,
      %broadcast_in_dim3A_894 = arith.constant 3 : i32
      %broadcast_in_dim3A_895 = vector.broadcast %broadcast_in_dim3A_894 : i32 to vector<16xi32>
      %gather3A_896 = tpu.vector_load_idx %arg10[%add3A_839, %broadcast_in_dim3A_895] : memref<96x16xf32, #tpu.memory_space<vmem>>[vector<16xi32>, vector<16xi32>], vector<16xf32>,
      %broadcast_in_dim3A_897 = arith.constant 7 : i32
      %broadcast_in_dim3A_898 = vector.broadcast %broadcast_in_dim3A_897 : i32 to vector<16xi32>
      %gather3A_899 = tpu.vector_load_idx %arg12[%add3A_839, %broadcast_in_dim3A_898] : memref<96x16xf32, #tpu.memory_space<vmem>>[vector<16xi32>, vector<16xi32>], vector<16xf32>,
      %add3A_900 = arith.addf %gather3A_896, %gather3A_899 : vector<16xf32>
      %mul3A_901 = arith.constant 2.000000e-01 : f32
      %mul3A_902 = vector.broadcast %mul3A_901 : f32 to vector<16xf32>
      %mul3A_903 = arith.mulf %mul3A_902, %add3A_900 : vector<16xf32>
      %max3A_904 = arith.maximumf %add3A_900, %mul3A_903 : vector<16xf32>
      %mul3A_905 = arith.constant 4 : i32
      %mul3A_906 = vector.broadcast %mul3A_905 : i32 to vector<16xi32>
      %mul3A_907 = arith.muli %add3A_839, %mul3A_906 : vector<16xi32>
      %add3A_908 = arith.constant 3 : i32
      %add3A_909 = vector.broadcast %add3A_908 : i32 to vector<16xi32>
      %add3A_910 = arith.addi %mul3A_907, %add3A_909 : vector<16xi32>
      %exp3A_911 = math.exp %max3A_904 : vector<16xf32>
      tpu.vector_store_idx %arg13[%add3A_910], %exp3A_911 : memref<384xf32, #tpu.memory_space<vmem>>[vector<16xi32>], vector<16xf32>,
      %add3A_912 = arith.constant 64 : i32
      %add3A_913 = vector.broadcast %add3A_912 : i32 to vector<16xi32>
      %add3A_914 = arith.addi %iota3A, %add3A_913 : vector<16xi32>
      %broadcast_in_dim3A_915 = arith.constant 0 : i32
      %broadcast_in_dim3A_916 = vector.broadcast %broadcast_in_dim3A_915 : i32 to vector<16xi32>
      %gather3A_917 = tpu.vector_load_idx %arg10[%add3A_914, %broadcast_in_dim3A_916] : memref<96x16xf32, #tpu.memory_space<vmem>>[vector<16xi32>, vector<16xi32>], vector<16xf32>,
      %broadcast_in_dim3A_918 = arith.constant 4 : i32
      %broadcast_in_dim3A_919 = vector.broadcast %broadcast_in_dim3A_918 : i32 to vector<16xi32>
      %gather3A_920 = tpu.vector_load_idx %arg12[%add3A_914, %broadcast_in_dim3A_919] : memref<96x16xf32, #tpu.memory_space<vmem>>[vector<16xi32>, vector<16xi32>], vector<16xf32>,
      %add3A_921 = arith.addf %gather3A_917, %gather3A_920 : vector<16xf32>
      %mul3A_922 = arith.constant 2.000000e-01 : f32
      %mul3A_923 = vector.broadcast %mul3A_922 : f32 to vector<16xf32>
      %mul3A_924 = arith.mulf %mul3A_923, %add3A_921 : vector<16xf32>
      %max3A_925 = arith.maximumf %add3A_921, %mul3A_924 : vector<16xf32>
      %mul3A_926 = arith.constant 4 : i32
      %mul3A_927 = vector.broadcast %mul3A_926 : i32 to vector<16xi32>
      %mul3A_928 = arith.muli %add3A_914, %mul3A_927 : vector<16xi32>
      %add3A_929 = arith.constant 0 : i32
      %add3A_930 = vector.broadcast %add3A_929 : i32 to vector<16xi32>
      %add3A_931 = arith.addi %mul3A_928, %add3A_930 : vector<16xi32>
      %exp3A_932 = math.exp %max3A_925 : vector<16xf32>
      tpu.vector_store_idx %arg13[%add3A_931], %exp3A_932 : memref<384xf32, #tpu.memory_space<vmem>>[vector<16xi32>], vector<16xf32>,
      %broadcast_in_dim3A_933 = arith.constant 1 : i32
      %broadcast_in_dim3A_934 = vector.broadcast %broadcast_in_dim3A_933 : i32 to vector<16xi32>
      %gather3A_935 = tpu.vector_load_idx %arg10[%add3A_914, %broadcast_in_dim3A_934] : memref<96x16xf32, #tpu.memory_space<vmem>>[vector<16xi32>, vector<16xi32>], vector<16xf32>,
      %broadcast_in_dim3A_936 = arith.constant 5 : i32
      %broadcast_in_dim3A_937 = vector.broadcast %broadcast_in_dim3A_936 : i32 to vector<16xi32>
      %gather3A_938 = tpu.vector_load_idx %arg12[%add3A_914, %broadcast_in_dim3A_937] : memref<96x16xf32, #tpu.memory_space<vmem>>[vector<16xi32>, vector<16xi32>], vector<16xf32>,
      %add3A_939 = arith.addf %gather3A_935, %gather3A_938 : vector<16xf32>
      %mul3A_940 = arith.constant 2.000000e-01 : f32
      %mul3A_941 = vector.broadcast %mul3A_940 : f32 to vector<16xf32>
      %mul3A_942 = arith.mulf %mul3A_941, %add3A_939 : vector<16xf32>
      %max3A_943 = arith.maximumf %add3A_939, %mul3A_942 : vector<16xf32>
      %mul3A_944 = arith.constant 4 : i32
      %mul3A_945 = vector.broadcast %mul3A_944 : i32 to vector<16xi32>
      %mul3A_946 = arith.muli %add3A_914, %mul3A_945 : vector<16xi32>
      %add3A_947 = arith.constant 1 : i32
      %add3A_948 = vector.broadcast %add3A_947 : i32 to vector<16xi32>
      %add3A_949 = arith.addi %mul3A_946, %add3A_948 : vector<16xi32>
      %exp3A_950 = math.exp %max3A_943 : vector<16xf32>
      tpu.vector_store_idx %arg13[%add3A_949], %exp3A_950 : memref<384xf32, #tpu.memory_space<vmem>>[vector<16xi32>], vector<16xf32>,
      %broadcast_in_dim3A_951 = arith.constant 2 : i32
      %broadcast_in_dim3A_952 = vector.broadcast %broadcast_in_dim3A_951 : i32 to vector<16xi32>
      %gather3A_953 = tpu.vector_load_idx %arg10[%add3A_914, %broadcast_in_dim3A_952] : memref<96x16xf32, #tpu.memory_space<vmem>>[vector<16xi32>, vector<16xi32>], vector<16xf32>,
      %broadcast_in_dim3A_954 = arith.constant 6 : i32
      %broadcast_in_dim3A_955 = vector.broadcast %broadcast_in_dim3A_954 : i32 to vector<16xi32>
      %gather3A_956 = tpu.vector_load_idx %arg12[%add3A_914, %broadcast_in_dim3A_955] : memref<96x16xf32, #tpu.memory_space<vmem>>[vector<16xi32>, vector<16xi32>], vector<16xf32>,
      %add3A_957 = arith.addf %gather3A_953, %gather3A_956 : vector<16xf32>
      %mul3A_958 = arith.constant 2.000000e-01 : f32
      %mul3A_959 = vector.broadcast %mul3A_958 : f32 to vector<16xf32>
      %mul3A_960 = arith.mulf %mul3A_959, %add3A_957 : vector<16xf32>
      %max3A_961 = arith.maximumf %add3A_957, %mul3A_960 : vector<16xf32>
      %mul3A_962 = arith.constant 4 : i32
      %mul3A_963 = vector.broadcast %mul3A_962 : i32 to vector<16xi32>
      %mul3A_964 = arith.muli %add3A_914, %mul3A_963 : vector<16xi32>
      %add3A_965 = arith.constant 2 : i32
      %add3A_966 = vector.broadcast %add3A_965 : i32 to vector<16xi32>
      %add3A_967 = arith.addi %mul3A_964, %add3A_966 : vector<16xi32>
      %exp3A_968 = math.exp %max3A_961 : vector<16xf32>
      tpu.vector_store_idx %arg13[%add3A_967], %exp3A_968 : memref<384xf32, #tpu.memory_space<vmem>>[vector<16xi32>], vector<16xf32>,
      %broadcast_in_dim3A_969 = arith.constant 3 : i32
      %broadcast_in_dim3A_970 = vector.broadcast %broadcast_in_dim3A_969 : i32 to vector<16xi32>
      %gather3A_971 = tpu.vector_load_idx %arg10[%add3A_914, %broadcast_in_dim3A_970] : memref<96x16xf32, #tpu.memory_space<vmem>>[vector<16xi32>, vector<16xi32>], vector<16xf32>,
      %broadcast_in_dim3A_972 = arith.constant 7 : i32
      %broadcast_in_dim3A_973 = vector.broadcast %broadcast_in_dim3A_972 : i32 to vector<16xi32>
      %gather3A_974 = tpu.vector_load_idx %arg12[%add3A_914, %broadcast_in_dim3A_973] : memref<96x16xf32, #tpu.memory_space<vmem>>[vector<16xi32>, vector<16xi32>], vector<16xf32>,
      %add3A_975 = arith.addf %gather3A_971, %gather3A_974 : vector<16xf32>
      %mul3A_976 = arith.constant 2.000000e-01 : f32
      %mul3A_977 = vector.broadcast %mul3A_976 : f32 to vector<16xf32>
      %mul3A_978 = arith.mulf %mul3A_977, %add3A_975 : vector<16xf32>
      %max3A_979 = arith.maximumf %add3A_975, %mul3A_978 : vector<16xf32>
      %mul3A_980 = arith.constant 4 : i32
      %mul3A_981 = vector.broadcast %mul3A_980 : i32 to vector<16xi32>
      %mul3A_982 = arith.muli %add3A_914, %mul3A_981 : vector<16xi32>
      %add3A_983 = arith.constant 3 : i32
      %add3A_984 = vector.broadcast %add3A_983 : i32 to vector<16xi32>
      %add3A_985 = arith.addi %mul3A_982, %add3A_984 : vector<16xi32>
      %exp3A_986 = math.exp %max3A_979 : vector<16xf32>
      tpu.vector_store_idx %arg13[%add3A_985], %exp3A_986 : memref<384xf32, #tpu.memory_space<vmem>>[vector<16xi32>], vector<16xf32>,
      %add3A_987 = arith.constant 80 : i32
      %add3A_988 = vector.broadcast %add3A_987 : i32 to vector<16xi32>
      %add3A_989 = arith.addi %iota3A, %add3A_988 : vector<16xi32>
      %broadcast_in_dim3A_990 = arith.constant 0 : i32
      %broadcast_in_dim3A_991 = vector.broadcast %broadcast_in_dim3A_990 : i32 to vector<16xi32>
      %gather3A_992 = tpu.vector_load_idx %arg10[%add3A_989, %broadcast_in_dim3A_991] : memref<96x16xf32, #tpu.memory_space<vmem>>[vector<16xi32>, vector<16xi32>], vector<16xf32>,
      %broadcast_in_dim3A_993 = arith.constant 4 : i32
      %broadcast_in_dim3A_994 = vector.broadcast %broadcast_in_dim3A_993 : i32 to vector<16xi32>
      %gather3A_995 = tpu.vector_load_idx %arg12[%add3A_989, %broadcast_in_dim3A_994] : memref<96x16xf32, #tpu.memory_space<vmem>>[vector<16xi32>, vector<16xi32>], vector<16xf32>,
      %add3A_996 = arith.addf %gather3A_992, %gather3A_995 : vector<16xf32>
      %mul3A_997 = arith.constant 2.000000e-01 : f32
      %mul3A_998 = vector.broadcast %mul3A_997 : f32 to vector<16xf32>
      %mul3A_999 = arith.mulf %mul3A_998, %add3A_996 : vector<16xf32>
      %max3A_1000 = arith.maximumf %add3A_996, %mul3A_999 : vector<16xf32>
      %mul3A_1001 = arith.constant 4 : i32
      %mul3A_1002 = vector.broadcast %mul3A_1001 : i32 to vector<16xi32>
      %mul3A_1003 = arith.muli %add3A_989, %mul3A_1002 : vector<16xi32>
      %add3A_1004 = arith.constant 0 : i32
      %add3A_1005 = vector.broadcast %add3A_1004 : i32 to vector<16xi32>
      %add3A_1006 = arith.addi %mul3A_1003, %add3A_1005 : vector<16xi32>
      %exp3A_1007 = math.exp %max3A_1000 : vector<16xf32>
      tpu.vector_store_idx %arg13[%add3A_1006], %exp3A_1007 : memref<384xf32, #tpu.memory_space<vmem>>[vector<16xi32>], vector<16xf32>,
      %broadcast_in_dim3A_1008 = arith.constant 1 : i32
      %broadcast_in_dim3A_1009 = vector.broadcast %broadcast_in_dim3A_1008 : i32 to vector<16xi32>
      %gather3A_1010 = tpu.vector_load_idx %arg10[%add3A_989, %broadcast_in_dim3A_1009] : memref<96x16xf32, #tpu.memory_space<vmem>>[vector<16xi32>, vector<16xi32>], vector<16xf32>,
      %broadcast_in_dim3A_1011 = arith.constant 5 : i32
      %broadcast_in_dim3A_1012 = vector.broadcast %broadcast_in_dim3A_1011 : i32 to vector<16xi32>
      %gather3A_1013 = tpu.vector_load_idx %arg12[%add3A_989, %broadcast_in_dim3A_1012] : memref<96x16xf32, #tpu.memory_space<vmem>>[vector<16xi32>, vector<16xi32>], vector<16xf32>,
      %add3A_1014 = arith.addf %gather3A_1010, %gather3A_1013 : vector<16xf32>
      %mul3A_1015 = arith.constant 2.000000e-01 : f32
      %mul3A_1016 = vector.broadcast %mul3A_1015 : f32 to vector<16xf32>
      %mul3A_1017 = arith.mulf %mul3A_1016, %add3A_1014 : vector<16xf32>
      %max3A_1018 = arith.maximumf %add3A_1014, %mul3A_1017 : vector<16xf32>
      %mul3A_1019 = arith.constant 4 : i32
      %mul3A_1020 = vector.broadcast %mul3A_1019 : i32 to vector<16xi32>
      %mul3A_1021 = arith.muli %add3A_989, %mul3A_1020 : vector<16xi32>
      %add3A_1022 = arith.constant 1 : i32
      %add3A_1023 = vector.broadcast %add3A_1022 : i32 to vector<16xi32>
      %add3A_1024 = arith.addi %mul3A_1021, %add3A_1023 : vector<16xi32>
      %exp3A_1025 = math.exp %max3A_1018 : vector<16xf32>
      tpu.vector_store_idx %arg13[%add3A_1024], %exp3A_1025 : memref<384xf32, #tpu.memory_space<vmem>>[vector<16xi32>], vector<16xf32>,
      %broadcast_in_dim3A_1026 = arith.constant 2 : i32
      %broadcast_in_dim3A_1027 = vector.broadcast %broadcast_in_dim3A_1026 : i32 to vector<16xi32>
      %gather3A_1028 = tpu.vector_load_idx %arg10[%add3A_989, %broadcast_in_dim3A_1027] : memref<96x16xf32, #tpu.memory_space<vmem>>[vector<16xi32>, vector<16xi32>], vector<16xf32>,
      %broadcast_in_dim3A_1029 = arith.constant 6 : i32
      %broadcast_in_dim3A_1030 = vector.broadcast %broadcast_in_dim3A_1029 : i32 to vector<16xi32>
      %gather3A_1031 = tpu.vector_load_idx %arg12[%add3A_989, %broadcast_in_dim3A_1030] : memref<96x16xf32, #tpu.memory_space<vmem>>[vector<16xi32>, vector<16xi32>], vector<16xf32>,
      %add3A_1032 = arith.addf %gather3A_1028, %gather3A_1031 : vector<16xf32>
      %mul3A_1033 = arith.constant 2.000000e-01 : f32
      %mul3A_1034 = vector.broadcast %mul3A_1033 : f32 to vector<16xf32>
      %mul3A_1035 = arith.mulf %mul3A_1034, %add3A_1032 : vector<16xf32>
      %max3A_1036 = arith.maximumf %add3A_1032, %mul3A_1035 : vector<16xf32>
      %mul3A_1037 = arith.constant 4 : i32
      %mul3A_1038 = vector.broadcast %mul3A_1037 : i32 to vector<16xi32>
      %mul3A_1039 = arith.muli %add3A_989, %mul3A_1038 : vector<16xi32>
      %add3A_1040 = arith.constant 2 : i32
      %add3A_1041 = vector.broadcast %add3A_1040 : i32 to vector<16xi32>
      %add3A_1042 = arith.addi %mul3A_1039, %add3A_1041 : vector<16xi32>
      %exp3A_1043 = math.exp %max3A_1036 : vector<16xf32>
      tpu.vector_store_idx %arg13[%add3A_1042], %exp3A_1043 : memref<384xf32, #tpu.memory_space<vmem>>[vector<16xi32>], vector<16xf32>,
      %broadcast_in_dim3A_1044 = arith.constant 3 : i32
      %broadcast_in_dim3A_1045 = vector.broadcast %broadcast_in_dim3A_1044 : i32 to vector<16xi32>
      %gather3A_1046 = tpu.vector_load_idx %arg10[%add3A_989, %broadcast_in_dim3A_1045] : memref<96x16xf32, #tpu.memory_space<vmem>>[vector<16xi32>, vector<16xi32>], vector<16xf32>,
      %broadcast_in_dim3A_1047 = arith.constant 7 : i32
      %broadcast_in_dim3A_1048 = vector.broadcast %broadcast_in_dim3A_1047 : i32 to vector<16xi32>
      %gather3A_1049 = tpu.vector_load_idx %arg12[%add3A_989, %broadcast_in_dim3A_1048] : memref<96x16xf32, #tpu.memory_space<vmem>>[vector<16xi32>, vector<16xi32>], vector<16xf32>,
      %add3A_1050 = arith.addf %gather3A_1046, %gather3A_1049 : vector<16xf32>
      %mul3A_1051 = arith.constant 2.000000e-01 : f32
      %mul3A_1052 = vector.broadcast %mul3A_1051 : f32 to vector<16xf32>
      %mul3A_1053 = arith.mulf %mul3A_1052, %add3A_1050 : vector<16xf32>
      %max3A_1054 = arith.maximumf %add3A_1050, %mul3A_1053 : vector<16xf32>
      %mul3A_1055 = arith.constant 4 : i32
      %mul3A_1056 = vector.broadcast %mul3A_1055 : i32 to vector<16xi32>
      %mul3A_1057 = arith.muli %add3A_989, %mul3A_1056 : vector<16xi32>
      %add3A_1058 = arith.constant 3 : i32
      %add3A_1059 = vector.broadcast %add3A_1058 : i32 to vector<16xi32>
      %add3A_1060 = arith.addi %mul3A_1057, %add3A_1059 : vector<16xi32>
      %exp3A_1061 = math.exp %max3A_1054 : vector<16xf32>
      tpu.vector_store_idx %arg13[%add3A_1060], %exp3A_1061 : memref<384xf32, #tpu.memory_space<vmem>>[vector<16xi32>], vector<16xf32>,
      %scan3A_1062 = arith.constant 0 : i32
      %scan3A_1063 = arith.constant 48 : i32
      %scan3A_1064 = arith.addi %scan3A_1062, %scan3A_1063 : i32
      %scan3A_1065 = arith.constant 1 : i32
      scf.for %scan3A_1088 = %scan3A_1062 to %scan3A_1064 step %scan3A_1065  : i32 {
        %mul3A_1089 = arith.constant 2 : i32
        %mul3A_1090 = arith.muli %scan3A_1088, %mul3A_1089 : i32
        %add3A_1091 = arith.constant 0 : i32
        %add3A_1092 = arith.addi %add3A_1091, %mul3A_1090 : i32
        %add3A_1093 = arith.constant 0 : i32
        %add3A_1094 = arith.addi %add3A_1092, %add3A_1093 : i32
        %mul3A_1095 = arith.constant 4 : i32
        %mul3A_1096 = arith.muli %mul3A_1095, %add3A_1094 : i32
        %add3A_1097 = arith.constant 0 : i32
        %add3A_1098 = arith.addi %mul3A_1096, %add3A_1097 : i32
        %broadcast_in_dim3A_1099 = vector.broadcast %add3A_1098 : i32 to vector<16xi32>
        %gather3A_1100 = tpu.vector_load_idx %arg13[%broadcast_in_dim3A_1099] : memref<384xf32, #tpu.memory_space<vmem>>[vector<16xi32>], vector<16xf32>,
        %get3A = arith.index_cast %add3A_1094 : i32 to index
        %get3A_1101 = arith.constant 0 : index
        %get3A_1102 = tpu.vector_load %arg8[%get3A, %get3A_1101] {strides = array<i32>} : memref<96x144xf32, #tpu.memory_space<vmem>>, vector<16xf32>,
        %mul3A_1103 = arith.mulf %get3A_1102, %gather3A_1100 : vector<16xf32>
        %swap3A = arith.index_cast %add3A_1094 : i32 to index
        %swap3A_1104 = arith.constant 0 : index
        %swap3A_1105 = tpu.vector_load %arg8[%swap3A, %swap3A_1104] {strides = array<i32>} : memref<96x144xf32, #tpu.memory_space<vmem>>, vector<16xf32>,
        tpu.vector_store %arg8[%swap3A, %swap3A_1104], %mul3A_1103 {strides = array<i32>} : memref<96x144xf32, #tpu.memory_space<vmem>>, vector<16xf32>,
        %get3A_1106 = arith.index_cast %add3A_1094 : i32 to index
        %get3A_1107 = arith.constant 16 : index
        %get3A_1108 = tpu.vector_load %arg8[%get3A_1106, %get3A_1107] {strides = array<i32>} : memref<96x144xf32, #tpu.memory_space<vmem>>, vector<16xf32>,
        %mul3A_1109 = arith.mulf %get3A_1108, %gather3A_1100 : vector<16xf32>
        %swap3A_1110 = arith.index_cast %add3A_1094 : i32 to index
        %swap3A_1111 = arith.constant 16 : index
        %swap3A_1112 = tpu.vector_load %arg8[%swap3A_1110, %swap3A_1111] {strides = array<i32>} : memref<96x144xf32, #tpu.memory_space<vmem>>, vector<16xf32>,
        tpu.vector_store %arg8[%swap3A_1110, %swap3A_1111], %mul3A_1109 {strides = array<i32>} : memref<96x144xf32, #tpu.memory_space<vmem>>, vector<16xf32>,
        %add3A_1113 = arith.constant 1 : i32
        %add3A_1114 = arith.addi %mul3A_1096, %add3A_1113 : i32
        %broadcast_in_dim3A_1115 = vector.broadcast %add3A_1114 : i32 to vector<16xi32>
        %gather3A_1116 = tpu.vector_load_idx %arg13[%broadcast_in_dim3A_1115] : memref<384xf32, #tpu.memory_space<vmem>>[vector<16xi32>], vector<16xf32>,
        %get3A_1117 = arith.index_cast %add3A_1094 : i32 to index
        %get3A_1118 = arith.constant 32 : index
        %get3A_1119 = tpu.vector_load %arg8[%get3A_1117, %get3A_1118] {strides = array<i32>} : memref<96x144xf32, #tpu.memory_space<vmem>>, vector<16xf32>,
        %mul3A_1120 = arith.mulf %get3A_1119, %gather3A_1116 : vector<16xf32>
        %swap3A_1121 = arith.index_cast %add3A_1094 : i32 to index
        %swap3A_1122 = arith.constant 32 : index
        %swap3A_1123 = tpu.vector_load %arg8[%swap3A_1121, %swap3A_1122] {strides = array<i32>} : memref<96x144xf32, #tpu.memory_space<vmem>>, vector<16xf32>,
        tpu.vector_store %arg8[%swap3A_1121, %swap3A_1122], %mul3A_1120 {strides = array<i32>} : memref<96x144xf32, #tpu.memory_space<vmem>>, vector<16xf32>,
        %get3A_1124 = arith.index_cast %add3A_1094 : i32 to index
        %get3A_1125 = arith.constant 48 : index
        %get3A_1126 = tpu.vector_load %arg8[%get3A_1124, %get3A_1125] {strides = array<i32>} : memref<96x144xf32, #tpu.memory_space<vmem>>, vector<16xf32>,
        %mul3A_1127 = arith.mulf %get3A_1126, %gather3A_1116 : vector<16xf32>
        %swap3A_1128 = arith.index_cast %add3A_1094 : i32 to index
        %swap3A_1129 = arith.constant 48 : index
        %swap3A_1130 = tpu.vector_load %arg8[%swap3A_1128, %swap3A_1129] {strides = array<i32>} : memref<96x144xf32, #tpu.memory_space<vmem>>, vector<16xf32>,
        tpu.vector_store %arg8[%swap3A_1128, %swap3A_1129], %mul3A_1127 {strides = array<i32>} : memref<96x144xf32, #tpu.memory_space<vmem>>, vector<16xf32>,
        %add3A_1131 = arith.constant 2 : i32
        %add3A_1132 = arith.addi %mul3A_1096, %add3A_1131 : i32
        %broadcast_in_dim3A_1133 = vector.broadcast %add3A_1132 : i32 to vector<16xi32>
        %gather3A_1134 = tpu.vector_load_idx %arg13[%broadcast_in_dim3A_1133] : memref<384xf32, #tpu.memory_space<vmem>>[vector<16xi32>], vector<16xf32>,
        %get3A_1135 = arith.index_cast %add3A_1094 : i32 to index
        %get3A_1136 = arith.constant 64 : index
        %get3A_1137 = tpu.vector_load %arg8[%get3A_1135, %get3A_1136] {strides = array<i32>} : memref<96x144xf32, #tpu.memory_space<vmem>>, vector<16xf32>,
        %mul3A_1138 = arith.mulf %get3A_1137, %gather3A_1134 : vector<16xf32>
        %swap3A_1139 = arith.index_cast %add3A_1094 : i32 to index
        %swap3A_1140 = arith.constant 64 : index
        %swap3A_1141 = tpu.vector_load %arg8[%swap3A_1139, %swap3A_1140] {strides = array<i32>} : memref<96x144xf32, #tpu.memory_space<vmem>>, vector<16xf32>,
        tpu.vector_store %arg8[%swap3A_1139, %swap3A_1140], %mul3A_1138 {strides = array<i32>} : memref<96x144xf32, #tpu.memory_space<vmem>>, vector<16xf32>,
        %get3A_1142 = arith.index_cast %add3A_1094 : i32 to index
        %get3A_1143 = arith.constant 80 : index
        %get3A_1144 = tpu.vector_load %arg8[%get3A_1142, %get3A_1143] {strides = array<i32>} : memref<96x144xf32, #tpu.memory_space<vmem>>, vector<16xf32>,
        %mul3A_1145 = arith.mulf %get3A_1144, %gather3A_1134 : vector<16xf32>
        %swap3A_1146 = arith.index_cast %add3A_1094 : i32 to index
        %swap3A_1147 = arith.constant 80 : index
        %swap3A_1148 = tpu.vector_load %arg8[%swap3A_1146, %swap3A_1147] {strides = array<i32>} : memref<96x144xf32, #tpu.memory_space<vmem>>, vector<16xf32>,
        tpu.vector_store %arg8[%swap3A_1146, %swap3A_1147], %mul3A_1145 {strides = array<i32>} : memref<96x144xf32, #tpu.memory_space<vmem>>, vector<16xf32>,
        %add3A_1149 = arith.constant 3 : i32
        %add3A_1150 = arith.addi %mul3A_1096, %add3A_1149 : i32
        %broadcast_in_dim3A_1151 = vector.broadcast %add3A_1150 : i32 to vector<16xi32>
        %gather3A_1152 = tpu.vector_load_idx %arg13[%broadcast_in_dim3A_1151] : memref<384xf32, #tpu.memory_space<vmem>>[vector<16xi32>], vector<16xf32>,
        %get3A_1153 = arith.index_cast %add3A_1094 : i32 to index
        %get3A_1154 = arith.constant 96 : index
        %get3A_1155 = tpu.vector_load %arg8[%get3A_1153, %get3A_1154] {strides = array<i32>} : memref<96x144xf32, #tpu.memory_space<vmem>>, vector<16xf32>,
        %mul3A_1156 = arith.mulf %get3A_1155, %gather3A_1152 : vector<16xf32>
        %swap3A_1157 = arith.index_cast %add3A_1094 : i32 to index
        %swap3A_1158 = arith.constant 96 : index
        %swap3A_1159 = tpu.vector_load %arg8[%swap3A_1157, %swap3A_1158] {strides = array<i32>} : memref<96x144xf32, #tpu.memory_space<vmem>>, vector<16xf32>,
        tpu.vector_store %arg8[%swap3A_1157, %swap3A_1158], %mul3A_1156 {strides = array<i32>} : memref<96x144xf32, #tpu.memory_space<vmem>>, vector<16xf32>,
        %get3A_1160 = arith.index_cast %add3A_1094 : i32 to index
        %get3A_1161 = arith.constant 112 : index
        %get3A_1162 = tpu.vector_load %arg8[%get3A_1160, %get3A_1161] {strides = array<i32>} : memref<96x144xf32, #tpu.memory_space<vmem>>, vector<16xf32>,
        %mul3A_1163 = arith.mulf %get3A_1162, %gather3A_1152 : vector<16xf32>
        %swap3A_1164 = arith.index_cast %add3A_1094 : i32 to index
        %swap3A_1165 = arith.constant 112 : index
        %swap3A_1166 = tpu.vector_load %arg8[%swap3A_1164, %swap3A_1165] {strides = array<i32>} : memref<96x144xf32, #tpu.memory_space<vmem>>, vector<16xf32>,
        tpu.vector_store %arg8[%swap3A_1164, %swap3A_1165], %mul3A_1163 {strides = array<i32>} : memref<96x144xf32, #tpu.memory_space<vmem>>, vector<16xf32>,
        %and3A = arith.constant 3 : i32
        %and3A_1167 = vector.broadcast %and3A : i32 to vector<16xi32>
        %and3A_1168 = arith.andi %iota3A, %and3A_1167 : vector<16xi32>
        %add3A_1169 = vector.broadcast %mul3A_1096 : i32 to vector<16xi32>
        %add3A_1170 = arith.addi %add3A_1169, %and3A_1168 : vector<16xi32>
        %gather3A_1171 = tpu.vector_load_idx %arg13[%add3A_1170] : memref<384xf32, #tpu.memory_space<vmem>>[vector<16xi32>], vector<16xf32>,
        %get3A_1172 = arith.index_cast %add3A_1094 : i32 to index
        %get3A_1173 = arith.constant 128 : index
        %get3A_1174 = tpu.vector_load %arg8[%get3A_1172, %get3A_1173] {strides = array<i32>} : memref<96x144xf32, #tpu.memory_space<vmem>>, vector<16xf32>,
        %mul3A_1175 = arith.mulf %get3A_1174, %gather3A_1171 : vector<16xf32>
        %swap3A_1176 = arith.index_cast %add3A_1094 : i32 to index
        %swap3A_1177 = arith.constant 128 : index
        %swap3A_1178 = tpu.vector_load %arg8[%swap3A_1176, %swap3A_1177] {strides = array<i32>} : memref<96x144xf32, #tpu.memory_space<vmem>>, vector<16xf32>,
        tpu.vector_store %arg8[%swap3A_1176, %swap3A_1177], %mul3A_1175 {strides = array<i32>} : memref<96x144xf32, #tpu.memory_space<vmem>>, vector<16xf32>,
        %add3A_1179 = arith.constant 1 : i32
        %add3A_1180 = arith.addi %add3A_1092, %add3A_1179 : i32
        %mul3A_1181 = arith.constant 4 : i32
        %mul3A_1182 = arith.muli %mul3A_1181, %add3A_1180 : i32
        %add3A_1183 = arith.constant 0 : i32
        %add3A_1184 = arith.addi %mul3A_1182, %add3A_1183 : i32
        %broadcast_in_dim3A_1185 = vector.broadcast %add3A_1184 : i32 to vector<16xi32>
        %gather3A_1186 = tpu.vector_load_idx %arg13[%broadcast_in_dim3A_1185] : memref<384xf32, #tpu.memory_space<vmem>>[vector<16xi32>], vector<16xf32>,
        %get3A_1187 = arith.index_cast %add3A_1180 : i32 to index
        %get3A_1188 = arith.constant 0 : index
        %get3A_1189 = tpu.vector_load %arg8[%get3A_1187, %get3A_1188] {strides = array<i32>} : memref<96x144xf32, #tpu.memory_space<vmem>>, vector<16xf32>,
        %mul3A_1190 = arith.mulf %get3A_1189, %gather3A_1186 : vector<16xf32>
        %swap3A_1191 = arith.index_cast %add3A_1180 : i32 to index
        %swap3A_1192 = arith.constant 0 : index
        %swap3A_1193 = tpu.vector_load %arg8[%swap3A_1191, %swap3A_1192] {strides = array<i32>} : memref<96x144xf32, #tpu.memory_space<vmem>>, vector<16xf32>,
        tpu.vector_store %arg8[%swap3A_1191, %swap3A_1192], %mul3A_1190 {strides = array<i32>} : memref<96x144xf32, #tpu.memory_space<vmem>>, vector<16xf32>,
        %get3A_1194 = arith.index_cast %add3A_1180 : i32 to index
        %get3A_1195 = arith.constant 16 : index
        %get3A_1196 = tpu.vector_load %arg8[%get3A_1194, %get3A_1195] {strides = array<i32>} : memref<96x144xf32, #tpu.memory_space<vmem>>, vector<16xf32>,
        %mul3A_1197 = arith.mulf %get3A_1196, %gather3A_1186 : vector<16xf32>
        %swap3A_1198 = arith.index_cast %add3A_1180 : i32 to index
        %swap3A_1199 = arith.constant 16 : index
        %swap3A_1200 = tpu.vector_load %arg8[%swap3A_1198, %swap3A_1199] {strides = array<i32>} : memref<96x144xf32, #tpu.memory_space<vmem>>, vector<16xf32>,
        tpu.vector_store %arg8[%swap3A_1198, %swap3A_1199], %mul3A_1197 {strides = array<i32>} : memref<96x144xf32, #tpu.memory_space<vmem>>, vector<16xf32>,
        %add3A_1201 = arith.constant 1 : i32
        %add3A_1202 = arith.addi %mul3A_1182, %add3A_1201 : i32
        %broadcast_in_dim3A_1203 = vector.broadcast %add3A_1202 : i32 to vector<16xi32>
        %gather3A_1204 = tpu.vector_load_idx %arg13[%broadcast_in_dim3A_1203] : memref<384xf32, #tpu.memory_space<vmem>>[vector<16xi32>], vector<16xf32>,
        %get3A_1205 = arith.index_cast %add3A_1180 : i32 to index
        %get3A_1206 = arith.constant 32 : index
        %get3A_1207 = tpu.vector_load %arg8[%get3A_1205, %get3A_1206] {strides = array<i32>} : memref<96x144xf32, #tpu.memory_space<vmem>>, vector<16xf32>,
        %mul3A_1208 = arith.mulf %get3A_1207, %gather3A_1204 : vector<16xf32>
        %swap3A_1209 = arith.index_cast %add3A_1180 : i32 to index
        %swap3A_1210 = arith.constant 32 : index
        %swap3A_1211 = tpu.vector_load %arg8[%swap3A_1209, %swap3A_1210] {strides = array<i32>} : memref<96x144xf32, #tpu.memory_space<vmem>>, vector<16xf32>,
        tpu.vector_store %arg8[%swap3A_1209, %swap3A_1210], %mul3A_1208 {strides = array<i32>} : memref<96x144xf32, #tpu.memory_space<vmem>>, vector<16xf32>,
        %get3A_1212 = arith.index_cast %add3A_1180 : i32 to index
        %get3A_1213 = arith.constant 48 : index
        %get3A_1214 = tpu.vector_load %arg8[%get3A_1212, %get3A_1213] {strides = array<i32>} : memref<96x144xf32, #tpu.memory_space<vmem>>, vector<16xf32>,
        %mul3A_1215 = arith.mulf %get3A_1214, %gather3A_1204 : vector<16xf32>
        %swap3A_1216 = arith.index_cast %add3A_1180 : i32 to index
        %swap3A_1217 = arith.constant 48 : index
        %swap3A_1218 = tpu.vector_load %arg8[%swap3A_1216, %swap3A_1217] {strides = array<i32>} : memref<96x144xf32, #tpu.memory_space<vmem>>, vector<16xf32>,
        tpu.vector_store %arg8[%swap3A_1216, %swap3A_1217], %mul3A_1215 {strides = array<i32>} : memref<96x144xf32, #tpu.memory_space<vmem>>, vector<16xf32>,
        %add3A_1219 = arith.constant 2 : i32
        %add3A_1220 = arith.addi %mul3A_1182, %add3A_1219 : i32
        %broadcast_in_dim3A_1221 = vector.broadcast %add3A_1220 : i32 to vector<16xi32>
        %gather3A_1222 = tpu.vector_load_idx %arg13[%broadcast_in_dim3A_1221] : memref<384xf32, #tpu.memory_space<vmem>>[vector<16xi32>], vector<16xf32>,
        %get3A_1223 = arith.index_cast %add3A_1180 : i32 to index
        %get3A_1224 = arith.constant 64 : index
        %get3A_1225 = tpu.vector_load %arg8[%get3A_1223, %get3A_1224] {strides = array<i32>} : memref<96x144xf32, #tpu.memory_space<vmem>>, vector<16xf32>,
        %mul3A_1226 = arith.mulf %get3A_1225, %gather3A_1222 : vector<16xf32>
        %swap3A_1227 = arith.index_cast %add3A_1180 : i32 to index
        %swap3A_1228 = arith.constant 64 : index
        %swap3A_1229 = tpu.vector_load %arg8[%swap3A_1227, %swap3A_1228] {strides = array<i32>} : memref<96x144xf32, #tpu.memory_space<vmem>>, vector<16xf32>,
        tpu.vector_store %arg8[%swap3A_1227, %swap3A_1228], %mul3A_1226 {strides = array<i32>} : memref<96x144xf32, #tpu.memory_space<vmem>>, vector<16xf32>,
        %get3A_1230 = arith.index_cast %add3A_1180 : i32 to index
        %get3A_1231 = arith.constant 80 : index
        %get3A_1232 = tpu.vector_load %arg8[%get3A_1230, %get3A_1231] {strides = array<i32>} : memref<96x144xf32, #tpu.memory_space<vmem>>, vector<16xf32>,
        %mul3A_1233 = arith.mulf %get3A_1232, %gather3A_1222 : vector<16xf32>
        %swap3A_1234 = arith.index_cast %add3A_1180 : i32 to index
        %swap3A_1235 = arith.constant 80 : index
        %swap3A_1236 = tpu.vector_load %arg8[%swap3A_1234, %swap3A_1235] {strides = array<i32>} : memref<96x144xf32, #tpu.memory_space<vmem>>, vector<16xf32>,
        tpu.vector_store %arg8[%swap3A_1234, %swap3A_1235], %mul3A_1233 {strides = array<i32>} : memref<96x144xf32, #tpu.memory_space<vmem>>, vector<16xf32>,
        %add3A_1237 = arith.constant 3 : i32
        %add3A_1238 = arith.addi %mul3A_1182, %add3A_1237 : i32
        %broadcast_in_dim3A_1239 = vector.broadcast %add3A_1238 : i32 to vector<16xi32>
        %gather3A_1240 = tpu.vector_load_idx %arg13[%broadcast_in_dim3A_1239] : memref<384xf32, #tpu.memory_space<vmem>>[vector<16xi32>], vector<16xf32>,
        %get3A_1241 = arith.index_cast %add3A_1180 : i32 to index
        %get3A_1242 = arith.constant 96 : index
        %get3A_1243 = tpu.vector_load %arg8[%get3A_1241, %get3A_1242] {strides = array<i32>} : memref<96x144xf32, #tpu.memory_space<vmem>>, vector<16xf32>,
        %mul3A_1244 = arith.mulf %get3A_1243, %gather3A_1240 : vector<16xf32>
        %swap3A_1245 = arith.index_cast %add3A_1180 : i32 to index
        %swap3A_1246 = arith.constant 96 : index
        %swap3A_1247 = tpu.vector_load %arg8[%swap3A_1245, %swap3A_1246] {strides = array<i32>} : memref<96x144xf32, #tpu.memory_space<vmem>>, vector<16xf32>,
        tpu.vector_store %arg8[%swap3A_1245, %swap3A_1246], %mul3A_1244 {strides = array<i32>} : memref<96x144xf32, #tpu.memory_space<vmem>>, vector<16xf32>,
        %get3A_1248 = arith.index_cast %add3A_1180 : i32 to index
        %get3A_1249 = arith.constant 112 : index
        %get3A_1250 = tpu.vector_load %arg8[%get3A_1248, %get3A_1249] {strides = array<i32>} : memref<96x144xf32, #tpu.memory_space<vmem>>, vector<16xf32>,
        %mul3A_1251 = arith.mulf %get3A_1250, %gather3A_1240 : vector<16xf32>
        %swap3A_1252 = arith.index_cast %add3A_1180 : i32 to index
        %swap3A_1253 = arith.constant 112 : index
        %swap3A_1254 = tpu.vector_load %arg8[%swap3A_1252, %swap3A_1253] {strides = array<i32>} : memref<96x144xf32, #tpu.memory_space<vmem>>, vector<16xf32>,
        tpu.vector_store %arg8[%swap3A_1252, %swap3A_1253], %mul3A_1251 {strides = array<i32>} : memref<96x144xf32, #tpu.memory_space<vmem>>, vector<16xf32>,
        %and3A_1255 = arith.constant 3 : i32
        %and3A_1256 = vector.broadcast %and3A_1255 : i32 to vector<16xi32>
        %and3A_1257 = arith.andi %iota3A, %and3A_1256 : vector<16xi32>
        %add3A_1258 = vector.broadcast %mul3A_1182 : i32 to vector<16xi32>
        %add3A_1259 = arith.addi %add3A_1258, %and3A_1257 : vector<16xi32>
        %gather3A_1260 = tpu.vector_load_idx %arg13[%add3A_1259] : memref<384xf32, #tpu.memory_space<vmem>>[vector<16xi32>], vector<16xf32>,
        %get3A_1261 = arith.index_cast %add3A_1180 : i32 to index
        %get3A_1262 = arith.constant 128 : index
        %get3A_1263 = tpu.vector_load %arg8[%get3A_1261, %get3A_1262] {strides = array<i32>} : memref<96x144xf32, #tpu.memory_space<vmem>>, vector<16xf32>,
        %mul3A_1264 = arith.mulf %get3A_1263, %gather3A_1260 : vector<16xf32>
        %swap3A_1265 = arith.index_cast %add3A_1180 : i32 to index
        %swap3A_1266 = arith.constant 128 : index
        %swap3A_1267 = tpu.vector_load %arg8[%swap3A_1265, %swap3A_1266] {strides = array<i32>} : memref<96x144xf32, #tpu.memory_space<vmem>>, vector<16xf32>,
        tpu.vector_store %arg8[%swap3A_1265, %swap3A_1266], %mul3A_1264 {strides = array<i32>} : memref<96x144xf32, #tpu.memory_space<vmem>>, vector<16xf32>,
      }
      %scan3A_1066 = arith.constant 48 : i32
      %scan3A_1067 = arith.constant 0 : i32
      %scan3A_1068 = arith.constant 6 : i32
      %scan3A_1069 = arith.addi %scan3A_1067, %scan3A_1068 : i32
      %scan3A_1070 = arith.constant 1 : i32
      scf.for %scan3A_1088 = %scan3A_1067 to %scan3A_1069 step %scan3A_1070  : i32 {
        %mul3A_1089 = arith.constant 1 : i32
        %mul3A_1090 = arith.muli %scan3A_1088, %mul3A_1089 : i32
        %add3A_1091 = arith.constant 0 : i32
        %add3A_1092 = arith.addi %add3A_1091, %mul3A_1090 : i32
        %mul3A_1093 = arith.constant 16 : i32
        %mul3A_1094 = arith.muli %mul3A_1093, %add3A_1092 : i32
        %get3A = arith.index_cast %mul3A_1094 : i32 to index
        %get3A_1095 = tpu.vector_load %arg17[%get3A] {strides = array<i32>} : memref<96xi32, #tpu.memory_space<vmem>>, vector<16xi32>,
        %mul3A_1096 = arith.constant 16 : i32
        %mul3A_1097 = arith.muli %mul3A_1096, %add3A_1092 : i32
        %swap3A = arith.index_cast %mul3A_1097 : i32 to index
        %swap3A_1098 = tpu.vector_load %arg19[%swap3A] {strides = array<i32>} : memref<96xi32, #tpu.memory_space<vmem>>, vector<16xi32>,
        tpu.vector_store %arg19[%swap3A], %get3A_1095 {strides = array<i32>} : memref<96xi32, #tpu.memory_space<vmem>>, vector<16xi32>,
      }
      %scan3A_1071 = arith.constant 6 : i32
      %dma_start3A_1072 = arith.constant 0 : i32
      %dma_start3A_1073 = arith.constant 0 : i32
      %dma_start3A_1074 = tpu.memref_slice %arg21[%dma_start3A_1072, %dma_start3A_1073] : memref<10240x144xf32, #tpu.memory_space<vmem_shared>> -> memref<10240x144xf32, #tpu.memory_space<vmem_shared>>
      tpu.enqueue_indirect_dma source(%arg8 : memref<96x144xf32, #tpu.memory_space<vmem>>) target(%dma_start3A_1074 : memref<10240x144xf32, #tpu.memory_space<vmem_shared>>) offsets(%arg19 : memref<96xi32, #tpu.memory_space<vmem>>) semaphore(%arg33 : memref<!tpu.dma_semaphore, #tpu.memory_space<semaphore_mem>>) {add = true}
      %add3A_1075 = arith.constant 2 : i32
      %add3A_1076 = arith.addi %add3A_582, %add3A_1075 : i32
      %min3A_1077 = arith.constant 107 : i32
      %min3A_1078 = arith.minsi %add3A_1076, %min3A_1077 : i32
      %mul3A_1079 = arith.constant 10368 : i32
      %mul3A_1080 = arith.muli %add3A, %mul3A_1079 : i32
      %mul3A_1081 = arith.constant 96 : i32
      %mul3A_1082 = arith.muli %min3A_1078, %mul3A_1081 : i32
      %add3A_1083 = arith.addi %mul3A_1080, %mul3A_1082 : i32
      %dma_start3A_1084 = tpu.memref_slice %arg4[%add3A_1083] : memref<331776xi32, #tpu.memory_space<hbm>> -> memref<96xi32, #tpu.memory_space<hbm>>
      %dma_start3A_1085 = tpu.memref_slice %arg4[%add3A_1083] : memref<331776xi32, #tpu.memory_space<hbm>> -> memref<96xi32, #tpu.memory_space<hbm>>
      tpu.enqueue_dma source(%dma_start3A_1085 : memref<96xi32, #tpu.memory_space<hbm>>) target(%arg15 : memref<96xi32, #tpu.memory_space<vmem>>) target_semaphore(%arg29 : memref<!tpu.dma_semaphore, #tpu.memory_space<semaphore_mem>>)
      %dma_start3A_1086 = tpu.memref_slice %arg5[%add3A_1083] : memref<331776xi32, #tpu.memory_space<hbm>> -> memref<96xi32, #tpu.memory_space<hbm>>
      %dma_start3A_1087 = tpu.memref_slice %arg5[%add3A_1083] : memref<331776xi32, #tpu.memory_space<hbm>> -> memref<96xi32, #tpu.memory_space<hbm>>
      tpu.enqueue_dma source(%dma_start3A_1087 : memref<96xi32, #tpu.memory_space<hbm>>) target(%arg17 : memref<96xi32, #tpu.memory_space<vmem>>) target_semaphore(%arg31 : memref<!tpu.dma_semaphore, #tpu.memory_space<semaphore_mem>>)
    }
    %scan3A_45 = arith.constant 54 : i32
    %dma_wait3A = arith.constant 0 : i32
    %dma_wait3A_46 = arith.constant 0 : i32
    %dma_wait3A_47 = tpu.memref_slice %arg2[%dma_wait3A, %dma_wait3A_46] : memref<10240x144xf32, #tpu.memory_space<hbm>> -> memref<10240x144xf32, #tpu.memory_space<hbm>>
    tpu.wait_indirect_dma semaphore(%arg22 : memref<!tpu.dma_semaphore, #tpu.memory_space<semaphore_mem>>) src(%dma_wait3A_47 : memref<10240x144xf32, #tpu.memory_space<hbm>>) dst(%arg7 : memref<96x144xf32, #tpu.memory_space<vmem>>)
    %dma_wait3A_48 = arith.constant 0 : i32
    %dma_wait3A_49 = arith.constant 0 : i32
    %dma_wait3A_50 = tpu.memref_slice %arg3[%dma_wait3A_48, %dma_wait3A_49] : memref<10240x16xf32, #tpu.memory_space<hbm>> -> memref<10240x16xf32, #tpu.memory_space<hbm>>
    tpu.wait_indirect_dma semaphore(%arg24 : memref<!tpu.dma_semaphore, #tpu.memory_space<semaphore_mem>>) src(%dma_wait3A_50 : memref<10240x16xf32, #tpu.memory_space<hbm>>) dst(%arg9 : memref<96x16xf32, #tpu.memory_space<vmem>>)
    %dma_wait3A_51 = arith.constant 0 : i32
    %dma_wait3A_52 = arith.constant 0 : i32
    %dma_wait3A_53 = tpu.memref_slice %arg3[%dma_wait3A_51, %dma_wait3A_52] : memref<10240x16xf32, #tpu.memory_space<hbm>> -> memref<10240x16xf32, #tpu.memory_space<hbm>>
    tpu.wait_indirect_dma semaphore(%arg26 : memref<!tpu.dma_semaphore, #tpu.memory_space<semaphore_mem>>) src(%dma_wait3A_53 : memref<10240x16xf32, #tpu.memory_space<hbm>>) dst(%arg11 : memref<96x16xf32, #tpu.memory_space<vmem>>)
    %dma_wait3A_54 = arith.constant 0 : i32
    %dma_wait3A_55 = tpu.memref_slice %arg4[%dma_wait3A_54] : memref<331776xi32, #tpu.memory_space<hbm>> -> memref<96xi32, #tpu.memory_space<hbm>>
    %dma_wait3A_56 = arith.constant 0 : i32
    %dma_wait3A_57 = tpu.memref_slice %arg4[%dma_wait3A_56] : memref<331776xi32, #tpu.memory_space<hbm>> -> memref<96xi32, #tpu.memory_space<hbm>>
    tpu.wait_dma2 semaphore(%arg29 : memref<!tpu.dma_semaphore, #tpu.memory_space<semaphore_mem>>) src(%dma_wait3A_57 : memref<96xi32, #tpu.memory_space<hbm>>) dst(%arg15 : memref<96xi32, #tpu.memory_space<vmem>>)
    %dma_wait3A_58 = arith.constant 0 : i32
    %dma_wait3A_59 = tpu.memref_slice %arg5[%dma_wait3A_58] : memref<331776xi32, #tpu.memory_space<hbm>> -> memref<96xi32, #tpu.memory_space<hbm>>
    %dma_wait3A_60 = arith.constant 0 : i32
    %dma_wait3A_61 = tpu.memref_slice %arg5[%dma_wait3A_60] : memref<331776xi32, #tpu.memory_space<hbm>> -> memref<96xi32, #tpu.memory_space<hbm>>
    tpu.wait_dma2 semaphore(%arg31 : memref<!tpu.dma_semaphore, #tpu.memory_space<semaphore_mem>>) src(%dma_wait3A_61 : memref<96xi32, #tpu.memory_space<hbm>>) dst(%arg17 : memref<96xi32, #tpu.memory_space<vmem>>)
    %dma_wait3A_62 = arith.constant 0 : i32
    %dma_wait3A_63 = arith.constant 0 : i32
    %dma_wait3A_64 = tpu.memref_slice %arg21[%dma_wait3A_62, %dma_wait3A_63] : memref<10240x144xf32, #tpu.memory_space<vmem_shared>> -> memref<10240x144xf32, #tpu.memory_space<vmem_shared>>
    tpu.wait_indirect_dma semaphore(%arg33 : memref<!tpu.dma_semaphore, #tpu.memory_space<semaphore_mem>>) src(%arg8 : memref<96x144xf32, #tpu.memory_space<vmem>>) dst(%dma_wait3A_64 : memref<10240x144xf32, #tpu.memory_space<vmem_shared>>)
    %barrier3A_65 = arith.constant 0 : index
    tpu.barrier barrier_id(%barrier3A_65)
    %mul3A_66 = arith.constant 640 : i32
    %mul3A_67 = arith.muli %arg1, %mul3A_66 : i32
    %mul3A_68 = arith.constant 640 : i32
    %mul3A_69 = arith.muli %arg1, %mul3A_68 : i32
    "tpu.region"() ({
      %run_scoped3A = tpu.sem_alloc : memref<!tpu.dma_semaphore, #tpu.memory_space<semaphore_mem>>
      %dma_start3A_70 = arith.constant 0 : i32
      %dma_start3A_71 = tpu.memref_slice %arg6[%arg0, %mul3A_69, %dma_start3A_70] : memref<2x10240x144xf32, #tpu.memory_space<hbm>> -> memref<1x640x144xf32, #tpu.memory_space<hbm>>
      %dma_start3A_72 = tpu.memref_squeeze %dma_start3A_71 : memref<1x640x144xf32, #tpu.memory_space<hbm>> -> memref<640x144xf32, #tpu.memory_space<hbm>>
      %dma_start3A_73 = arith.constant 0 : i32
      %dma_start3A_74 = tpu.memref_slice %arg21[%mul3A_67, %dma_start3A_73] : memref<10240x144xf32, #tpu.memory_space<vmem_shared>> -> memref<640x144xf32, #tpu.memory_space<vmem_shared>>
      tpu.enqueue_dma source(%dma_start3A_74 : memref<640x144xf32, #tpu.memory_space<vmem_shared>>) target(%dma_start3A_72 : memref<640x144xf32, #tpu.memory_space<hbm>>) target_semaphore(%run_scoped3A : memref<!tpu.dma_semaphore, #tpu.memory_space<semaphore_mem>>)
      %dma_wait3A_75 = arith.constant 0 : i32
      %dma_wait3A_76 = tpu.memref_slice %arg6[%arg0, %mul3A_69, %dma_wait3A_75] : memref<2x10240x144xf32, #tpu.memory_space<hbm>> -> memref<1x640x144xf32, #tpu.memory_space<hbm>>
      %dma_wait3A_77 = tpu.memref_squeeze %dma_wait3A_76 : memref<1x640x144xf32, #tpu.memory_space<hbm>> -> memref<640x144xf32, #tpu.memory_space<hbm>>
      %dma_wait3A_78 = arith.constant 0 : i32
      %dma_wait3A_79 = tpu.memref_slice %arg21[%mul3A_67, %dma_wait3A_78] : memref<10240x144xf32, #tpu.memory_space<vmem_shared>> -> memref<640x144xf32, #tpu.memory_space<vmem_shared>>
      tpu.wait_dma2 semaphore(%run_scoped3A : memref<!tpu.dma_semaphore, #tpu.memory_space<semaphore_mem>>) src(%dma_wait3A_79 : memref<640x144xf32, #tpu.memory_space<vmem_shared>>) dst(%dma_wait3A_77 : memref<640x144xf32, #tpu.memory_space<hbm>>)
      tpu.yield
    }) : () -> ()
    return
  }
}

module attributes {stable_mosaic.version = 14 : i64} {
  func.func @body(%arg0: i32, %arg1: memref<2048x128xf32, #tpu.memory_space<vmem>>, %arg2: memref<128x128xf32, #tpu.memory_space<vmem>>, %arg3: memref<128x16xf32, #tpu.memory_space<vmem>>, %arg4: memref<2048x144xf32, #tpu.memory_space<vmem>>, %arg5: memref<2048x16xf32, #tpu.memory_space<vmem>>) attributes {dimension_semantics = [#tpu.dimension_semantics<arbitrary>], iteration_bounds = array<i64: 5>, scalar_prefetch = 0 : i64, scratch_operands = 0 : i64, tpu.core_type = #tpu.core_type<tc>, window_params = [{transform_indices = @transform_0, window_bounds = array<i64: 2048, 128>}, {pipeline_mode = #tpu.pipeline_mode<synchronous>, transform_indices = @transform_1, window_bounds = array<i64: 128, 128>}, {pipeline_mode = #tpu.pipeline_mode<synchronous>, transform_indices = @transform_2, window_bounds = array<i64: 128, 16>}, {transform_indices = @transform_3, window_bounds = array<i64: 2048, 144>}, {transform_indices = @transform_4, window_bounds = array<i64: 2048, 16>}]} {
    %get3A = arith.constant 0 : index
    %get3A_0 = arith.constant 0 : index
    %get3A_1 = vector.load %arg1[%get3A, %get3A_0] : memref<2048x128xf32, #tpu.memory_space<vmem>>, vector<2048x128xf32>
    %get3A_2 = arith.constant 0 : index
    %get3A_3 = arith.constant 0 : index
    %get3A_4 = vector.load %arg2[%get3A_2, %get3A_3] : memref<128x128xf32, #tpu.memory_space<vmem>>, vector<128x128xf32>
    %dot_general3A = arith.constant dense<0.000000e+00> : vector<2048x128xf32>
    %dot_general3A_5 = tpu.matmul %get3A_1, %get3A_4, %dot_general3A {dimension_numbers = #tpu.dot_dimension_numbers<[1], [0], [0], [1], [0, 0, 1, 1], [], []>, transpose_lhs_hint = false} : vector<2048x128xf32>, vector<128x128xf32>, vector<2048x128xf32> -> vector<2048x128xf32>
    %iota3A = tpu.iota {dimensions = array<i32: 1>} : vector<2048x16xi32>
    %lt3A = arith.constant 4 : i32
    %lt3A_6 = vector.broadcast %lt3A : i32 to vector<2048x16xi32>
    %lt3A_7 = arith.cmpi slt, %iota3A, %lt3A_6 : vector<2048x16xi32>
    %jit3A = arith.constant 1.000000e+00 : f32
    %jit3A_8 = arith.constant 0.000000e+00 : f32
    %broadcast_in_dim3A = vector.broadcast %jit3A : f32 to vector<2048x16xf32>
    %broadcast_in_dim3A_9 = vector.broadcast %jit3A_8 : f32 to vector<2048x16xf32>
    %select_n3A = arith.select %lt3A_7, %broadcast_in_dim3A, %broadcast_in_dim3A_9 : vector<2048x16xi1>, vector<2048x16xf32>
    %concatenate3A = tpu.concatenate %dot_general3A_5, %select_n3A in 1 : vector<2048x128xf32>, vector<2048x16xf32> -> vector<2048x144xf32>
    %swap3A = arith.constant 0 : index
    %swap3A_10 = arith.constant 0 : index
    %swap3A_11 = vector.load %arg4[%swap3A, %swap3A_10] : memref<2048x144xf32, #tpu.memory_space<vmem>>, vector<2048x144xf32>
    tpu.vector_store %arg4[%swap3A, %swap3A_10], %concatenate3A {strides = array<i32>} : memref<2048x144xf32, #tpu.memory_space<vmem>>, vector<2048x144xf32>,
    %get3A_12 = arith.constant 0 : index
    %get3A_13 = arith.constant 0 : index
    %get3A_14 = vector.load %arg3[%get3A_12, %get3A_13] : memref<128x16xf32, #tpu.memory_space<vmem>>, vector<128x16xf32>
    %dot_general3A_15 = arith.constant dense<0.000000e+00> : vector<2048x16xf32>
    %dot_general3A_16 = tpu.matmul %dot_general3A_5, %get3A_14, %dot_general3A_15 {dimension_numbers = #tpu.dot_dimension_numbers<[1], [0], [0], [1], [0, 0, 1, 1], [], []>, transpose_lhs_hint = false} : vector<2048x128xf32>, vector<128x16xf32>, vector<2048x16xf32> -> vector<2048x16xf32>
    %swap3A_17 = arith.constant 0 : index
    %swap3A_18 = arith.constant 0 : index
    %swap3A_19 = vector.load %arg5[%swap3A_17, %swap3A_18] : memref<2048x16xf32, #tpu.memory_space<vmem>>, vector<2048x16xf32>
    tpu.vector_store %arg5[%swap3A_17, %swap3A_18], %dot_general3A_16 {strides = array<i32>} : memref<2048x16xf32, #tpu.memory_space<vmem>>, vector<2048x16xf32>,
    return
  }
  func.func @transform_0(%arg0: i32) -> (i32, i32) {
    %c0_i32 = arith.constant 0 : i32
    %c0_i32_0 = arith.constant 0 : i32
    return %arg0, %c0_i32 : i32, i32
  }
  func.func @transform_1(%arg0: i32) -> (i32, i32) {
    %c0_i32 = arith.constant 0 : i32
    %c0_i32_0 = arith.constant 0 : i32
    %c0_i32_1 = arith.constant 0 : i32
    return %c0_i32, %c0_i32_0 : i32, i32
  }
  func.func @transform_2(%arg0: i32) -> (i32, i32) {
    %c0_i32 = arith.constant 0 : i32
    %c0_i32_0 = arith.constant 0 : i32
    %c0_i32_1 = arith.constant 0 : i32
    return %c0_i32, %c0_i32_0 : i32, i32
  }
  func.func @transform_3(%arg0: i32) -> (i32, i32) {
    %c0_i32 = arith.constant 0 : i32
    %c0_i32_0 = arith.constant 0 : i32
    return %arg0, %c0_i32 : i32, i32
  }
  func.func @transform_4(%arg0: i32) -> (i32, i32) {
    %c0_i32 = arith.constant 0 : i32
    %c0_i32_0 = arith.constant 0 : i32
    return %arg0, %c0_i32 : i32, i32
  }
}

module attributes {stable_mosaic.version = 14 : i64} {
  func.func @body(%arg0: i32, %arg1: memref<2x1024x144xf32, #tpu.memory_space<vmem>>, %arg2: memref<1024x128xf32, #tpu.memory_space<vmem>>, %arg3: memref<1x128xf32, #tpu.memory_space<vmem>>, %arg4: memref<1024x128xf32, #tpu.memory_space<vmem>>) attributes {dimension_semantics = [#tpu.dimension_semantics<arbitrary>], iteration_bounds = array<i64: 10>, scalar_prefetch = 0 : i64, scratch_operands = 0 : i64, tpu.core_type = #tpu.core_type<tc>, window_params = [{transform_indices = @transform_0, window_bounds = array<i64: 2, 1024, 144>}, {transform_indices = @transform_1, window_bounds = array<i64: 1024, 128>}, {pipeline_mode = #tpu.pipeline_mode<synchronous>, transform_indices = @transform_2, window_bounds = array<i64: 1, 128>}, {transform_indices = @transform_3, window_bounds = array<i64: 1024, 128>}]} {
    %get3A = arith.constant 0 : index
    %get3A_0 = arith.constant 0 : index
    %get3A_1 = arith.constant 0 : index
    %get3A_2 = vector.load %arg1[%get3A, %get3A_0, %get3A_1] : memref<2x1024x144xf32, #tpu.memory_space<vmem>>, vector<1x1024x144xf32>
    %get3A_3 = vector.shape_cast %get3A_2 : vector<1x1024x144xf32> to vector<1024x144xf32>
    %get3A_4 = arith.constant 1 : index
    %get3A_5 = arith.constant 0 : index
    %get3A_6 = arith.constant 0 : index
    %get3A_7 = vector.load %arg1[%get3A_4, %get3A_5, %get3A_6] : memref<2x1024x144xf32, #tpu.memory_space<vmem>>, vector<1x1024x144xf32>
    %get3A_8 = vector.shape_cast %get3A_7 : vector<1x1024x144xf32> to vector<1024x144xf32>
    %add3A = arith.addf %get3A_3, %get3A_8 : vector<1024x144xf32>
    %slice3A = vector.extract_strided_slice %add3A {offsets = [0, 0], sizes = [1024, 128], strides = [1, 1]} : vector<1024x144xf32> to vector<1024x128xf32>
    %slice3A_9 = vector.extract_strided_slice %add3A {offsets = [0, 128], sizes = [1024, 1], strides = [1, 1]} : vector<1024x144xf32> to vector<1024x1xf32>
    %slice3A_10 = vector.extract_strided_slice %slice3A {offsets = [0, 0], sizes = [1024, 32], strides = [1, 1]} : vector<1024x128xf32> to vector<1024x32xf32>
    %add3A_11 = arith.constant 1.000000e-16 : f32
    %add3A_12 = vector.broadcast %add3A_11 : f32 to vector<1024x1xf32>
    %add3A_13 = arith.addf %slice3A_9, %add3A_12 : vector<1024x1xf32>
    %div3A = vector.broadcast %add3A_13 : vector<1024x1xf32> to vector<1024x32xf32>
    %div3A_14 = arith.divf %slice3A_10, %div3A : vector<1024x32xf32>
    %slice3A_15 = vector.extract_strided_slice %add3A {offsets = [0, 129], sizes = [1024, 1], strides = [1, 1]} : vector<1024x144xf32> to vector<1024x1xf32>
    %slice3A_16 = vector.extract_strided_slice %slice3A {offsets = [0, 32], sizes = [1024, 32], strides = [1, 1]} : vector<1024x128xf32> to vector<1024x32xf32>
    %add3A_17 = arith.constant 1.000000e-16 : f32
    %add3A_18 = vector.broadcast %add3A_17 : f32 to vector<1024x1xf32>
    %add3A_19 = arith.addf %slice3A_15, %add3A_18 : vector<1024x1xf32>
    %div3A_20 = vector.broadcast %add3A_19 : vector<1024x1xf32> to vector<1024x32xf32>
    %div3A_21 = arith.divf %slice3A_16, %div3A_20 : vector<1024x32xf32>
    %slice3A_22 = vector.extract_strided_slice %add3A {offsets = [0, 130], sizes = [1024, 1], strides = [1, 1]} : vector<1024x144xf32> to vector<1024x1xf32>
    %slice3A_23 = vector.extract_strided_slice %slice3A {offsets = [0, 64], sizes = [1024, 32], strides = [1, 1]} : vector<1024x128xf32> to vector<1024x32xf32>
    %add3A_24 = arith.constant 1.000000e-16 : f32
    %add3A_25 = vector.broadcast %add3A_24 : f32 to vector<1024x1xf32>
    %add3A_26 = arith.addf %slice3A_22, %add3A_25 : vector<1024x1xf32>
    %div3A_27 = vector.broadcast %add3A_26 : vector<1024x1xf32> to vector<1024x32xf32>
    %div3A_28 = arith.divf %slice3A_23, %div3A_27 : vector<1024x32xf32>
    %slice3A_29 = vector.extract_strided_slice %add3A {offsets = [0, 131], sizes = [1024, 1], strides = [1, 1]} : vector<1024x144xf32> to vector<1024x1xf32>
    %slice3A_30 = vector.extract_strided_slice %slice3A {offsets = [0, 96], sizes = [1024, 32], strides = [1, 1]} : vector<1024x128xf32> to vector<1024x32xf32>
    %add3A_31 = arith.constant 1.000000e-16 : f32
    %add3A_32 = vector.broadcast %add3A_31 : f32 to vector<1024x1xf32>
    %add3A_33 = arith.addf %slice3A_29, %add3A_32 : vector<1024x1xf32>
    %div3A_34 = vector.broadcast %add3A_33 : vector<1024x1xf32> to vector<1024x32xf32>
    %div3A_35 = arith.divf %slice3A_30, %div3A_34 : vector<1024x32xf32>
    %concatenate3A = tpu.concatenate %div3A_14, %div3A_21, %div3A_28, %div3A_35 in 1 : vector<1024x32xf32>, vector<1024x32xf32>, vector<1024x32xf32>, vector<1024x32xf32> -> vector<1024x128xf32>
    %get3A_36 = arith.constant 0 : index
    %get3A_37 = arith.constant 0 : index
    %get3A_38 = vector.load %arg3[%get3A_36, %get3A_37] : memref<1x128xf32, #tpu.memory_space<vmem>>, vector<1x128xf32>
    %add3A_39 = vector.broadcast %get3A_38 : vector<1x128xf32> to vector<1024x128xf32>
    %add3A_40 = arith.addf %concatenate3A, %add3A_39 : vector<1024x128xf32>
    %gt3A = arith.constant 0.000000e+00 : f32
    %gt3A_41 = vector.broadcast %gt3A : f32 to vector<1024x128xf32>
    %gt3A_42 = arith.cmpf ogt, %add3A_40, %gt3A_41 : vector<1024x128xf32>
    %exp3A = math.exp %add3A_40 : vector<1024x128xf32>
    %sub3A = arith.constant 1.000000e+00 : f32
    %sub3A_43 = vector.broadcast %sub3A : f32 to vector<1024x128xf32>
    %sub3A_44 = arith.subf %exp3A, %sub3A_43 : vector<1024x128xf32>
    %select_n3A = arith.select %gt3A_42, %add3A_40, %sub3A_44 : vector<1024x128xi1>, vector<1024x128xf32>
    %get3A_45 = arith.constant 0 : index
    %get3A_46 = arith.constant 0 : index
    %get3A_47 = vector.load %arg2[%get3A_45, %get3A_46] : memref<1024x128xf32, #tpu.memory_space<vmem>>, vector<1024x128xf32>
    %add3A_48 = arith.addf %select_n3A, %get3A_47 : vector<1024x128xf32>
    %swap3A = arith.constant 0 : index
    %swap3A_49 = arith.constant 0 : index
    %swap3A_50 = vector.load %arg4[%swap3A, %swap3A_49] : memref<1024x128xf32, #tpu.memory_space<vmem>>, vector<1024x128xf32>
    tpu.vector_store %arg4[%swap3A, %swap3A_49], %add3A_48 {strides = array<i32>} : memref<1024x128xf32, #tpu.memory_space<vmem>>, vector<1024x128xf32>,
    return
  }
  func.func @transform_0(%arg0: i32) -> (i32, i32, i32) {
    %c0_i32 = arith.constant 0 : i32
    %c0_i32_0 = arith.constant 0 : i32
    %c0_i32_1 = arith.constant 0 : i32
    return %c0_i32, %arg0, %c0_i32_0 : i32, i32, i32
  }
  func.func @transform_1(%arg0: i32) -> (i32, i32) {
    %c0_i32 = arith.constant 0 : i32
    %c0_i32_0 = arith.constant 0 : i32
    return %arg0, %c0_i32 : i32, i32
  }
  func.func @transform_2(%arg0: i32) -> (i32, i32) {
    %c0_i32 = arith.constant 0 : i32
    %c0_i32_0 = arith.constant 0 : i32
    %c0_i32_1 = arith.constant 0 : i32
    return %c0_i32, %c0_i32_0 : i32, i32
  }
  func.func @transform_3(%arg0: i32) -> (i32, i32) {
    %c0_i32 = arith.constant 0 : i32
    %c0_i32_0 = arith.constant 0 : i32
    return %arg0, %c0_i32 : i32, i32
  }
}

</mosaic_0001>

<sc_bundles>
// kernel: kernel.5.cloned.1.call-start
scs
__scs_entry_jumppad:
0x0: {  	(pc) =	sbr.rel $0x88, $3  }
0x1: {  	(tag) =	ssettag $0x0;
	lr =	simm.s32 $0x1  }
0x2: {  	[smem:$0x3F9B] =	sst lr;
	_ =	strace $0xD0000000  }
0x3: {  	_ = 	snop  }
0x4: {  	_ = 	snop  }
0x5: {  	_ = 	snop  }
0x6: {  	_ = 	snop  }
0x7: {  	_ = 	snop  }
__scs_overlays_trampoline_lowered:
0x8: {  	[smem:$0x3FAA] =	sst s0  }
0x9: {  	[smem:$0x3FAB] =	sst s1  }
0xa: {  	[smem:$0x3FAC] =	sst s2  }
0xb: {  	[smem:$0x3FAD] =	sst s3  }
0xc: {  	[smem:$0x3FAE] =	sst s4  }
0xd: {  	[smem:$0x3FAF] =	sst s5  }
0xe: {  	[smem:$0x3FB0] =	sst s6  }
0xf: {  	[smem:$0x3FB1] =	sst s7  }
0x10: {  	[smem:$0x3FB2] =	sst s8  }
0x11: {  	[smem:$0x3FB3] =	sst s9;
	s0 =	simm.s32 @!p0 $0x0  }
0x12: {  	s1 =	sld [smem:$0x3F99];
	s0 =	simm.s32 @p0 $0x1  }
0x13: {  	[smem:$0x3FB4] =	sst s0;
	s0 =	simm.s32 @!p1 $0x0  }
0x14: {  	s2 =	sld [smem:$0x3F98];
	s0 =	simm.s32 @p1 $0x1  }
0x15: {  	[smem:$0x3FB5] =	sst s0;
	s0 =	simm.s32 @!p2 $0x0  }
0x16: {  	s3 =	sld [smem:$0x3FDB];
	s0 =	simm.s32 @p2 $0x1  }
0x17: {  	s4 =	simm.s32 $0x1BF5;
	[smem:$0x3FB7] =	sst s0  }
0x18: {  	s0 =	sld [smem:$0x3F9A];
	_ =	swait.ge [sflag:s4], $0x0  }
0x19: {  	s7 =	sld [smem:$0x3F9B]  }
0x1a: {  	s8 =	sadd.s32 $0xFFFFE003, lr  }
0x1b: {  	s9 =	sadd.s32 $0xFFFFFEF7, lr;
	s5 =	simm.s32 $0xFFFFFFFF;
	p2 =	slt.u32 s8, $0xFFFFF086  }
0x1c: {  	p1 =	slt.u32 s9, $0xF7A;
	s5 =	simm.s32 @!p2 $0x0  }
0x1d: {  	s5 =	simm.s32 @p1 $0x1;
	p0 =	seq.s32 s7, s2  }
0x1e: {  	s7 =	smul.u32 @!p0 $0xF7A, s2;
	p2 =	seq.s32 @!p0 s5, $0x0  }
0x1f: {  	s9 =	smul.u32 $0xF7A, s1;
	s8 =	simm.s32 @!p0 $0x1BF5;
	p2 =	por !p2, p0  }
0x20: {  	[sflag:s8] =	ssyncset.s32 @!p0 $0xFFFFF086;
	s6 =	sadd.s32 @!p0 s3, s7;
	s7 =	simm.s32 @!p0 $0x108  }
0x21: {  	s3 =	sadd.s32 s3, s9;
	s6 =	sadd.s32 @!p0 $0x88, s6;
	s7 =	simm.s32 @p2 $0x1082  }
0x22: {  	[simem:s7], [sflag:s8] =	dma.local @!p0 [hbm:s6], $0xF7A  }
0x23: {  	s9 =	sor.u32 $0xD0000000, s2;
	s6 =	simm.s32 $0x108;
	_ =	swait.ge @!p0 [sflag:s8], $0x0  }
0x24: {  	s3 =	sadd.s32 $0x88, s3;
	s6 =	simm.s32 @!p1 $0x1082;
	[sflag:s4] =	ssyncset.s32 $0xFFFFF086  }
0x25: {  	[simem:s6], [sflag:s4] =	dma.local [hbm:s3], $0xF7A  }
0x26: {  	[smem:$0x3F9B] =	sst s1;
	(tag) =	ssettag s2;
	_ =	strace s9  }
0x27: {  	s1 =	sld [smem:$0x3FAB]  }
0x28: {  	s2 =	sld [smem:$0x3FAC]  }
0x29: {  	s4 =	sld [smem:$0x3FAE]  }
0x2a: {  	p0 =	seq.s32 s5, $0x0;
	s5 =	sld [smem:$0x3FAF]  }
0x2b: {  	s6 =	sld [smem:$0x3FB0]  }
0x2c: {  	s7 =	sld [smem:$0x3FB1]  }
0x2d: {  	s3 =	simm.s32 $0x108;
	s8 =	sld [smem:$0x3FB2]  }
0x2e: {  	s3 =	simm.s32 @!p0 $0x1082;
	s9 =	sld [smem:$0x3FB3]  }
0x2f: {  	lr =	sadd.s32 s0, s3;
	s0 =	sld [smem:$0x3FAA]  }
0x30: {  	s3 =	sld [smem:$0x3FAD]  }
0x31: {  	[smem:$0x3FB6] =	sst s10  }
0x32: {  	s10 =	sld [smem:$0x3FB4];
	_ =	sdelay $0x3  }
0x33: {  	p0 =	seq.s32 s10, $0x1;
	s10 =	sld [smem:$0x3FB6];
	_ =	sdelay $0x3  }
0x34: {  	[smem:$0x3FB6] =	sst s10  }
0x35: {  	s10 =	sld [smem:$0x3FB5];
	_ =	sdelay $0x3  }
0x36: {  	p1 =	seq.s32 s10, $0x1;
	s10 =	sld [smem:$0x3FB6];
	_ =	sdelay $0x3  }
0x37: {  	[smem:$0x3FB6] =	sst s10  }
0x38: {  	s10 =	sld [smem:$0x3FB7]  }
0x39: {  	_ = 	snop;
	(pc) =	sbr.ind lr, $3  }
0x3a: {  	_ = 	snop  }
0x3b: {  	_ = 	snop  }
0x3c: {  	p2 =	seq.s32 s10, $0x1;
	s10 =	sld [smem:$0x3FB6]  }
0x3d: {  	_ =	shalt  }
0x3e: {  	_ =	shalt  }
0x3f: {  	_ =	shalt  }
0x40: {  	_ =	shalt  }
0x41: {  	_ =	shalt  }
0x42: {  	_ =	shalt  }
0x43: {  	_ =	shalt  }
0x44: {  	_ =	shalt  }
0x45: {  	_ =	shalt  }
0x46: {  	_ =	shalt  }
0x47: {  	_ =	shalt  }
0x48: {  	_ =	shalt  }
0x49: {  	_ =	shalt  }
0x4a: {  	_ =	shalt  }
0x4b: {  	_ =	shalt  }
0x4c: {  	_ =	shalt  }
0x4d: {  	_ =	shalt  }
0x4e: {  	_ =	shalt  }
0x4f: {  	_ =	shalt  }
0x50: {  	_ =	shalt  }
0x51: {  	_ =	shalt  }
0x52: {  	_ =	shalt  }
0x53: {  	_ =	shalt  }
0x54: {  	_ =	shalt  }
0x55: {  	_ =	shalt  }
0x56: {  	_ =	shalt  }
0x57: {  	_ =	shalt  }
0x58: {  	_ =	shalt  }
0x59: {  	_ =	shalt  }
0x5a: {  	_ =	shalt  }
0x5b: {  	_ =	shalt  }
0x5c: {  	_ =	shalt  }
0x5d: {  	_ =	shalt  }
0x5e: {  	_ =	shalt  }
0x5f: {  	_ =	shalt  }
0x60: {  	_ =	shalt  }
0x61: {  	_ =	shalt  }
0x62: {  	_ =	shalt  }
0x63: {  	_ =	shalt  }
0x64: {  	_ =	shalt  }
0x65: {  	_ =	shalt  }
0x66: {  	_ =	shalt  }
0x67: {  	_ =	shalt  }
0x68: {  	_ =	shalt  }
0x69: {  	_ =	shalt  }
0x6a: {  	_ =	shalt  }
0x6b: {  	_ =	shalt  }
0x6c: {  	_ =	shalt  }
0x6d: {  	_ =	shalt  }
0x6e: {  	_ =	shalt  }
0x6f: {  	_ =	shalt  }
0x70: {  	_ =	shalt  }
0x71: {  	_ =	shalt  }
0x72: {  	_ =	shalt  }
0x73: {  	_ =	shalt  }
0x74: {  	_ =	shalt  }
0x75: {  	_ =	shalt  }
0x76: {  	_ =	shalt  }
0x77: {  	_ =	shalt  }
0x78: {  	_ =	shalt  }
0x79: {  	_ =	shalt  }
0x7a: {  	_ =	shalt  }
0x7b: {  	_ =	shalt  }
0x7c: {  	_ =	shalt  }
0x7d: {  	_ =	shalt  }
0x7e: {  	_ =	shalt  }
0x7f: {  	_ =	shalt  }
0x80: {  	_ =	shalt  }
0x81: {  	_ =	shalt  }
0x82: {  	_ =	shalt  }
0x83: {  	_ =	shalt  }
0x84: {  	_ =	shalt  }
0x85: {  	_ =	shalt  }
0x86: {  	_ =	shalt  }
0x87: {  	_ =	shalt  }
.Lfunc_end0:
.L_simem_size_0:
called_computation_lowered:
.L_overlay_start_0:
0x88: {  	s2 =	sld [smem:$0x3FD9]  }
0x89: {  	s3 =	sld [smem:$0x3FFE];
	_ =	sdelay $0x1  }
0x8a: {  	s1 =	srdreg.scid  }
0x8b: {  	s0 =	sand.u32 $0x1, s1  }
0x8c: {  	s17 =	sshll.u32 s0, $0xA;
	s2 =	sadd.s32 s3, s2  }
0x8d: {  	s2 =	sadd.s32 s2, s17  }
0x8e: {  	[smem:$0x3FC2] =	sst s2  }
0x8f: {  	_ = 	snop  }
0x90: {  	s2 =	sld [smem:$0x3FD0];
	(tm) =	ssettm $0x1  }
0x91: {  	s18 =	sld [smem:$0x3FFB];
	_ =	sdelay $0x3  }
0x92: {  	_ =	strace s18  }
0x93: {  	s3 =	sld [smem:$0x3FFC];
	_ =	sdelay $0x3  }
0x94: {  	_ =	strace s3  }
0x95: {  	s3 =	sld [smem:$0x3FFD];
	_ =	sdelay $0x3  }
0x96: {  	_ =	strace s3  }
0x97: {  	_ =	strace $0x8FFFFFFF  }
0x98: {  	s19 =	sld [smem:$0x3FDB];
	_ =	sdelay $0x1  }
0x99: {  	s4 =	simm.s32 $_scs_section_size  }
0x9a: {  	s5 =	simm.s32 $_size__tile_overlayer_lowered;
	s6 =	simm.s32 $_tile_overlayer_lowered  }
0x9b: {  	s22 =	simm.s32 $0x1BFF;
	s21 =	sshll.u32 s6, $0x1;
	s3 =	sadd.s32 s4, s19  }
0x9c: {  	s7 =	simm.s32 $0x0;
	s20 =	sshll.u32 s5, $0x1;
	s5 =	sadd.s32 s21, s3  }
0x9d: {  	[timem:s7], [sflag:s22] =	dma.local [hbm:s5], s20  }
0x9e: {  	_ =	swait.ge [sflag:s22], s20  }
0x9f: {  	s4 =	ssub.s32 $0x0, s20;
	[sflag:s22] =	ssyncset.done $0x0  }
0xa0: {  	[sflag:s22] =	ssyncadd.s32 s4;
	_ =	sdelay $0x1  }
0xa1: {  	s23 =	simm.s32 $0x1B8B  }
0xa2: {  	_ =	swait.ge [sflag:s23], $0x1  }
0xa3: {  	[sflag:s23] =	ssyncset.done $0x0  }
0xa4: {  	s25 =	simm.s32 $0x1B8E;
	s24 =	sld [smem:$0x3FFE];
	[sflag:s23] =	ssyncadd.s32 $0xFFFFFFFF  }
0xa5: {  	s26 =	simm.s32 $execute0_lowered;
	[smem:$0x3FD2] =	sst s25  }
0xa6: {  	s5 =	sshll.u32 s26, $0x1;
	_ =	strace $0x80000046;
	[dreg:$0x1] =	wrdreg $0xFFFFFFFF  }
0xa7: {  	s28 =	simm.s32 $_size_execute0_lowered;
	s3 =	sadd.s32 s3, s5;
	[dreg:$0x0] =	wrdreg $0x0  }
0xa8: {  	s5 =	sshll.u32 s28, $0x1;
	[dreg:$0x2] =	wrdreg s3  }
0xa9: {  	[dreg:$0x3] =	wrdreg s5  }
0xaa: {  	[dreg:$0x4] =	wrdreg $0xC0  }
0xab: {  	_ =	task [dreg:s7], $0x5FFFF  }
0xac: {  	[dreg:$0x1] =	wrdreg $0xFFFFFFFF  }
0xad: {  	[dreg:$0x0] =	wrdreg $0x60  }
0xae: {  	[dreg:$0x2] =	wrdreg s24  }
0xaf: {  	[dreg:$0x3] =	wrdreg s2  }
0xb0: {  	[dreg:$0x4] =	wrdreg $0x90C00  }
0xb1: {  	[dreg:$0x5] =	wrdreg $0x9  }
0xb2: {  	_ =	task.clear_ibuf [dreg:s7], $0x6FFFF;
	_ =	strace $0x90000046  }
0xb3: {  	s29 =	simm.s32 $0x9;
	_ =	strace $0x80000048  }
0xb4: {  	_ =	swait.ge [sflag:s29], $0x1  }
0xb5: {  	[sflag:s29] =	ssyncadd.s32 $0xFFFFFFFF  }
0xb6: {  	_ =	strace $0x90000048  }
0xb7: {  	_ =	sfence  }
0xb8: {  	s30 =	sld [smem:$0x0];
	_ =	sdelay $0x2  }
0xb9: {  	s31 =	sshll.u32 s1, $0xD;
	s1 =	sshrl.u32 s1, $0x2  }
0xba: {  	s3 =	sand.u32 $0x4000, s31;
	s1 =	sadd.s32 s1, s30  }
0xbb: {  	s0 =	sor.u32 s3, s0;
	s1 =	sshll.u32 s1, $0x11  }
0xbc: {  	s0 =	sor.u32 s1, s0  }
0xbd: {  	s0 =	sadd.s32 $0x8F2B, s0  }
0xbe: {  	[sflag:s0] =	ssyncadd.remote.s32 $0x1  }
0xbf: {  	_ =	sfence.sel $0xFFFF  }
0xc0: {  	[dreg:$0x0] =	wrdreg $0xFFFFFFFF;
	(pc) =	sbr.abs _section_cstart, $3  }
0xc1: {  	[dreg:$0x1] =	wrdreg $0xFFFFFFFF  }
0xc2: {  	_ =	task.clear_ibuf [dreg:s7], $0x2FFFF;
	_ =	strace $0x9FFFFFFF  }
0xc3: {  	(tm) =	ssettm $0x7FFFFFFF  }
tec
execute0_lowered:
.L_overlay_start_1:
0x0: {  	(tag) =	ssettag $0x1  }
0x1: {  	s0 =	rddreg [dreg:$0x0]  }
0x2: {  	s25 =	rddreg [dreg:$0x1]  }
0x3: {  	v0 =	vlaneseq.u32;
	s10 =	rddreg [dreg:$0x2]  }
0x4: {  	s1 =	srdreg.scid;
	s4 =	simm.s32 $0x0;
	s11 =	stileid.u32;
	v1 =	vmul.u32 $0x10, v0  }
0x5: {  	v2 =	vimm.f32 $0.0e+00;
	s17 =	simm.s32 $0x87C0;
	s28 =	simm.s32 $0x86A0;
	s30 =	simm.s32 $0x8;
	v4 =	vmul.u32 $0x4, v0  }
0x6: {  	s31 =	simm.s32 $0xA;
	s14 =	simm.s32 $0x8400;
	vm0 =	vcmask $0x300;
	s13 =	simm.s32 $0x0;
	v19 =	vor.u32 $0x4, v1;
	v20 =	vor.u32 $0x1, v1  }
0x7: {  	s1 =	sand.u32 $0x1, s1;
	[smem:$0x7FF] =	sst s4;
	s3 =	smul.u32 $0x16800, s11;
	v21 =	vor.u32 $0x5, v1;
	v22 =	vor.u32 $0x1, v4;
	v0 =	vor.u32 $0x2, v1  }
0x8: {  	s5 =	sadd.s32 $0xA800, s0;
	s22 =	smul.u32 $0x5A000, s11;
	s6 =	sshll.u32 s1, $0x4;
	v27 =	vor.u32 $0x200, v1;
	v28 =	vor.u32 $0x204, v1;
	[tilespmem:$0x1FEE0] =	vst v0;
	v0 =	vor.u32 $0x6, v1  }
0x9: {  	s2 =	smul.u32 $0x168000, s1;
	s1 =	ssub.s32 $0x2, s1;
	s7 =	sor.u32 s11, s6;
	v29 =	vor.u32 $0x80, v4;
	v30 =	vor.u32 $0x201, v1;
	[tilespmem:$0x1FEF0] =	vst v0;
	v0 =	vor.u32 $0x2, v4  }
0xa: {  	s6 =	sadd.s32 $0x37800, s0;
	s18 =	sshrl.u32 s1, $0x1;
	v31 =	vor.u32 $0x205, v1;
	v32 =	vor.u32 $0x81, v4;
	_ =	strace $0x80000047;
	[tilespmem:$0x1FF00] =	vst v0;
	v0 =	vor.u32 $0x3, v1  }
0xb: {  	s26 =	sadd.s32 s3, s10;
	s29 =	sshrl.u32 s22, $0x2;
	v33 =	vor.u32 $0x202, v1;
	v34 =	vor.u32 $0x206, v1;
	s22 =	simm.s32 $0x8580;
	[tilespmem:$0x1FF10] =	vst v0;
	v0 =	vor.u32 $0x7, v1  }
0xc: {  	v35 =	vor.u32 $0x82, v4;
	v36 =	vor.u32 $0x203, v1;
	s11 =	simm.s32 $0x5;
	s2 =	sadd.s32 s3, s2;
	s8 =	smul.u32 $0x2880, s7;
	[tilespmem:$0x1FF20] =	vst v0;
	v0 =	vor.u32 $0x3, v4  }
0xd: {  	v37 =	vor.u32 $0x207, v1;
	v38 =	vor.u32 $0x83, v4;
	s7 =	sadd.s32 $0x600, s0;
	s1 =	ssub.s32 s1, s18;
	s16 =	sadd.s32 s29, s10;
	[tilespmem:$0x1FF30] =	vst v0;
	v0 =	vor.u32 $0x100, v1  }
0xe: {  	v39 =	vor.u32 $0x300, v1;
	v40 =	vor.u32 $0x304, v1;
	s18 =	simm.s32 $0xD;
	s3 =	simm.s32 $0x7200;
	s2 =	sshrl.u32 s2, $0x3;
	[tilespmem:$0x1FF40] =	vst v0;
	v0 =	vor.u32 $0x104, v1  }
0xf: {  	v41 =	vor.u32 $0xC0, v4;
	v42 =	vor.u32 $0x301, v1;
	s10 =	simm.s32 $0x3;
	s1 =	smax.u32 s1, $0x1;
	s0 =	sadd.s32 s2, s0;
	[tilespmem:$0x1FF50] =	vst v0;
	v0 =	vor.u32 $0x40, v4  }
0x10: {  	v43 =	vor.u32 $0x305, v1;
	v44 =	vor.u32 $0xC1, v4;
	s9 =	sshrl.u32 s8, $0x3;
	s23 =	sadd.s32 $0xC0, s8;
	[dreg:$0xb] =	wrdreg s1;
	[tilespmem:$0x1FF60] =	vst v0;
	v0 =	vor.u32 $0x101, v1  }
0x11: {  	v45 =	vor.u32 $0x302, v1;
	v46 =	vor.u32 $0x306, v1;
	s24 =	sadd.s32 $0x120, s8;
	s8 =	simm.s32 $0x7E00;
	[dreg:$0x8] =	wrdreg s23;
	[tilespmem:$0x1FF70] =	vst v0;
	v0 =	vor.u32 $0x105, v1  }
0x12: {  	v47 =	vor.u32 $0xC2, v4;
	v48 =	vor.u32 $0x303, v1;
	s1 =	simm.s32 $0x2;
	s19 =	sadd.s32 s25, s9;
	[dreg:$0x9] =	wrdreg s24;
	[tilespmem:$0x1FF80] =	vst v0;
	v0 =	vor.u32 $0x41, v4  }
0x13: {  	v49 =	vor.u32 $0x307, v1;
	v50 =	vor.u32 $0xC3, v4;
	s20 =	sor.u32 $0xC, s9;
	s9 =	sadd.s32 s7, s9;
	[dreg:$0x4] =	wrdreg s19;
	[tilespmem:$0x1FF90] =	vst v0;
	v0 =	vor.u32 $0x102, v1  }
0x14: {  	v51 =	vor.u32 $0x400, v1;
	v52 =	vor.u32 $0x404, v1;
	s0 =	sadd.s32 $0x3C800, s0;
	s23 =	simm.s32 $0x3600;
	[dreg:$0x5] =	wrdreg s9;
	[tilespmem:$0x1FFA0] =	vst v0;
	v0 =	vor.u32 $0x106, v1  }
0x15: {  	v53 =	vor.u32 $0x100, v4;
	v54 =	vor.u32 $0x401, v1;
	s24 =	simm.s32 $0x6C00;
	s21 =	sadd.s32 s25, s20;
	[dreg:$0xa] =	wrdreg s0;
	[tilespmem:$0x1FFB0] =	vst v0;
	v0 =	vor.u32 $0x42, v4  }
0x16: {  	v55 =	vor.u32 $0x405, v1;
	v56 =	vor.u32 $0x101, v4;
	s2 =	sadd.s32 s7, s20;
	s19 =	simm.s32 $0x60;
	[dreg:$0x6] =	wrdreg s21;
	[tilespmem:$0x1FFC0] =	vst v0;
	v0 =	vor.u32 $0x103, v1  }
0x17: {  	v57 =	vor.u32 $0x402, v1;
	v58 =	vor.u32 $0x406, v1;
	s0 =	sshrl.u32 s26, $0x3;
	s26 =	simm.s32 $0x7800;
	[dreg:$0x7] =	wrdreg s2;
	[tilespmem:$0x1FFD0] =	vst v0;
	v0 =	vor.u32 $0x107, v1  }
0x18: {  	v59 =	vor.u32 $0x102, v4;
	v60 =	vor.u32 $0x403, v1;
	s9 =	simm.s32 $0x1;
	s20 =	simm.s32 $0xB;
	[dreg:$0xc] =	wrdreg s0;
	[tilespmem:$0x1FFE0] =	vst v0;
	v0 =	vor.u32 $0x43, v4  }
0x19: {  	v61 =	vor.u32 $0x407, v1;
	v62 =	vor.u32 $0x103, v4;
	v63 =	vor.u32 $0x500, v1;
	s21 =	simm.s32 $0x85E0;
	s0 =	simm.s32 $0xC;
	s2 =	simm.s32 $0x6;
	[tilespmem:$0x1FFF0] =	vst v0  }
.LBB2_1:
0x1a: {  	[dreg:$0xd] =	wrdreg s13;
	s12 =	simm.s32 $0x0;
	s13 =	simm.s32 $0x240  }
.LBB2_2:
0x1b: {  	p0 =	sne.s32 s13, $0x21C0;
	[tilespmem:s12+$0x8840] =	vst v2  }
0x1c: {  	[tilespmem:s12+$0x87C0] =	vst v2  }
0x1d: {  	[tilespmem:s12+$0x87D0] =	vst v2  }
0x1e: {  	[tilespmem:s12+$0x87E0] =	vst v2  }
.Ltmp0:
0x1f: {  	[tilespmem:s12+$0x87F0] =	vst v2;
	(pc) =	sbr.rel @p0 .LBB2_2-.Ltmp0, $4  }
0x20: {  	[tilespmem:s12+$0x8800] =	vst v2  }
0x21: {  	[tilespmem:s12+$0x8810] =	vst v2  }
0x22: {  	[tilespmem:s12+$0x8820] =	vst v2  }
0x23: {  	[tilespmem:s12+$0x8830] =	vst v2;
	s12 =	sshra.s32 s13, $0x2;
	s13 =	sadd.s32 $0x240, s13  }
0x24: {  	[tilespmem:s12+$0x8840] =	vst v2  }
0x25: {  	[tilespmem:s12+$0x87C0] =	vst v2  }
0x26: {  	[tilespmem:s12+$0x87D0] =	vst v2  }
0x27: {  	[tilespmem:s12+$0x87E0] =	vst v2  }
0x28: {  	[tilespmem:s12+$0x87F0] =	vst v2  }
0x29: {  	[tilespmem:s12+$0x8800] =	vst v2  }
0x2a: {  	[tilespmem:s12+$0x8810] =	vst v2  }
0x2b: {  	[tilespmem:s12+$0x8820] =	vst v2  }
0x2c: {  	[tilespmem:s12+$0x8830] =	vst v2;
	s29 =	sadd.s32 $0x0, s16  }
0x2d: {  	[spmem:s29] =	stream.linear.scatter [tilespmem:s17], [sflag:$0xD], $0x900, $0x38;
	[tilespmem:$0x1F8C0] =	vst v63  }
0x2e: {  	s12 =	simm.s32 $0x2400;
	_ =	swait.ge [sflag:s18], $0x900  }
.LBB2_4:
0x2f: {  	s13 =	sshra.s32 s12, $0x2;
	[sflag:s18] =	ssyncset.done $0x0;
	p0 =	sne.s32 s12, $0x57C00  }
.Ltmp1:
0x30: {  	s13 =	sadd.s32 s13, s16;
	[sflag:s18] =	ssyncadd.s32 $0xFFFFF700;
	(pc) =	sbr.rel @p0 .LBB2_4-.Ltmp1, $3  }
0x31: {  	[spmem:s13] =	stream.linear.scatter [tilespmem:s17], [sflag:$0xD], $0x900, $0x38;
	[tilespmem:$0x1F8C0] =	vst v63  }
0x32: {  	s12 =	sadd.s32 $0x2400, s12;
	_ =	sdelay $0x1  }
0x33: {  	_ =	swait.ge [sflag:s18], $0x900  }
0x34: {  	[sflag:s18] =	ssyncset.done $0x0  }
0x35: {  	[sflag:s18] =	ssyncadd.s32 $0xFFFFF700  }
0x36: {  	s12 =	simm.s32 $0x0;
	s13 =	simm.s32 $0x240;
	[bflag:$0x0] =	sbarrier.arrive $0xFFFF  }
.LBB2_6:
0x37: {  	p0 =	sne.s32 s13, $0xD5C0;
	[tilespmem:s12+$0x3680] =	vst v2  }
0x38: {  	[tilespmem:s12+$0x3600] =	vst v2  }
0x39: {  	[tilespmem:s12+$0x3610] =	vst v2  }
0x3a: {  	[tilespmem:s12+$0x3620] =	vst v2  }
.Ltmp2:
0x3b: {  	[tilespmem:s12+$0x3630] =	vst v2;
	(pc) =	sbr.rel @p0 .LBB2_6-.Ltmp2, $4  }
0x3c: {  	[tilespmem:s12+$0x3640] =	vst v2  }
0x3d: {  	[tilespmem:s12+$0x3650] =	vst v2  }
0x3e: {  	[tilespmem:s12+$0x3660] =	vst v2  }
0x3f: {  	[tilespmem:s12+$0x3670] =	vst v2;
	s12 =	sshra.s32 s13, $0x2;
	s13 =	sadd.s32 $0x240, s13  }
0x40: {  	[tilespmem:s12+$0x3680] =	vst v2  }
0x41: {  	[tilespmem:s12+$0x3600] =	vst v2  }
0x42: {  	[tilespmem:s12+$0x3610] =	vst v2  }
0x43: {  	[tilespmem:s12+$0x3620] =	vst v2  }
0x44: {  	[tilespmem:s12+$0x3630] =	vst v2  }
0x45: {  	[tilespmem:s12+$0x3640] =	vst v2  }
0x46: {  	[tilespmem:s12+$0x3650] =	vst v2  }
0x47: {  	[tilespmem:s12+$0x3660] =	vst v2  }
0x48: {  	[tilespmem:s12+$0x3670] =	vst v2;
	v0 =	vimm.s32 $0x0  }
0x49: {  	[tilespmem:$0x8760] =	vst v0  }
0x4a: {  	[tilespmem:$0x8770] =	vst v0  }
0x4b: {  	[tilespmem:$0x8780] =	vst v0  }
0x4c: {  	[tilespmem:$0x8790] =	vst v0  }
0x4d: {  	[tilespmem:$0x87A0] =	vst v0  }
0x4e: {  	s29 =	rddreg [dreg:$0x2];
	s13 =	simm.s32 $0x8760;
	[tilespmem:$0x87B0] =	vst v0  }
0x4f: {  	[spmem:s29] =	stream.indirect.scatter.add.f32 [tilespmem:s23], [sflag:$0xC], $0x90, s13, s19, $0xb8;
	[tilespmem:$0x1F8C0] =	vst v63  }
0x50: {  	s12 =	simm.s32 $0x0;
	s15 =	rddreg [dreg:$0x4]  }
0x51: {  	[tilespmem:s22], [sflag:$0xD] =	stream.linear.gather [hbm4b:s15+s12], $0x60, $0x38;
	[tilespmem:$0x1F8C0] =	vst v63  }
0x52: {  	_ =	swait.ge [sflag:s18], $0x60  }
0x53: {  	[sflag:s18] =	ssyncset.done $0x0  }
0x54: {  	s15 =	simm.s32 $0x8640;
	s29 =	rddreg [dreg:$0x5];
	[sflag:s18] =	ssyncadd.s32 $0xFFFFFFA0  }
0x55: {  	[tilespmem:s15], [sflag:$0xD] =	stream.linear.gather [hbm4b:s29+s12], $0x60, $0x38;
	[tilespmem:$0x1F8C0] =	vst v63  }
0x56: {  	_ =	swait.ge [sflag:s18], $0x60  }
0x57: {  	[sflag:s18] =	ssyncset.done $0x0  }
0x58: {  	[sflag:s18] =	ssyncadd.s32 $0xFFFFFFA0  }
0x59: {  	[tilespmem:s12], [sflag:$0x1] =	stream.indirect.gather [hbm4b:s5+s19], $0x90, s22, s19, $0xb8;
	[tilespmem:$0x1F8C0] =	vst v63  }
0x5a: {  	_ = 	snop  }
0x5b: {  	[tilespmem:s24], [sflag:$0x3] =	stream.indirect.gather [hbm4b:s6+s19], $0x10, s22, s19, $0xb8;
	[tilespmem:$0x1F8C0] =	vst v63  }
0x5c: {  	_ = 	snop  }
0x5d: {  	[tilespmem:s26], [sflag:$0x5] =	stream.indirect.gather [hbm4b:s6+s19], $0x10, s15, s19, $0xb8;
	[tilespmem:$0x1F8C0] =	vst v63  }
0x5e: {  	s15 =	rddreg [dreg:$0x6]  }
0x5f: {  	[tilespmem:s21], [sflag:$0x8] =	stream.linear.gather [hbm4b:s15+s12], $0x60, $0x38;
	[tilespmem:$0x1F8C0] =	vst v63  }
0x60: {  	s29 =	rddreg [dreg:$0x7]  }
0x61: {  	[tilespmem:s28], [sflag:$0xA] =	stream.linear.gather [hbm4b:s29+s12], $0x60, $0x38;
	[tilespmem:$0x1F8C0] =	vst v63  }
.LBB2_8:
0x62: {  	_ =	swait.ge [sflag:s30], $0x60  }
0x63: {  	[sflag:s30] =	ssyncset.done $0x0  }
0x64: {  	[sflag:s30] =	ssyncadd.s32 $0xFFFFFFA0  }
0x65: {  	_ =	swait.ge [sflag:s31], $0x60  }
0x66: {  	[sflag:s31] =	ssyncset.done $0x0  }
0x67: {  	[sflag:s31] =	ssyncadd.s32 $0xFFFFFFA0  }
0x68: {  	_ =	swait.ge [sflag:s0], $0x3600  }
0x69: {  	[sflag:s0] =	ssyncset.done $0x0  }
0x6a: {  	[sflag:s0] =	ssyncadd.s32 $0xFFFFCA00  }
0x6b: {  	[tilespmem:s23], [sflag:$0x2] =	stream.indirect.gather [hbm4b:s5+s19], $0x90, s21, s19, $0xb8;
	[tilespmem:$0x1F8C0] =	vst v63  }
0x6c: {  	_ = 	snop  }
0x6d: {  	[tilespmem:s3], [sflag:$0x4] =	stream.indirect.gather [hbm4b:s6+s19], $0x10, s21, s19, $0xb8;
	[tilespmem:$0x1F8C0] =	vst v63  }
0x6e: {  	_ = 	snop  }
0x6f: {  	[tilespmem:s8], [sflag:$0x6] =	stream.indirect.gather [hbm4b:s6+s19], $0x10, s28, s19, $0xb8;
	[tilespmem:$0x1F8C0] =	vst v63  }
0x70: {  	_ =	swait.ge [sflag:s9], $0x3600  }
0x71: {  	[sflag:s9] =	ssyncset.done $0x0  }
0x72: {  	[sflag:s9] =	ssyncadd.s32 $0xFFFFCA00  }
0x73: {  	_ =	swait.ge [sflag:s10], $0x600  }
0x74: {  	[sflag:s10] =	ssyncset.done $0x0  }
0x75: {  	[sflag:s10] =	ssyncadd.s32 $0xFFFFFA00  }
0x76: {  	_ =	swait.ge [sflag:s11], $0x600  }
0x77: {  	[sflag:s11] =	ssyncset.done $0x0  }
0x78: {  	[sflag:s11] =	ssyncadd.s32 $0xFFFFFA00  }
0x79: {  	v0 =	vld.idx.msk [tilespmem:v1+s24+$0x0], $0xffff  }
0x7a: {  	v3 =	vld.idx.msk [tilespmem:v19+s26+$0x0], $0xffff;
	_ =	sdelay $0x4  }
0x7b: {  	v0 =	vadd.f32 v3, v0;
	_ =	sdelay $0x1  }
0x7c: {  	v3 =	vmul.f32 $2.000000030e-01, v0;
	_ =	sdelay $0x1  }
0x7d: {  	v0 =	vmax.f32 v0, v3  }
0x7e: {  	v0 =	vmul.f32 $1.442695020e+00, v0;
	_ =	sdelay $0x1  }
0x7f: {  	(erf) = vpow2.f32 v0;
	_ =	sdelay $0x8  }
0x80: {  	v0 =	vpop (erf)  }
0x81: {  	[tilespmem:v4+s14+$0x0] =	vst.idx.msk $0xffff, v0  }
0x82: {  	v0 =	vld.idx.msk [tilespmem:v20+s24+$0x0], $0xffff  }
0x83: {  	v3 =	vld.idx.msk [tilespmem:v21+s26+$0x0], $0xffff;
	_ =	sdelay $0x4  }
0x84: {  	v0 =	vadd.f32 v3, v0;
	_ =	sdelay $0x1  }
0x85: {  	v3 =	vmul.f32 $2.000000030e-01, v0;
	_ =	sdelay $0x1  }
0x86: {  	v0 =	vmax.f32 v0, v3  }
0x87: {  	v0 =	vmul.f32 $1.442695020e+00, v0;
	_ =	sdelay $0x1  }
0x88: {  	(erf) = vpow2.f32 v0;
	_ =	sdelay $0x8  }
0x89: {  	v3 =	vld [tilespmem:$0x1FEF0];
	v0 =	vpop (erf)  }
0x8a: {  	[tilespmem:v22+s14+$0x0] =	vst.idx.msk $0xffff, v0;
	v0 =	vld [tilespmem:$0x1FEE0];
	_ =	sdelay $0x6  }
0x8b: {  	v3 =	vld.idx.msk [tilespmem:v3+s26+$0x0], $0xffff  }
0x8c: {  	v0 =	vld.idx.msk [tilespmem:v0+s24+$0x0], $0xffff;
	_ =	sdelay $0x4  }
0x8d: {  	v0 =	vadd.f32 v3, v0;
	_ =	sdelay $0x1  }
0x8e: {  	v3 =	vmul.f32 $2.000000030e-01, v0;
	_ =	sdelay $0x1  }
0x8f: {  	v0 =	vmax.f32 v0, v3  }
0x90: {  	v0 =	vmul.f32 $1.442695020e+00, v0;
	_ =	sdelay $0x1  }
0x91: {  	(erf) = vpow2.f32 v0;
	_ =	sdelay $0x1  }
0x92: {  	v3 =	vld [tilespmem:$0x1FF00];
	_ =	sdelay $0x6  }
0x93: {  	v0 =	vpop (erf)  }
0x94: {  	[tilespmem:v3+s14+$0x0] =	vst.idx.msk $0xffff, v0;
	v0 =	vld [tilespmem:$0x1FF10]  }
0x95: {  	v3 =	vld [tilespmem:$0x1FF20];
	_ =	sdelay $0x6  }
0x96: {  	v0 =	vld.idx.msk [tilespmem:v0+s24+$0x0], $0xffff  }
0x97: {  	v3 =	vld.idx.msk [tilespmem:v3+s26+$0x0], $0xffff;
	_ =	sdelay $0x4  }
0x98: {  	v0 =	vadd.f32 v3, v0;
	_ =	sdelay $0x1  }
0x99: {  	v3 =	vmul.f32 $2.000000030e-01, v0;
	_ =	sdelay $0x1  }
0x9a: {  	v0 =	vmax.f32 v0, v3  }
0x9b: {  	v0 =	vmul.f32 $1.442695020e+00, v0;
	_ =	sdelay $0x1  }
0x9c: {  	(erf) = vpow2.f32 v0;
	_ =	sdelay $0x1  }
0x9d: {  	v3 =	vld [tilespmem:$0x1FF30];
	_ =	sdelay $0x6  }
0x9e: {  	v0 =	vpop (erf)  }
0x9f: {  	[tilespmem:v3+s14+$0x0] =	vst.idx.msk $0xffff, v0;
	v0 =	vld [tilespmem:$0x1FF40]  }
0xa0: {  	v3 =	vld [tilespmem:$0x1FF50];
	_ =	sdelay $0x6  }
0xa1: {  	v0 =	vld.idx.msk [tilespmem:v0+s24+$0x0], $0xffff  }
0xa2: {  	v3 =	vld.idx.msk [tilespmem:v3+s26+$0x0], $0xffff;
	_ =	sdelay $0x4  }
0xa3: {  	v0 =	vadd.f32 v3, v0;
	_ =	sdelay $0x1  }
0xa4: {  	v3 =	vmul.f32 $2.000000030e-01, v0;
	_ =	sdelay $0x1  }
0xa5: {  	v0 =	vmax.f32 v0, v3  }
0xa6: {  	v0 =	vmul.f32 $1.442695020e+00, v0;
	_ =	sdelay $0x1  }
0xa7: {  	(erf) = vpow2.f32 v0;
	_ =	sdelay $0x1  }
0xa8: {  	v3 =	vld [tilespmem:$0x1FF60];
	_ =	sdelay $0x6  }
0xa9: {  	v0 =	vpop (erf)  }
0xaa: {  	[tilespmem:v3+s14+$0x0] =	vst.idx.msk $0xffff, v0;
	v0 =	vld [tilespmem:$0x1FF70]  }
0xab: {  	v3 =	vld [tilespmem:$0x1FF80];
	_ =	sdelay $0x6  }
0xac: {  	v0 =	vld.idx.msk [tilespmem:v0+s24+$0x0], $0xffff  }
0xad: {  	v3 =	vld.idx.msk [tilespmem:v3+s26+$0x0], $0xffff;
	_ =	sdelay $0x4  }
0xae: {  	v0 =	vadd.f32 v3, v0;
	_ =	sdelay $0x1  }
0xaf: {  	v3 =	vmul.f32 $2.000000030e-01, v0;
	_ =	sdelay $0x1  }
0xb0: {  	v0 =	vmax.f32 v0, v3  }
0xb1: {  	v0 =	vmul.f32 $1.442695020e+00, v0;
	_ =	sdelay $0x1  }
0xb2: {  	(erf) = vpow2.f32 v0;
	_ =	sdelay $0x1  }
0xb3: {  	v3 =	vld [tilespmem:$0x1FF90];
	_ =	sdelay $0x6  }
0xb4: {  	v0 =	vpop (erf)  }
0xb5: {  	[tilespmem:v3+s14+$0x0] =	vst.idx.msk $0xffff, v0;
	v0 =	vld [tilespmem:$0x1FFA0]  }
0xb6: {  	v3 =	vld [tilespmem:$0x1FFB0];
	_ =	sdelay $0x6  }
0xb7: {  	v0 =	vld.idx.msk [tilespmem:v0+s24+$0x0], $0xffff  }
0xb8: {  	v3 =	vld.idx.msk [tilespmem:v3+s26+$0x0], $0xffff;
	_ =	sdelay $0x4  }
0xb9: {  	v0 =	vadd.f32 v3, v0;
	_ =	sdelay $0x1  }
0xba: {  	v3 =	vmul.f32 $2.000000030e-01, v0;
	_ =	sdelay $0x1  }
0xbb: {  	v0 =	vmax.f32 v0, v3  }
0xbc: {  	v0 =	vmul.f32 $1.442695020e+00, v0;
	_ =	sdelay $0x1  }
0xbd: {  	(erf) = vpow2.f32 v0;
	_ =	sdelay $0x1  }
0xbe: {  	v3 =	vld [tilespmem:$0x1FFC0];
	_ =	sdelay $0x6  }
0xbf: {  	v0 =	vpop (erf)  }
0xc0: {  	[tilespmem:v3+s14+$0x0] =	vst.idx.msk $0xffff, v0;
	v0 =	vld [tilespmem:$0x1FFD0]  }
0xc1: {  	v3 =	vld [tilespmem:$0x1FFE0];
	_ =	sdelay $0x6  }
0xc2: {  	v0 =	vld.idx.msk [tilespmem:v0+s24+$0x0], $0xffff  }
0xc3: {  	v3 =	vld.idx.msk [tilespmem:v3+s26+$0x0], $0xffff;
	_ =	sdelay $0x4  }
0xc4: {  	v0 =	vadd.f32 v3, v0;
	_ =	sdelay $0x1  }
0xc5: {  	v3 =	vmul.f32 $2.000000030e-01, v0;
	_ =	sdelay $0x1  }
0xc6: {  	v0 =	vmax.f32 v0, v3  }
0xc7: {  	v0 =	vmul.f32 $1.442695020e+00, v0;
	_ =	sdelay $0x1  }
0xc8: {  	(erf) = vpow2.f32 v0;
	_ =	sdelay $0x1  }
0xc9: {  	v3 =	vld [tilespmem:$0x1FFF0];
	_ =	sdelay $0x6  }
0xca: {  	v0 =	vpop (erf)  }
0xcb: {  	[tilespmem:v3+s14+$0x0] =	vst.idx.msk $0xffff, v0  }
0xcc: {  	v0 =	vld.idx.msk [tilespmem:v27+s24+$0x0], $0xffff  }
0xcd: {  	v3 =	vld.idx.msk [tilespmem:v28+s26+$0x0], $0xffff;
	_ =	sdelay $0x4  }
0xce: {  	v0 =	vadd.f32 v3, v0;
	_ =	sdelay $0x1  }
0xcf: {  	v3 =	vmul.f32 $2.000000030e-01, v0;
	_ =	sdelay $0x1  }
0xd0: {  	v0 =	vmax.f32 v0, v3  }
0xd1: {  	v0 =	vmul.f32 $1.442695020e+00, v0;
	_ =	sdelay $0x1  }
0xd2: {  	(erf) = vpow2.f32 v0;
	_ =	sdelay $0x8  }
0xd3: {  	v0 =	vpop (erf)  }
0xd4: {  	[tilespmem:v29+s14+$0x0] =	vst.idx.msk $0xffff, v0  }
0xd5: {  	v0 =	vld.idx.msk [tilespmem:v30+s24+$0x0], $0xffff  }
0xd6: {  	v3 =	vld.idx.msk [tilespmem:v31+s26+$0x0], $0xffff;
	_ =	sdelay $0x4  }
0xd7: {  	v0 =	vadd.f32 v3, v0;
	_ =	sdelay $0x1  }
0xd8: {  	v3 =	vmul.f32 $2.000000030e-01, v0;
	_ =	sdelay $0x1  }
0xd9: {  	v0 =	vmax.f32 v0, v3  }
0xda: {  	v0 =	vmul.f32 $1.442695020e+00, v0;
	_ =	sdelay $0x1  }
0xdb: {  	(erf) = vpow2.f32 v0;
	_ =	sdelay $0x8  }
0xdc: {  	v0 =	vpop (erf)  }
0xdd: {  	[tilespmem:v32+s14+$0x0] =	vst.idx.msk $0xffff, v0  }
0xde: {  	v0 =	vld.idx.msk [tilespmem:v33+s24+$0x0], $0xffff  }
0xdf: {  	v3 =	vld.idx.msk [tilespmem:v34+s26+$0x0], $0xffff;
	_ =	sdelay $0x4  }
0xe0: {  	v0 =	vadd.f32 v3, v0;
	_ =	sdelay $0x1  }
0xe1: {  	v3 =	vmul.f32 $2.000000030e-01, v0;
	_ =	sdelay $0x1  }
0xe2: {  	v0 =	vmax.f32 v0, v3  }
0xe3: {  	v0 =	vmul.f32 $1.442695020e+00, v0;
	_ =	sdelay $0x1  }
0xe4: {  	(erf) = vpow2.f32 v0;
	_ =	sdelay $0x8  }
0xe5: {  	v0 =	vpop (erf)  }
0xe6: {  	[tilespmem:v35+s14+$0x0] =	vst.idx.msk $0xffff, v0  }
0xe7: {  	v0 =	vld.idx.msk [tilespmem:v36+s24+$0x0], $0xffff  }
0xe8: {  	v3 =	vld.idx.msk [tilespmem:v37+s26+$0x0], $0xffff;
	_ =	sdelay $0x4  }
0xe9: {  	v0 =	vadd.f32 v3, v0;
	_ =	sdelay $0x1  }
0xea: {  	v3 =	vmul.f32 $2.000000030e-01, v0;
	_ =	sdelay $0x1  }
0xeb: {  	v0 =	vmax.f32 v0, v3  }
0xec: {  	v0 =	vmul.f32 $1.442695020e+00, v0;
	_ =	sdelay $0x1  }
0xed: {  	(erf) = vpow2.f32 v0;
	_ =	sdelay $0x8  }
0xee: {  	v0 =	vpop (erf)  }
0xef: {  	[tilespmem:v38+s14+$0x0] =	vst.idx.msk $0xffff, v0  }
0xf0: {  	v0 =	vld.idx.msk [tilespmem:v39+s24+$0x0], $0xffff  }
0xf1: {  	v3 =	vld.idx.msk [tilespmem:v40+s26+$0x0], $0xffff;
	_ =	sdelay $0x4  }
0xf2: {  	v0 =	vadd.f32 v3, v0;
	_ =	sdelay $0x1  }
0xf3: {  	v3 =	vmul.f32 $2.000000030e-01, v0;
	_ =	sdelay $0x1  }
0xf4: {  	v0 =	vmax.f32 v0, v3  }
0xf5: {  	v0 =	vmul.f32 $1.442695020e+00, v0;
	_ =	sdelay $0x1  }
0xf6: {  	(erf) = vpow2.f32 v0;
	_ =	sdelay $0x8  }
0xf7: {  	v0 =	vpop (erf)  }
0xf8: {  	[tilespmem:v41+s14+$0x0] =	vst.idx.msk $0xffff, v0  }
0xf9: {  	v0 =	vld.idx.msk [tilespmem:v42+s24+$0x0], $0xffff  }
0xfa: {  	v3 =	vld.idx.msk [tilespmem:v43+s26+$0x0], $0xffff;
	_ =	sdelay $0x4  }
0xfb: {  	v0 =	vadd.f32 v3, v0;
	_ =	sdelay $0x1  }
0xfc: {  	v3 =	vmul.f32 $2.000000030e-01, v0;
	_ =	sdelay $0x1  }
0xfd: {  	v0 =	vmax.f32 v0, v3  }
0xfe: {  	v0 =	vmul.f32 $1.442695020e+00, v0;
	_ =	sdelay $0x1  }
0xff: {  	(erf) = vpow2.f32 v0;
	_ =	sdelay $0x8  }
0x100: {  	v0 =	vpop (erf)  }
0x101: {  	[tilespmem:v44+s14+$0x0] =	vst.idx.msk $0xffff, v0  }
0x102: {  	v0 =	vld.idx.msk [tilespmem:v45+s24+$0x0], $0xffff  }
0x103: {  	v3 =	vld.idx.msk [tilespmem:v46+s26+$0x0], $0xffff;
	_ =	sdelay $0x4  }
0x104: {  	v0 =	vadd.f32 v3, v0;
	_ =	sdelay $0x1  }
0x105: {  	v3 =	vmul.f32 $2.000000030e-01, v0;
	_ =	sdelay $0x1  }
0x106: {  	v0 =	vmax.f32 v0, v3  }
0x107: {  	v0 =	vmul.f32 $1.442695020e+00, v0;
	_ =	sdelay $0x1  }
0x108: {  	(erf) = vpow2.f32 v0;
	_ =	sdelay $0x8  }
0x109: {  	v0 =	vpop (erf)  }
0x10a: {  	[tilespmem:v47+s14+$0x0] =	vst.idx.msk $0xffff, v0  }
0x10b: {  	v0 =	vld.idx.msk [tilespmem:v48+s24+$0x0], $0xffff  }
0x10c: {  	v3 =	vld.idx.msk [tilespmem:v49+s26+$0x0], $0xffff;
	_ =	sdelay $0x4  }
0x10d: {  	v0 =	vadd.f32 v3, v0;
	_ =	sdelay $0x1  }
0x10e: {  	v3 =	vmul.f32 $2.000000030e-01, v0;
	_ =	sdelay $0x1  }
0x10f: {  	v0 =	vmax.f32 v0, v3  }
0x110: {  	v0 =	vmul.f32 $1.442695020e+00, v0;
	_ =	sdelay $0x1  }
0x111: {  	(erf) = vpow2.f32 v0;
	_ =	sdelay $0x8  }
0x112: {  	v0 =	vpop (erf)  }
0x113: {  	[tilespmem:v50+s14+$0x0] =	vst.idx.msk $0xffff, v0  }
0x114: {  	v0 =	vld.idx.msk [tilespmem:v51+s24+$0x0], $0xffff  }
0x115: {  	v3 =	vld.idx.msk [tilespmem:v52+s26+$0x0], $0xffff;
	_ =	sdelay $0x4  }
0x116: {  	v0 =	vadd.f32 v3, v0;
	_ =	sdelay $0x1  }
0x117: {  	v3 =	vmul.f32 $2.000000030e-01, v0;
	_ =	sdelay $0x1  }
0x118: {  	v0 =	vmax.f32 v0, v3  }
0x119: {  	v0 =	vmul.f32 $1.442695020e+00, v0;
	_ =	sdelay $0x1  }
0x11a: {  	(erf) = vpow2.f32 v0;
	_ =	sdelay $0x8  }
0x11b: {  	v0 =	vpop (erf)  }
0x11c: {  	[tilespmem:v53+s14+$0x0] =	vst.idx.msk $0xffff, v0  }
0x11d: {  	v0 =	vld.idx.msk [tilespmem:v54+s24+$0x0], $0xffff  }
0x11e: {  	v3 =	vld.idx.msk [tilespmem:v55+s26+$0x0], $0xffff;
	_ =	sdelay $0x4  }
0x11f: {  	v0 =	vadd.f32 v3, v0;
	_ =	sdelay $0x1  }
0x120: {  	v3 =	vmul.f32 $2.000000030e-01, v0;
	_ =	sdelay $0x1  }
0x121: {  	v0 =	vmax.f32 v0, v3  }
0x122: {  	v0 =	vmul.f32 $1.442695020e+00, v0;
	_ =	sdelay $0x1  }
0x123: {  	(erf) = vpow2.f32 v0;
	_ =	sdelay $0x8  }
0x124: {  	v0 =	vpop (erf)  }
0x125: {  	[tilespmem:v56+s14+$0x0] =	vst.idx.msk $0xffff, v0  }
0x126: {  	v0 =	vld.idx.msk [tilespmem:v57+s24+$0x0], $0xffff  }
0x127: {  	v3 =	vld.idx.msk [tilespmem:v58+s26+$0x0], $0xffff;
	_ =	sdelay $0x4  }
0x128: {  	v0 =	vadd.f32 v3, v0;
	_ =	sdelay $0x1  }
0x129: {  	v3 =	vmul.f32 $2.000000030e-01, v0;
	_ =	sdelay $0x1  }
0x12a: {  	v0 =	vmax.f32 v0, v3  }
0x12b: {  	v0 =	vmul.f32 $1.442695020e+00, v0;
	_ =	sdelay $0x1  }
0x12c: {  	(erf) = vpow2.f32 v0;
	_ =	sdelay $0x8  }
0x12d: {  	v0 =	vpop (erf)  }
0x12e: {  	[tilespmem:v59+s14+$0x0] =	vst.idx.msk $0xffff, v0  }
0x12f: {  	v0 =	vld.idx.msk [tilespmem:v60+s24+$0x0], $0xffff  }
0x130: {  	v3 =	vld.idx.msk [tilespmem:v61+s26+$0x0], $0xffff;
	_ =	sdelay $0x4  }
0x131: {  	v0 =	vadd.f32 v3, v0;
	_ =	sdelay $0x1  }
0x132: {  	v3 =	vmul.f32 $2.000000030e-01, v0;
	_ =	sdelay $0x1  }
0x133: {  	v0 =	vmax.f32 v0, v3  }
0x134: {  	v0 =	vmul.f32 $1.442695020e+00, v0;
	_ =	sdelay $0x1  }
0x135: {  	(erf) = vpow2.f32 v0;
	_ =	sdelay $0x6  }
0x136: {  	v6 =	vor.u32 $0x504, v1;
	_ =	sdelay $0x1  }
0x137: {  	v0 =	vpop (erf)  }
0x138: {  	[tilespmem:v62+s14+$0x0] =	vst.idx.msk $0xffff, v0  }
0x139: {  	v0 =	vld.idx.msk [tilespmem:v63+s24+$0x0], $0xffff  }
0x13a: {  	v3 =	vld.idx.msk [tilespmem:v6+s26+$0x0], $0xffff;
	_ =	sdelay $0x4  }
0x13b: {  	v0 =	vadd.f32 v3, v0;
	_ =	sdelay $0x1  }
0x13c: {  	v3 =	vmul.f32 $2.000000030e-01, v0;
	_ =	sdelay $0x1  }
0x13d: {  	v0 =	vmax.f32 v0, v3  }
0x13e: {  	v0 =	vmul.f32 $1.442695020e+00, v0;
	_ =	sdelay $0x1  }
0x13f: {  	(erf) = vpow2.f32 v0;
	_ =	sdelay $0x4  }
0x140: {  	v7 =	vor.u32 $0x140, v4  }
0x141: {  	v8 =	vor.u32 $0x501, v1  }
0x142: {  	v9 =	vor.u32 $0x505, v1;
	_ =	sdelay $0x1  }
0x143: {  	v0 =	vpop (erf)  }
0x144: {  	[tilespmem:v7+s14+$0x0] =	vst.idx.msk $0xffff, v0  }
0x145: {  	v0 =	vld.idx.msk [tilespmem:v8+s24+$0x0], $0xffff  }
0x146: {  	v3 =	vld.idx.msk [tilespmem:v9+s26+$0x0], $0xffff;
	_ =	sdelay $0x4  }
0x147: {  	v0 =	vadd.f32 v3, v0;
	_ =	sdelay $0x1  }
0x148: {  	v3 =	vmul.f32 $2.000000030e-01, v0;
	_ =	sdelay $0x1  }
0x149: {  	v0 =	vmax.f32 v0, v3  }
0x14a: {  	v0 =	vmul.f32 $1.442695020e+00, v0;
	_ =	sdelay $0x1  }
0x14b: {  	(erf) = vpow2.f32 v0;
	_ =	sdelay $0x4  }
0x14c: {  	v10 =	vor.u32 $0x141, v4  }
0x14d: {  	v11 =	vor.u32 $0x502, v1  }
0x14e: {  	v12 =	vor.u32 $0x506, v1;
	_ =	sdelay $0x1  }
0x14f: {  	v0 =	vpop (erf)  }
0x150: {  	[tilespmem:v10+s14+$0x0] =	vst.idx.msk $0xffff, v0  }
0x151: {  	v0 =	vld.idx.msk [tilespmem:v11+s24+$0x0], $0xffff  }
0x152: {  	v3 =	vld.idx.msk [tilespmem:v12+s26+$0x0], $0xffff;
	_ =	sdelay $0x4  }
0x153: {  	v0 =	vadd.f32 v3, v0;
	_ =	sdelay $0x1  }
0x154: {  	v3 =	vmul.f32 $2.000000030e-01, v0;
	_ =	sdelay $0x1  }
0x155: {  	v0 =	vmax.f32 v0, v3  }
0x156: {  	v0 =	vmul.f32 $1.442695020e+00, v0;
	_ =	sdelay $0x1  }
0x157: {  	(erf) = vpow2.f32 v0;
	_ =	sdelay $0x4  }
0x158: {  	v13 =	vor.u32 $0x142, v4  }
0x159: {  	v14 =	vor.u32 $0x503, v1  }
0x15a: {  	v15 =	vor.u32 $0x507, v1;
	_ =	sdelay $0x1  }
0x15b: {  	v0 =	vpop (erf)  }
0x15c: {  	[tilespmem:v13+s14+$0x0] =	vst.idx.msk $0xffff, v0  }
0x15d: {  	v0 =	vld.idx.msk [tilespmem:v14+s24+$0x0], $0xffff  }
0x15e: {  	v3 =	vld.idx.msk [tilespmem:v15+s26+$0x0], $0xffff;
	_ =	sdelay $0x4  }
0x15f: {  	v0 =	vadd.f32 v3, v0;
	_ =	sdelay $0x1  }
0x160: {  	v3 =	vmul.f32 $2.000000030e-01, v0;
	_ =	sdelay $0x1  }
0x161: {  	v0 =	vmax.f32 v0, v3  }
0x162: {  	v0 =	vmul.f32 $1.442695020e+00, v0;
	_ =	sdelay $0x1  }
0x163: {  	(erf) = vpow2.f32 v0;
	_ =	sdelay $0x4  }
0x164: {  	v16 =	vor.u32 $0x143, v4;
	s28 =	simm.s32 $0x0  }
0x165: {  	v0 =	vmov s28;
	_ =	sdelay $0x2  }
0x166: {  	v3 =	vpop (erf)  }
0x167: {  	[tilespmem:v16+s14+$0x0] =	vst.idx.msk $0xffff, v3  }
0x168: {  	s13 =	simm.s32 $0x90;
	v5 =	vshrl.u32 v0, $0x3;
	v3 =	vld.idx.msk [tilespmem:v0+s14+$0x0], $0xffff;
	v0 =	vimm.s32 $0x0  }
0x169: {  	v17 =	vld [tilespmem:s13+$0xFFFFFF70];
	v0 =	vsel vm0, $0x3, v0  }
0x16a: {  	v18 =	vld [tilespmem:s13+$0xFFFFFF80];
	v5 =	vshll.u32 v5, v0  }
0x16b: {  	v23 =	vmov v19;
	v19 =	vadd.s32 $0x1, v5  }
0x16c: {  	v19 =	vbroadcast v19, $0x0;
	_ =	sdelay $0x1  }
0x16d: {  	v17 =	vmul.f32 v17, v3  }
0x16e: {  	v3 =	vmul.f32 v18, v3  }
0x16f: {  	[tilespmem:s13+$0xFFFFFF70] =	vst v17  }
0x170: {  	[tilespmem:s13+$0xFFFFFF80] =	vst v3;
	v17 =	vld [tilespmem:s13+$0xFFFFFF90]  }
0x171: {  	v3 =	vld.idx.msk [tilespmem:v19+s14+$0x0], $0xffff  }
0x172: {  	v18 =	vld [tilespmem:s13+$0xFFFFFFA0]  }
0x173: {  	v19 =	vadd.s32 $0x2, v5  }
0x174: {  	v19 =	vbroadcast v19, $0x0;
	_ =	sdelay $0x1  }
0x175: {  	v17 =	vmul.f32 v17, v3  }
0x176: {  	v3 =	vmul.f32 v18, v3  }
0x177: {  	[tilespmem:s13+$0xFFFFFF90] =	vst v17  }
0x178: {  	[tilespmem:s13+$0xFFFFFFA0] =	vst v3;
	v17 =	vld [tilespmem:s13+$0xFFFFFFB0]  }
0x179: {  	v3 =	vld.idx.msk [tilespmem:v19+s14+$0x0], $0xffff  }
0x17a: {  	v18 =	vld [tilespmem:s13+$0xFFFFFFC0]  }
0x17b: {  	v5 =	vadd.s32 $0x3, v5  }
0x17c: {  	v5 =	vbroadcast v5, $0x0;
	_ =	sdelay $0x1  }
0x17d: {  	v17 =	vmul.f32 v17, v3  }
0x17e: {  	v3 =	vmul.f32 v18, v3  }
0x17f: {  	[tilespmem:s13+$0xFFFFFFB0] =	vst v17  }
0x180: {  	[tilespmem:s13+$0xFFFFFFC0] =	vst v3;
	v17 =	vld [tilespmem:s13+$0xFFFFFFD0]  }
0x181: {  	v5 =	vld.idx.msk [tilespmem:v5+s14+$0x0], $0xffff  }
0x182: {  	v18 =	vld [tilespmem:s13+$0xFFFFFFE0]  }
0x183: {  	v3 =	vlaneseq.u32  }
0x184: {  	v3 =	vand.u32 $0x3, v3  }
0x185: {  	v19 =	vor.u32 s28, v3  }
0x186: {  	v17 =	vmul.f32 v17, v5  }
0x187: {  	v5 =	vmul.f32 v18, v5  }
0x188: {  	[tilespmem:s13+$0xFFFFFFD0] =	vst v17  }
0x189: {  	v18 =	vld [tilespmem:s13+$0xFFFFFFF0];
	[tilespmem:s13+$0xFFFFFFE0] =	vst v5  }
0x18a: {  	v5 =	vld.idx.msk [tilespmem:v19+s14+$0x0], $0xffff;
	_ =	sdelay $0x1  }
0x18b: {  	s29 =	simm.s32 $0x4  }
0x18c: {  	v17 =	vmov s29;
	_ =	sdelay $0x1  }
0x18d: {  	v5 =	vmul.f32 v18, v5;
	_ =	sdelay $0x1  }
0x18e: {  	v18 =	vld [tilespmem:s13+$0x0];
	[tilespmem:s13+$0xFFFFFFF0] =	vst v5  }
0x18f: {  	v5 =	vld.idx.msk [tilespmem:v17+s14+$0x0], $0xffff;
	v17 =	vshrl.u32 v17, $0x3  }
0x190: {  	v19 =	vld [tilespmem:s13+$0x10];
	v17 =	vshll.u32 v17, v0  }
0x191: {  	v24 =	vmov v20;
	v20 =	vadd.s32 $0x5, v17  }
0x192: {  	v20 =	vbroadcast v20, $0x0;
	_ =	sdelay $0x1  }
0x193: {  	v18 =	vmul.f32 v18, v5  }
0x194: {  	v5 =	vmul.f32 v19, v5  }
0x195: {  	[tilespmem:s13+$0x0] =	vst v18  }
0x196: {  	[tilespmem:s13+$0x10] =	vst v5;
	v18 =	vld [tilespmem:s13+$0x20]  }
0x197: {  	v5 =	vld.idx.msk [tilespmem:v20+s14+$0x0], $0xffff  }
0x198: {  	v19 =	vld [tilespmem:s13+$0x30]  }
0x199: {  	v20 =	vadd.s32 $0x6, v17  }
0x19a: {  	v20 =	vbroadcast v20, $0x0;
	_ =	sdelay $0x1  }
0x19b: {  	v18 =	vmul.f32 v18, v5  }
0x19c: {  	v5 =	vmul.f32 v19, v5  }
0x19d: {  	[tilespmem:s13+$0x20] =	vst v18  }
0x19e: {  	[tilespmem:s13+$0x30] =	vst v5;
	v18 =	vld [tilespmem:s13+$0x40]  }
0x19f: {  	v5 =	vld.idx.msk [tilespmem:v20+s14+$0x0], $0xffff  }
0x1a0: {  	v19 =	vld [tilespmem:s13+$0x50]  }
0x1a1: {  	v17 =	vadd.s32 $0x7, v17  }
0x1a2: {  	v17 =	vbroadcast v17, $0x0;
	_ =	sdelay $0x1  }
0x1a3: {  	v18 =	vmul.f32 v18, v5  }
0x1a4: {  	v5 =	vmul.f32 v19, v5  }
0x1a5: {  	[tilespmem:s13+$0x40] =	vst v18  }
0x1a6: {  	[tilespmem:s13+$0x50] =	vst v5;
	v18 =	vld [tilespmem:s13+$0x70]  }
0x1a7: {  	v5 =	vld.idx.msk [tilespmem:v17+s14+$0x0], $0xffff  }
0x1a8: {  	v17 =	vld [tilespmem:s13+$0x60];
	_ =	sdelay $0x3  }
0x1a9: {  	v18 =	vmul.f32 v18, v5  }
0x1aa: {  	v19 =	vmul.f32 v17, v5;
	v5 =	vor.u32 $0x4, v3  }
0x1ab: {  	[tilespmem:s13+$0x70] =	vst v18;
	v18 =	vor.u32 s29, v5;
	_ =	sdelay $0x2  }
0x1ac: {  	v25 =	vmov v21;
	v26 =	vmov v22;
	s23 =	simm.s32 $0x90;
	s21 =	simm.s32 $0xC;
	v17 =	vld [tilespmem:s13+$0x80];
	[tilespmem:s13+$0x60] =	vst v19  }
.LBB2_9:
0x1ad: {  	p0 =	sne.s32 s21, $0x17C  }
0x1ae: {  	v18 =	vld.idx.msk [tilespmem:v18+s14+$0x0], $0xffff;
	s13 =	sadd.s32 $0x120, s13;
	s29 =	smov.u32 s21;
	s21 =	sadd.s32 $0x8, s21  }
0x1af: {  	_ =	sdelay $0x1  }
0x1b0: {  	s28 =	sadd.s32 $0xFFFFFFFC, s29  }
0x1b1: {  	v19 =	vmov s28  }
0x1b2: {  	v20 =	vshrl.u32 v19, $0x3  }
0x1b3: {  	v20 =	vshll.u32 v20, v0;
	v17 =	vmul.f32 v17, v18  }
0x1b4: {  	v18 =	vadd.s32 $0x1, v20;
	v21 =	vadd.s32 $0x2, v20;
	v20 =	vadd.s32 $0x3, v20  }
0x1b5: {  	v22 =	vld [tilespmem:s13+$0xFFFFFF80];
	[tilespmem:s23+$0x80] =	vst v17;
	s23 =	smov.u32 s13  }
0x1b6: {  	v17 =	vld.idx.msk [tilespmem:v19+s14+$0x0], $0xffff  }
0x1b7: {  	v19 =	vld [tilespmem:s13+$0xFFFFFF70];
	_ =	sdelay $0x1  }
0x1b8: {  	v18 =	vbroadcast v18, $0x0;
	_ =	sdelay $0x2  }
0x1b9: {  	v19 =	vmul.f32 v19, v17;
	v17 =	vmul.f32 v22, v17;
	_ =	sdelay $0x1  }
0x1ba: {  	[tilespmem:s13+$0xFFFFFF70] =	vst v19  }
0x1bb: {  	[tilespmem:s13+$0xFFFFFF80] =	vst v17;
	v17 =	vld [tilespmem:s13+$0xFFFFFFA0]  }
0x1bc: {  	v18 =	vld.idx.msk [tilespmem:v18+s14+$0x0], $0xffff  }
0x1bd: {  	v19 =	vld [tilespmem:s13+$0xFFFFFF90]  }
0x1be: {  	v21 =	vbroadcast v21, $0x0;
	_ =	sdelay $0x3  }
0x1bf: {  	v17 =	vmul.f32 v17, v18;
	v19 =	vmul.f32 v19, v18;
	_ =	sdelay $0x1  }
0x1c0: {  	[tilespmem:s13+$0xFFFFFF90] =	vst v19  }
0x1c1: {  	[tilespmem:s13+$0xFFFFFFA0] =	vst v17;
	v17 =	vld [tilespmem:s13+$0xFFFFFFC0]  }
0x1c2: {  	v18 =	vld.idx.msk [tilespmem:v21+s14+$0x0], $0xffff  }
0x1c3: {  	v20 =	vbroadcast v20, $0x0;
	v19 =	vld [tilespmem:s13+$0xFFFFFFB0];
	_ =	sdelay $0x4  }
0x1c4: {  	v17 =	vmul.f32 v17, v18;
	v19 =	vmul.f32 v19, v18;
	_ =	sdelay $0x1  }
0x1c5: {  	[tilespmem:s13+$0xFFFFFFB0] =	vst v19  }
0x1c6: {  	[tilespmem:s13+$0xFFFFFFC0] =	vst v17;
	v17 =	vld [tilespmem:s13+$0xFFFFFFE0]  }
0x1c7: {  	v18 =	vld.idx.msk [tilespmem:v20+s14+$0x0], $0xffff  }
0x1c8: {  	v20 =	vor.u32 s28, v3;
	v19 =	vld [tilespmem:s13+$0xFFFFFFD0];
	_ =	sdelay $0x4  }
0x1c9: {  	v17 =	vmul.f32 v17, v18;
	v19 =	vmul.f32 v19, v18  }
0x1ca: {  	v18 =	vld [tilespmem:s13+$0xFFFFFFF0]  }
0x1cb: {  	[tilespmem:s13+$0xFFFFFFD0] =	vst v19  }
0x1cc: {  	[tilespmem:s13+$0xFFFFFFE0] =	vst v17  }
0x1cd: {  	v19 =	vmov s29;
	v17 =	vld.idx.msk [tilespmem:v20+s14+$0x0], $0xffff  }
0x1ce: {  	v20 =	vshrl.u32 v19, $0x3  }
0x1cf: {  	v20 =	vshll.u32 v20, v0  }
0x1d0: {  	v21 =	vadd.s32 $0x5, v20;
	v22 =	vadd.s32 $0x6, v20;
	v20 =	vadd.s32 $0x7, v20;
	_ =	sdelay $0x2  }
0x1d1: {  	v17 =	vmul.f32 v18, v17;
	_ =	sdelay $0x1  }
0x1d2: {  	v18 =	vbroadcast v21, $0x0;
	[tilespmem:s13+$0xFFFFFFF0] =	vst v17;
	v17 =	vld [tilespmem:s13+$0x10]  }
0x1d3: {  	v19 =	vld.idx.msk [tilespmem:v19+s14+$0x0], $0xffff  }
0x1d4: {  	v21 =	vld [tilespmem:s13+$0x0];
	_ =	sdelay $0x4  }
0x1d5: {  	v17 =	vmul.f32 v17, v19;
	v21 =	vmul.f32 v21, v19;
	_ =	sdelay $0x1  }
0x1d6: {  	v19 =	vbroadcast v22, $0x0;
	[tilespmem:s13+$0x0] =	vst v21  }
0x1d7: {  	[tilespmem:s13+$0x10] =	vst v17;
	v17 =	vld [tilespmem:s13+$0x30]  }
0x1d8: {  	v18 =	vld.idx.msk [tilespmem:v18+s14+$0x0], $0xffff  }
0x1d9: {  	v21 =	vld [tilespmem:s13+$0x20];
	_ =	sdelay $0x4  }
0x1da: {  	v17 =	vmul.f32 v17, v18;
	v21 =	vmul.f32 v21, v18  }
0x1db: {  	v20 =	vbroadcast v20, $0x0  }
0x1dc: {  	[tilespmem:s13+$0x20] =	vst v21  }
0x1dd: {  	[tilespmem:s13+$0x30] =	vst v17;
	v17 =	vld [tilespmem:s13+$0x50]  }
0x1de: {  	v18 =	vld.idx.msk [tilespmem:v19+s14+$0x0], $0xffff  }
0x1df: {  	v19 =	vld [tilespmem:s13+$0x40];
	_ =	sdelay $0x4  }
0x1e0: {  	v17 =	vmul.f32 v17, v18;
	v19 =	vmul.f32 v19, v18  }
0x1e1: {  	v18 =	vor.u32 s29, v5  }
0x1e2: {  	[tilespmem:s13+$0x40] =	vst v19  }
0x1e3: {  	[tilespmem:s13+$0x50] =	vst v17;
	v19 =	vld [tilespmem:s13+$0x70]  }
0x1e4: {  	v20 =	vld.idx.msk [tilespmem:v20+s14+$0x0], $0xffff  }
0x1e5: {  	v21 =	vld [tilespmem:s13+$0x60];
	_ =	sdelay $0x1  }
0x1e6: {  	v17 =	vld [tilespmem:s13+$0x80];
	_ =	sdelay $0x1  }
.Ltmp3:
0x1e7: {  	(pc) =	sbr.rel @p0 .LBB2_9-.Ltmp3, $3  }
0x1e8: {  	v19 =	vmul.f32 v19, v20;
	v21 =	vmul.f32 v21, v20;
	_ =	sdelay $0x1  }
0x1e9: {  	[tilespmem:s13+$0x60] =	vst v21  }
0x1ea: {  	[tilespmem:s13+$0x70] =	vst v19  }
0x1eb: {  	_ =	sdelay $0x3  }
0x1ec: {  	v18 =	vld.idx.msk [tilespmem:v18+s14+$0x0], $0xffff;
	_ =	sdelay $0x4  }
0x1ed: {  	v17 =	vmul.f32 v17, v18;
	_ =	sdelay $0x1  }
0x1ee: {  	[tilespmem:s23+$0x80] =	vst v17  }
0x1ef: {  	v17 =	vld [tilespmem:$0x8640]  }
0x1f0: {  	v18 =	vld [tilespmem:$0x8650]  }
0x1f1: {  	v19 =	vld [tilespmem:$0x8660]  }
0x1f2: {  	v20 =	vld [tilespmem:$0x8670]  }
0x1f3: {  	v21 =	vld [tilespmem:$0x8680]  }
0x1f4: {  	s13 =	sshll.u32 s12, $0x1;
	[tilespmem:$0x8700] =	vst v17;
	v17 =	vld [tilespmem:$0x8690]  }
0x1f5: {  	s21 =	smin.u32 s13, $0x69;
	[tilespmem:$0x8710] =	vst v18  }
0x1f6: {  	s21 =	smul.u32 $0x60, s21;
	[tilespmem:$0x8720] =	vst v19  }
0x1f7: {  	s23 =	rddreg [dreg:$0x8];
	[tilespmem:$0x8730] =	vst v20  }
0x1f8: {  	s21 =	sadd.s32 s21, s23;
	[tilespmem:$0x8740] =	vst v21  }
0x1f9: {  	s15 =	rddreg [dreg:$0x2];
	s28 =	simm.s32 $0x8700;
	s21 =	sshrl.u32 s21, $0x3;
	[tilespmem:$0x8750] =	vst v17  }
0x1fa: {  	[spmem:s15] =	stream.indirect.scatter.add.f32 [tilespmem:s4], [sflag:$0xB], $0x90, s28, s19, $0xb8;
	[tilespmem:$0x1F8C0] =	vst v63  }
0x1fb: {  	s23 =	simm.s32 $0x8640;
	s28 =	sadd.s32 s25, s21  }
0x1fc: {  	[tilespmem:s22], [sflag:$0x7] =	stream.linear.gather [hbm4b:s28+s4], $0x60, $0x38;
	[tilespmem:$0x1F8C0] =	vst v63  }
0x1fd: {  	s15 =	smov.u32 s25;
	s21 =	sadd.s32 s7, s21;
	s25 =	simm.s32 $0x7  }
0x1fe: {  	[tilespmem:s23], [sflag:$0x9] =	stream.linear.gather [hbm4b:s21+s4], $0x60, $0x38;
	[tilespmem:$0x1F8C0] =	vst v63  }
0x1ff: {  	_ =	swait.ge [sflag:s25], $0x60  }
0x200: {  	[sflag:s25] =	ssyncset.done $0x0  }
0x201: {  	s28 =	simm.s32 $0x9;
	[sflag:s25] =	ssyncadd.s32 $0xFFFFFFA0  }
0x202: {  	_ =	swait.ge [sflag:s28], $0x60  }
0x203: {  	[sflag:s28] =	ssyncset.done $0x0  }
0x204: {  	[sflag:s28] =	ssyncadd.s32 $0xFFFFFFA0  }
0x205: {  	_ =	swait.ge [sflag:s20], $0x3600  }
0x206: {  	[sflag:s20] =	ssyncset.done $0x0  }
0x207: {  	[sflag:s20] =	ssyncadd.s32 $0xFFFFCA00  }
0x208: {  	[tilespmem:s4], [sflag:$0x1] =	stream.indirect.gather [hbm4b:s5+s19], $0x90, s22, s19, $0xb8;
	[tilespmem:$0x1F8C0] =	vst v63  }
0x209: {  	_ = 	snop  }
0x20a: {  	[tilespmem:s24], [sflag:$0x3] =	stream.indirect.gather [hbm4b:s6+s19], $0x10, s22, s19, $0xb8;
	[tilespmem:$0x1F8C0] =	vst v63  }
0x20b: {  	_ = 	snop  }
0x20c: {  	[tilespmem:s26], [sflag:$0x5] =	stream.indirect.gather [hbm4b:s6+s19], $0x10, s23, s19, $0xb8;
	[tilespmem:$0x1F8C0] =	vst v63  }
0x20d: {  	_ =	swait.ge [sflag:s1], $0x3600  }
0x20e: {  	[sflag:s1] =	ssyncset.done $0x0  }
0x20f: {  	s25 =	simm.s32 $0x4;
	[sflag:s1] =	ssyncadd.s32 $0xFFFFCA00  }
0x210: {  	_ =	swait.ge [sflag:s25], $0x600  }
0x211: {  	[sflag:s25] =	ssyncset.done $0x0  }
0x212: {  	[sflag:s25] =	ssyncadd.s32 $0xFFFFFA00  }
0x213: {  	_ =	swait.ge [sflag:s2], $0x600  }
0x214: {  	[sflag:s2] =	ssyncset.done $0x0  }
0x215: {  	[sflag:s2] =	ssyncadd.s32 $0xFFFFFA00  }
0x216: {  	v17 =	vld.idx.msk [tilespmem:v1+s3+$0x0], $0xffff  }
0x217: {  	v18 =	vld.idx.msk [tilespmem:v23+s8+$0x0], $0xffff;
	_ =	sdelay $0x4  }
0x218: {  	v17 =	vadd.f32 v18, v17;
	_ =	sdelay $0x1  }
0x219: {  	v18 =	vmul.f32 $2.000000030e-01, v17;
	_ =	sdelay $0x1  }
0x21a: {  	v17 =	vmax.f32 v17, v18  }
0x21b: {  	v17 =	vmul.f32 $1.442695020e+00, v17;
	_ =	sdelay $0x1  }
0x21c: {  	(erf) = vpow2.f32 v17;
	_ =	sdelay $0x8  }
0x21d: {  	v17 =	vpop (erf)  }
0x21e: {  	[tilespmem:v4+s14+$0x0] =	vst.idx.msk $0xffff, v17  }
0x21f: {  	v17 =	vld.idx.msk [tilespmem:v24+s3+$0x0], $0xffff  }
0x220: {  	v18 =	vld.idx.msk [tilespmem:v25+s8+$0x0], $0xffff;
	_ =	sdelay $0x4  }
0x221: {  	v17 =	vadd.f32 v18, v17;
	_ =	sdelay $0x1  }
0x222: {  	v18 =	vmul.f32 $2.000000030e-01, v17;
	_ =	sdelay $0x1  }
0x223: {  	v17 =	vmax.f32 v17, v18  }
0x224: {  	v17 =	vmul.f32 $1.442695020e+00, v17;
	_ =	sdelay $0x1  }
0x225: {  	(erf) = vpow2.f32 v17;
	_ =	sdelay $0x8  }
0x226: {  	v18 =	vld [tilespmem:$0x1FEF0];
	v17 =	vpop (erf)  }
0x227: {  	[tilespmem:v26+s14+$0x0] =	vst.idx.msk $0xffff, v17;
	v17 =	vld [tilespmem:$0x1FEE0];
	_ =	sdelay $0x6  }
0x228: {  	v18 =	vld.idx.msk [tilespmem:v18+s8+$0x0], $0xffff  }
0x229: {  	v17 =	vld.idx.msk [tilespmem:v17+s3+$0x0], $0xffff;
	_ =	sdelay $0x4  }
0x22a: {  	v17 =	vadd.f32 v18, v17;
	_ =	sdelay $0x1  }
0x22b: {  	v18 =	vmul.f32 $2.000000030e-01, v17;
	_ =	sdelay $0x1  }
0x22c: {  	v17 =	vmax.f32 v17, v18  }
0x22d: {  	v17 =	vmul.f32 $1.442695020e+00, v17;
	_ =	sdelay $0x1  }
0x22e: {  	(erf) = vpow2.f32 v17;
	_ =	sdelay $0x1  }
0x22f: {  	v18 =	vld [tilespmem:$0x1FF00];
	_ =	sdelay $0x6  }
0x230: {  	v17 =	vpop (erf)  }
0x231: {  	[tilespmem:v18+s14+$0x0] =	vst.idx.msk $0xffff, v17;
	v17 =	vld [tilespmem:$0x1FF10]  }
0x232: {  	v18 =	vld [tilespmem:$0x1FF20];
	_ =	sdelay $0x6  }
0x233: {  	v17 =	vld.idx.msk [tilespmem:v17+s3+$0x0], $0xffff  }
0x234: {  	v18 =	vld.idx.msk [tilespmem:v18+s8+$0x0], $0xffff;
	_ =	sdelay $0x4  }
0x235: {  	v17 =	vadd.f32 v18, v17;
	_ =	sdelay $0x1  }
0x236: {  	v18 =	vmul.f32 $2.000000030e-01, v17;
	_ =	sdelay $0x1  }
0x237: {  	v17 =	vmax.f32 v17, v18  }
0x238: {  	v17 =	vmul.f32 $1.442695020e+00, v17;
	_ =	sdelay $0x1  }
0x239: {  	(erf) = vpow2.f32 v17;
	_ =	sdelay $0x1  }
0x23a: {  	v18 =	vld [tilespmem:$0x1FF30];
	_ =	sdelay $0x6  }
0x23b: {  	v17 =	vpop (erf)  }
0x23c: {  	[tilespmem:v18+s14+$0x0] =	vst.idx.msk $0xffff, v17;
	v17 =	vld [tilespmem:$0x1FF40]  }
0x23d: {  	v18 =	vld [tilespmem:$0x1FF50];
	_ =	sdelay $0x6  }
0x23e: {  	v17 =	vld.idx.msk [tilespmem:v17+s3+$0x0], $0xffff  }
0x23f: {  	v18 =	vld.idx.msk [tilespmem:v18+s8+$0x0], $0xffff;
	_ =	sdelay $0x4  }
0x240: {  	v17 =	vadd.f32 v18, v17;
	_ =	sdelay $0x1  }
0x241: {  	v18 =	vmul.f32 $2.000000030e-01, v17;
	_ =	sdelay $0x1  }
0x242: {  	v17 =	vmax.f32 v17, v18  }
0x243: {  	v17 =	vmul.f32 $1.442695020e+00, v17;
	_ =	sdelay $0x1  }
0x244: {  	(erf) = vpow2.f32 v17;
	_ =	sdelay $0x1  }
0x245: {  	v18 =	vld [tilespmem:$0x1FF60];
	_ =	sdelay $0x6  }
0x246: {  	v17 =	vpop (erf)  }
0x247: {  	[tilespmem:v18+s14+$0x0] =	vst.idx.msk $0xffff, v17;
	v17 =	vld [tilespmem:$0x1FF70]  }
0x248: {  	v18 =	vld [tilespmem:$0x1FF80];
	_ =	sdelay $0x6  }
0x249: {  	v17 =	vld.idx.msk [tilespmem:v17+s3+$0x0], $0xffff  }
0x24a: {  	v18 =	vld.idx.msk [tilespmem:v18+s8+$0x0], $0xffff;
	_ =	sdelay $0x4  }
0x24b: {  	v17 =	vadd.f32 v18, v17;
	_ =	sdelay $0x1  }
0x24c: {  	v18 =	vmul.f32 $2.000000030e-01, v17;
	_ =	sdelay $0x1  }
0x24d: {  	v17 =	vmax.f32 v17, v18  }
0x24e: {  	v17 =	vmul.f32 $1.442695020e+00, v17;
	_ =	sdelay $0x1  }
0x24f: {  	(erf) = vpow2.f32 v17;
	_ =	sdelay $0x1  }
0x250: {  	v18 =	vld [tilespmem:$0x1FF90];
	_ =	sdelay $0x6  }
0x251: {  	v17 =	vpop (erf)  }
0x252: {  	[tilespmem:v18+s14+$0x0] =	vst.idx.msk $0xffff, v17;
	v17 =	vld [tilespmem:$0x1FFA0]  }
0x253: {  	v18 =	vld [tilespmem:$0x1FFB0];
	_ =	sdelay $0x6  }
0x254: {  	v17 =	vld.idx.msk [tilespmem:v17+s3+$0x0], $0xffff  }
0x255: {  	v18 =	vld.idx.msk [tilespmem:v18+s8+$0x0], $0xffff;
	_ =	sdelay $0x4  }
0x256: {  	v17 =	vadd.f32 v18, v17;
	_ =	sdelay $0x1  }
0x257: {  	v18 =	vmul.f32 $2.000000030e-01, v17;
	_ =	sdelay $0x1  }
0x258: {  	v17 =	vmax.f32 v17, v18  }
0x259: {  	v17 =	vmul.f32 $1.442695020e+00, v17;
	_ =	sdelay $0x1  }
0x25a: {  	(erf) = vpow2.f32 v17;
	_ =	sdelay $0x1  }
0x25b: {  	v18 =	vld [tilespmem:$0x1FFC0];
	_ =	sdelay $0x6  }
0x25c: {  	v17 =	vpop (erf)  }
0x25d: {  	[tilespmem:v18+s14+$0x0] =	vst.idx.msk $0xffff, v17;
	v17 =	vld [tilespmem:$0x1FFD0]  }
0x25e: {  	v18 =	vld [tilespmem:$0x1FFE0];
	_ =	sdelay $0x6  }
0x25f: {  	v17 =	vld.idx.msk [tilespmem:v17+s3+$0x0], $0xffff  }
0x260: {  	v18 =	vld.idx.msk [tilespmem:v18+s8+$0x0], $0xffff;
	_ =	sdelay $0x4  }
0x261: {  	v17 =	vadd.f32 v18, v17;
	_ =	sdelay $0x1  }
0x262: {  	v18 =	vmul.f32 $2.000000030e-01, v17;
	_ =	sdelay $0x1  }
0x263: {  	v17 =	vmax.f32 v17, v18  }
0x264: {  	v17 =	vmul.f32 $1.442695020e+00, v17;
	_ =	sdelay $0x1  }
0x265: {  	(erf) = vpow2.f32 v17;
	_ =	sdelay $0x1  }
0x266: {  	v18 =	vld [tilespmem:$0x1FFF0];
	_ =	sdelay $0x6  }
0x267: {  	v17 =	vpop (erf)  }
0x268: {  	[tilespmem:v18+s14+$0x0] =	vst.idx.msk $0xffff, v17  }
0x269: {  	v17 =	vld.idx.msk [tilespmem:v27+s3+$0x0], $0xffff  }
0x26a: {  	v18 =	vld.idx.msk [tilespmem:v28+s8+$0x0], $0xffff;
	_ =	sdelay $0x4  }
0x26b: {  	v17 =	vadd.f32 v18, v17;
	_ =	sdelay $0x1  }
0x26c: {  	v18 =	vmul.f32 $2.000000030e-01, v17;
	_ =	sdelay $0x1  }
0x26d: {  	v17 =	vmax.f32 v17, v18  }
0x26e: {  	v17 =	vmul.f32 $1.442695020e+00, v17;
	_ =	sdelay $0x1  }
0x26f: {  	(erf) = vpow2.f32 v17;
	_ =	sdelay $0x8  }
0x270: {  	v17 =	vpop (erf)  }
0x271: {  	[tilespmem:v29+s14+$0x0] =	vst.idx.msk $0xffff, v17  }
0x272: {  	v17 =	vld.idx.msk [tilespmem:v30+s3+$0x0], $0xffff  }
0x273: {  	v18 =	vld.idx.msk [tilespmem:v31+s8+$0x0], $0xffff;
	_ =	sdelay $0x4  }
0x274: {  	v17 =	vadd.f32 v18, v17;
	_ =	sdelay $0x1  }
0x275: {  	v18 =	vmul.f32 $2.000000030e-01, v17;
	_ =	sdelay $0x1  }
0x276: {  	v17 =	vmax.f32 v17, v18  }
0x277: {  	v17 =	vmul.f32 $1.442695020e+00, v17;
	_ =	sdelay $0x1  }
0x278: {  	(erf) = vpow2.f32 v17;
	_ =	sdelay $0x8  }
0x279: {  	v17 =	vpop (erf)  }
0x27a: {  	[tilespmem:v32+s14+$0x0] =	vst.idx.msk $0xffff, v17  }
0x27b: {  	v17 =	vld.idx.msk [tilespmem:v33+s3+$0x0], $0xffff  }
0x27c: {  	v18 =	vld.idx.msk [tilespmem:v34+s8+$0x0], $0xffff;
	_ =	sdelay $0x4  }
0x27d: {  	v17 =	vadd.f32 v18, v17;
	_ =	sdelay $0x1  }
0x27e: {  	v18 =	vmul.f32 $2.000000030e-01, v17;
	_ =	sdelay $0x1  }
0x27f: {  	v17 =	vmax.f32 v17, v18  }
0x280: {  	v17 =	vmul.f32 $1.442695020e+00, v17;
	_ =	sdelay $0x1  }
0x281: {  	(erf) = vpow2.f32 v17;
	_ =	sdelay $0x8  }
0x282: {  	v17 =	vpop (erf)  }
0x283: {  	[tilespmem:v35+s14+$0x0] =	vst.idx.msk $0xffff, v17  }
0x284: {  	v17 =	vld.idx.msk [tilespmem:v36+s3+$0x0], $0xffff  }
0x285: {  	v18 =	vld.idx.msk [tilespmem:v37+s8+$0x0], $0xffff;
	_ =	sdelay $0x4  }
0x286: {  	v17 =	vadd.f32 v18, v17;
	_ =	sdelay $0x1  }
0x287: {  	v18 =	vmul.f32 $2.000000030e-01, v17;
	_ =	sdelay $0x1  }
0x288: {  	v17 =	vmax.f32 v17, v18  }
0x289: {  	v17 =	vmul.f32 $1.442695020e+00, v17;
	_ =	sdelay $0x1  }
0x28a: {  	(erf) = vpow2.f32 v17;
	_ =	sdelay $0x8  }
0x28b: {  	v17 =	vpop (erf)  }
0x28c: {  	[tilespmem:v38+s14+$0x0] =	vst.idx.msk $0xffff, v17  }
0x28d: {  	v17 =	vld.idx.msk [tilespmem:v39+s3+$0x0], $0xffff  }
0x28e: {  	v18 =	vld.idx.msk [tilespmem:v40+s8+$0x0], $0xffff;
	_ =	sdelay $0x4  }
0x28f: {  	v17 =	vadd.f32 v18, v17;
	_ =	sdelay $0x1  }
0x290: {  	v18 =	vmul.f32 $2.000000030e-01, v17;
	_ =	sdelay $0x1  }
0x291: {  	v17 =	vmax.f32 v17, v18  }
0x292: {  	v17 =	vmul.f32 $1.442695020e+00, v17;
	_ =	sdelay $0x1  }
0x293: {  	(erf) = vpow2.f32 v17;
	_ =	sdelay $0x8  }
0x294: {  	v17 =	vpop (erf)  }
0x295: {  	[tilespmem:v41+s14+$0x0] =	vst.idx.msk $0xffff, v17  }
0x296: {  	v17 =	vld.idx.msk [tilespmem:v42+s3+$0x0], $0xffff  }
0x297: {  	v18 =	vld.idx.msk [tilespmem:v43+s8+$0x0], $0xffff;
	_ =	sdelay $0x4  }
0x298: {  	v17 =	vadd.f32 v18, v17;
	_ =	sdelay $0x1  }
0x299: {  	v18 =	vmul.f32 $2.000000030e-01, v17;
	_ =	sdelay $0x1  }
0x29a: {  	v17 =	vmax.f32 v17, v18  }
0x29b: {  	v17 =	vmul.f32 $1.442695020e+00, v17;
	_ =	sdelay $0x1  }
0x29c: {  	(erf) = vpow2.f32 v17;
	_ =	sdelay $0x8  }
0x29d: {  	v17 =	vpop (erf)  }
0x29e: {  	[tilespmem:v44+s14+$0x0] =	vst.idx.msk $0xffff, v17  }
0x29f: {  	v17 =	vld.idx.msk [tilespmem:v45+s3+$0x0], $0xffff  }
0x2a0: {  	v18 =	vld.idx.msk [tilespmem:v46+s8+$0x0], $0xffff;
	_ =	sdelay $0x4  }
0x2a1: {  	v17 =	vadd.f32 v18, v17;
	_ =	sdelay $0x1  }
0x2a2: {  	v18 =	vmul.f32 $2.000000030e-01, v17;
	_ =	sdelay $0x1  }
0x2a3: {  	v17 =	vmax.f32 v17, v18  }
0x2a4: {  	v17 =	vmul.f32 $1.442695020e+00, v17;
	_ =	sdelay $0x1  }
0x2a5: {  	(erf) = vpow2.f32 v17;
	_ =	sdelay $0x8  }
0x2a6: {  	v17 =	vpop (erf)  }
0x2a7: {  	[tilespmem:v47+s14+$0x0] =	vst.idx.msk $0xffff, v17  }
0x2a8: {  	v17 =	vld.idx.msk [tilespmem:v48+s3+$0x0], $0xffff  }
0x2a9: {  	v18 =	vld.idx.msk [tilespmem:v49+s8+$0x0], $0xffff;
	_ =	sdelay $0x4  }
0x2aa: {  	v17 =	vadd.f32 v18, v17;
	_ =	sdelay $0x1  }
0x2ab: {  	v18 =	vmul.f32 $2.000000030e-01, v17;
	_ =	sdelay $0x1  }
0x2ac: {  	v17 =	vmax.f32 v17, v18  }
0x2ad: {  	v17 =	vmul.f32 $1.442695020e+00, v17;
	_ =	sdelay $0x1  }
0x2ae: {  	(erf) = vpow2.f32 v17;
	_ =	sdelay $0x8  }
0x2af: {  	v17 =	vpop (erf)  }
0x2b0: {  	[tilespmem:v50+s14+$0x0] =	vst.idx.msk $0xffff, v17  }
0x2b1: {  	v17 =	vld.idx.msk [tilespmem:v51+s3+$0x0], $0xffff  }
0x2b2: {  	v18 =	vld.idx.msk [tilespmem:v52+s8+$0x0], $0xffff;
	_ =	sdelay $0x4  }
0x2b3: {  	v17 =	vadd.f32 v18, v17;
	_ =	sdelay $0x1  }
0x2b4: {  	v18 =	vmul.f32 $2.000000030e-01, v17;
	_ =	sdelay $0x1  }
0x2b5: {  	v17 =	vmax.f32 v17, v18  }
0x2b6: {  	v17 =	vmul.f32 $1.442695020e+00, v17;
	_ =	sdelay $0x1  }
0x2b7: {  	(erf) = vpow2.f32 v17;
	_ =	sdelay $0x8  }
0x2b8: {  	v17 =	vpop (erf)  }
0x2b9: {  	[tilespmem:v53+s14+$0x0] =	vst.idx.msk $0xffff, v17  }
0x2ba: {  	v17 =	vld.idx.msk [tilespmem:v54+s3+$0x0], $0xffff  }
0x2bb: {  	v18 =	vld.idx.msk [tilespmem:v55+s8+$0x0], $0xffff;
	_ =	sdelay $0x4  }
0x2bc: {  	v17 =	vadd.f32 v18, v17;
	_ =	sdelay $0x1  }
0x2bd: {  	v18 =	vmul.f32 $2.000000030e-01, v17;
	_ =	sdelay $0x1  }
0x2be: {  	v17 =	vmax.f32 v17, v18  }
0x2bf: {  	v17 =	vmul.f32 $1.442695020e+00, v17;
	_ =	sdelay $0x1  }
0x2c0: {  	(erf) = vpow2.f32 v17;
	_ =	sdelay $0x8  }
0x2c1: {  	v17 =	vpop (erf)  }
0x2c2: {  	[tilespmem:v56+s14+$0x0] =	vst.idx.msk $0xffff, v17  }
0x2c3: {  	v17 =	vld.idx.msk [tilespmem:v57+s3+$0x0], $0xffff  }
0x2c4: {  	v18 =	vld.idx.msk [tilespmem:v58+s8+$0x0], $0xffff;
	_ =	sdelay $0x4  }
0x2c5: {  	v17 =	vadd.f32 v18, v17;
	_ =	sdelay $0x1  }
0x2c6: {  	v18 =	vmul.f32 $2.000000030e-01, v17;
	_ =	sdelay $0x1  }
0x2c7: {  	v17 =	vmax.f32 v17, v18  }
0x2c8: {  	v17 =	vmul.f32 $1.442695020e+00, v17;
	_ =	sdelay $0x1  }
0x2c9: {  	(erf) = vpow2.f32 v17;
	_ =	sdelay $0x8  }
0x2ca: {  	v17 =	vpop (erf)  }
0x2cb: {  	[tilespmem:v59+s14+$0x0] =	vst.idx.msk $0xffff, v17  }
0x2cc: {  	v17 =	vld.idx.msk [tilespmem:v60+s3+$0x0], $0xffff  }
0x2cd: {  	v18 =	vld.idx.msk [tilespmem:v61+s8+$0x0], $0xffff;
	_ =	sdelay $0x4  }
0x2ce: {  	v17 =	vadd.f32 v18, v17;
	_ =	sdelay $0x1  }
0x2cf: {  	v18 =	vmul.f32 $2.000000030e-01, v17;
	_ =	sdelay $0x1  }
0x2d0: {  	v17 =	vmax.f32 v17, v18  }
0x2d1: {  	v17 =	vmul.f32 $1.442695020e+00, v17;
	_ =	sdelay $0x1  }
0x2d2: {  	(erf) = vpow2.f32 v17;
	_ =	sdelay $0x8  }
0x2d3: {  	v17 =	vpop (erf)  }
0x2d4: {  	[tilespmem:v62+s14+$0x0] =	vst.idx.msk $0xffff, v17  }
0x2d5: {  	v17 =	vld.idx.msk [tilespmem:v63+s3+$0x0], $0xffff  }
0x2d6: {  	v6 =	vld.idx.msk [tilespmem:v6+s8+$0x0], $0xffff;
	_ =	sdelay $0x4  }
0x2d7: {  	v6 =	vadd.f32 v6, v17;
	_ =	sdelay $0x1  }
0x2d8: {  	v17 =	vmul.f32 $2.000000030e-01, v6;
	_ =	sdelay $0x1  }
0x2d9: {  	v6 =	vmax.f32 v6, v17  }
0x2da: {  	v6 =	vmul.f32 $1.442695020e+00, v6;
	_ =	sdelay $0x1  }
0x2db: {  	(erf) = vpow2.f32 v6;
	_ =	sdelay $0x8  }
0x2dc: {  	v6 =	vpop (erf)  }
0x2dd: {  	[tilespmem:v7+s14+$0x0] =	vst.idx.msk $0xffff, v6  }
0x2de: {  	v6 =	vld.idx.msk [tilespmem:v8+s3+$0x0], $0xffff  }
0x2df: {  	v7 =	vld.idx.msk [tilespmem:v9+s8+$0x0], $0xffff;
	_ =	sdelay $0x4  }
0x2e0: {  	v6 =	vadd.f32 v7, v6;
	_ =	sdelay $0x1  }
0x2e1: {  	v7 =	vmul.f32 $2.000000030e-01, v6;
	_ =	sdelay $0x1  }
0x2e2: {  	v6 =	vmax.f32 v6, v7  }
0x2e3: {  	v6 =	vmul.f32 $1.442695020e+00, v6;
	_ =	sdelay $0x1  }
0x2e4: {  	(erf) = vpow2.f32 v6;
	_ =	sdelay $0x8  }
0x2e5: {  	v6 =	vpop (erf)  }
0x2e6: {  	[tilespmem:v10+s14+$0x0] =	vst.idx.msk $0xffff, v6  }
0x2e7: {  	v6 =	vld.idx.msk [tilespmem:v11+s3+$0x0], $0xffff  }
0x2e8: {  	v7 =	vld.idx.msk [tilespmem:v12+s8+$0x0], $0xffff;
	_ =	sdelay $0x4  }
0x2e9: {  	v6 =	vadd.f32 v7, v6;
	_ =	sdelay $0x1  }
0x2ea: {  	v7 =	vmul.f32 $2.000000030e-01, v6;
	_ =	sdelay $0x1  }
0x2eb: {  	v6 =	vmax.f32 v6, v7  }
0x2ec: {  	v6 =	vmul.f32 $1.442695020e+00, v6;
	_ =	sdelay $0x1  }
0x2ed: {  	(erf) = vpow2.f32 v6;
	_ =	sdelay $0x8  }
0x2ee: {  	v6 =	vpop (erf)  }
0x2ef: {  	[tilespmem:v13+s14+$0x0] =	vst.idx.msk $0xffff, v6  }
0x2f0: {  	v6 =	vld.idx.msk [tilespmem:v14+s3+$0x0], $0xffff  }
0x2f1: {  	v7 =	vld.idx.msk [tilespmem:v15+s8+$0x0], $0xffff;
	_ =	sdelay $0x4  }
0x2f2: {  	v6 =	vadd.f32 v7, v6;
	_ =	sdelay $0x1  }
0x2f3: {  	v7 =	vmul.f32 $2.000000030e-01, v6;
	_ =	sdelay $0x1  }
0x2f4: {  	v6 =	vmax.f32 v6, v7  }
0x2f5: {  	v6 =	vmul.f32 $1.442695020e+00, v6;
	_ =	sdelay $0x1  }
0x2f6: {  	(erf) = vpow2.f32 v6;
	_ =	sdelay $0x4  }
0x2f7: {  	s28 =	simm.s32 $0x0  }
0x2f8: {  	v6 =	vmov s28;
	_ =	sdelay $0x2  }
0x2f9: {  	v7 =	vpop (erf)  }
0x2fa: {  	[tilespmem:v16+s14+$0x0] =	vst.idx.msk $0xffff, v7  }
0x2fb: {  	s29 =	simm.s32 $0x3690;
	v7 =	vld.idx.msk [tilespmem:v6+s14+$0x0], $0xffff  }
0x2fc: {  	v6 =	vshrl.u32 v6, $0x3;
	v8 =	vld [tilespmem:s29+$0xFFFFFF70]  }
0x2fd: {  	v13 =	vld [tilespmem:s29+$0xFFFFFF80];
	v6 =	vshll.u32 v6, v0  }
0x2fe: {  	v14 =	vadd.s32 $0x1, v6  }
0x2ff: {  	v10 =	vbroadcast v14, $0x0;
	_ =	sdelay $0x1  }
0x300: {  	v8 =	vmul.f32 v8, v7  }
0x301: {  	v7 =	vmul.f32 v13, v7  }
0x302: {  	[tilespmem:s29+$0xFFFFFF70] =	vst v8  }
0x303: {  	[tilespmem:s29+$0xFFFFFF80] =	vst v7;
	v8 =	vld [tilespmem:s29+$0xFFFFFF90]  }
0x304: {  	v7 =	vld.idx.msk [tilespmem:v10+s14+$0x0], $0xffff  }
0x305: {  	v15 =	vld [tilespmem:s29+$0xFFFFFFA0]  }
0x306: {  	v12 =	vadd.s32 $0x2, v6  }
0x307: {  	v10 =	vbroadcast v12, $0x0;
	_ =	sdelay $0x1  }
0x308: {  	v8 =	vmul.f32 v8, v7  }
0x309: {  	v7 =	vmul.f32 v15, v7  }
0x30a: {  	[tilespmem:s29+$0xFFFFFF90] =	vst v8  }
0x30b: {  	[tilespmem:s29+$0xFFFFFFA0] =	vst v7;
	v8 =	vld [tilespmem:s29+$0xFFFFFFB0]  }
0x30c: {  	v7 =	vld.idx.msk [tilespmem:v10+s14+$0x0], $0xffff  }
0x30d: {  	v13 =	vld [tilespmem:s29+$0xFFFFFFC0]  }
0x30e: {  	v6 =	vadd.s32 $0x3, v6  }
0x30f: {  	v6 =	vbroadcast v6, $0x0;
	_ =	sdelay $0x1  }
0x310: {  	v8 =	vmul.f32 v8, v7  }
0x311: {  	v7 =	vmul.f32 v13, v7  }
0x312: {  	[tilespmem:s29+$0xFFFFFFB0] =	vst v8  }
0x313: {  	[tilespmem:s29+$0xFFFFFFC0] =	vst v7;
	v7 =	vld [tilespmem:s29+$0xFFFFFFD0]  }
0x314: {  	v6 =	vld.idx.msk [tilespmem:v6+s14+$0x0], $0xffff  }
0x315: {  	v8 =	vld [tilespmem:s29+$0xFFFFFFE0];
	_ =	sdelay $0x2  }
0x316: {  	v14 =	vor.u32 s28, v3  }
0x317: {  	v7 =	vmul.f32 v7, v6  }
0x318: {  	v6 =	vmul.f32 v8, v6  }
0x319: {  	[tilespmem:s29+$0xFFFFFFD0] =	vst v7  }
0x31a: {  	v8 =	vld [tilespmem:s29+$0xFFFFFFF0];
	[tilespmem:s29+$0xFFFFFFE0] =	vst v6  }
0x31b: {  	v6 =	vld.idx.msk [tilespmem:v14+s14+$0x0], $0xffff;
	_ =	sdelay $0x2  }
0x31c: {  	v7 =	vmov s25;
	_ =	sdelay $0x1  }
0x31d: {  	v6 =	vmul.f32 v8, v6;
	_ =	sdelay $0x1  }
0x31e: {  	v8 =	vld [tilespmem:s29+$0x0];
	[tilespmem:s29+$0xFFFFFFF0] =	vst v6  }
0x31f: {  	v6 =	vld.idx.msk [tilespmem:v7+s14+$0x0], $0xffff;
	v7 =	vshrl.u32 v7, $0x3  }
0x320: {  	v15 =	vld [tilespmem:s29+$0x10];
	v7 =	vshll.u32 v7, v0  }
0x321: {  	v12 =	vadd.s32 $0x5, v7  }
0x322: {  	v10 =	vbroadcast v12, $0x0;
	_ =	sdelay $0x1  }
0x323: {  	v8 =	vmul.f32 v8, v6  }
0x324: {  	v6 =	vmul.f32 v15, v6  }
0x325: {  	[tilespmem:s29+$0x0] =	vst v8  }
0x326: {  	[tilespmem:s29+$0x10] =	vst v6;
	v8 =	vld [tilespmem:s29+$0x20]  }
0x327: {  	v6 =	vld.idx.msk [tilespmem:v10+s14+$0x0], $0xffff  }
0x328: {  	v13 =	vld [tilespmem:s29+$0x30]  }
0x329: {  	v14 =	vadd.s32 $0x6, v7  }
0x32a: {  	v10 =	vbroadcast v14, $0x0;
	_ =	sdelay $0x1  }
0x32b: {  	v8 =	vmul.f32 v8, v6  }
0x32c: {  	v6 =	vmul.f32 v13, v6  }
0x32d: {  	[tilespmem:s29+$0x20] =	vst v8  }
0x32e: {  	[tilespmem:s29+$0x30] =	vst v6;
	v8 =	vld [tilespmem:s29+$0x40]  }
0x32f: {  	v6 =	vld.idx.msk [tilespmem:v10+s14+$0x0], $0xffff  }
0x330: {  	v15 =	vld [tilespmem:s29+$0x50]  }
0x331: {  	v7 =	vadd.s32 $0x7, v7  }
0x332: {  	v7 =	vbroadcast v7, $0x0;
	_ =	sdelay $0x1  }
0x333: {  	v8 =	vmul.f32 v8, v6  }
0x334: {  	v6 =	vmul.f32 v15, v6  }
0x335: {  	[tilespmem:s29+$0x40] =	vst v8  }
0x336: {  	[tilespmem:s29+$0x50] =	vst v6  }
0x337: {  	v6 =	vld.idx.msk [tilespmem:v7+s14+$0x0], $0xffff  }
0x338: {  	v7 =	vld [tilespmem:s29+$0x60];
	_ =	sdelay $0x2  }
0x339: {  	v8 =	vld [tilespmem:s29+$0x70];
	_ =	sdelay $0x1  }
0x33a: {  	v7 =	vmul.f32 v7, v6;
	_ =	sdelay $0x1  }
0x33b: {  	[tilespmem:s29+$0x60] =	vst v7;
	v7 =	vor.u32 s25, v5  }
0x33c: {  	v8 =	vmul.f32 v8, v6;
	_ =	sdelay $0x1  }
0x33d: {  	v22 =	vmovc v26;
	v19 =	vmov v23;
	v20 =	vmov v24;
	v21 =	vmov v25;
	s21 =	simm.s32 $0x3690;
	s23 =	simm.s32 $0xC;
	v6 =	vld [tilespmem:s29+$0x80];
	[tilespmem:s29+$0x70] =	vst v8  }
.LBB2_11:
0x33e: {  	p0 =	sne.s32 s23, $0x17C  }
0x33f: {  	v7 =	vld.idx.msk [tilespmem:v7+s14+$0x0], $0xffff;
	s29 =	sadd.s32 $0x120, s29;
	s28 =	smov.u32 s23;
	s23 =	sadd.s32 $0x8, s23  }
0x340: {  	_ =	sdelay $0x1  }
0x341: {  	s25 =	sadd.s32 $0xFFFFFFFC, s28  }
0x342: {  	v8 =	vmov s25  }
0x343: {  	v9 =	vshrl.u32 v8, $0x3  }
0x344: {  	v9 =	vshll.u32 v9, v0;
	v6 =	vmul.f32 v6, v7  }
0x345: {  	v7 =	vadd.s32 $0x1, v9;
	v10 =	vadd.s32 $0x2, v9;
	v9 =	vadd.s32 $0x3, v9  }
0x346: {  	v11 =	vld [tilespmem:s29+$0xFFFFFF80];
	[tilespmem:s21+$0x80] =	vst v6;
	s21 =	smov.u32 s29  }
0x347: {  	v6 =	vld.idx.msk [tilespmem:v8+s14+$0x0], $0xffff  }
0x348: {  	v8 =	vld [tilespmem:s29+$0xFFFFFF70];
	_ =	sdelay $0x1  }
0x349: {  	v7 =	vbroadcast v7, $0x0;
	_ =	sdelay $0x2  }
0x34a: {  	v8 =	vmul.f32 v8, v6;
	v6 =	vmul.f32 v11, v6;
	_ =	sdelay $0x1  }
0x34b: {  	[tilespmem:s29+$0xFFFFFF70] =	vst v8  }
0x34c: {  	[tilespmem:s29+$0xFFFFFF80] =	vst v6;
	v6 =	vld [tilespmem:s29+$0xFFFFFFA0]  }
0x34d: {  	v7 =	vld.idx.msk [tilespmem:v7+s14+$0x0], $0xffff  }
0x34e: {  	v8 =	vld [tilespmem:s29+$0xFFFFFF90]  }
0x34f: {  	v10 =	vbroadcast v10, $0x0;
	_ =	sdelay $0x3  }
0x350: {  	v6 =	vmul.f32 v6, v7;
	v8 =	vmul.f32 v8, v7;
	_ =	sdelay $0x1  }
0x351: {  	[tilespmem:s29+$0xFFFFFF90] =	vst v8  }
0x352: {  	[tilespmem:s29+$0xFFFFFFA0] =	vst v6;
	v6 =	vld [tilespmem:s29+$0xFFFFFFC0]  }
0x353: {  	v7 =	vld.idx.msk [tilespmem:v10+s14+$0x0], $0xffff  }
0x354: {  	v9 =	vbroadcast v9, $0x0;
	v8 =	vld [tilespmem:s29+$0xFFFFFFB0];
	_ =	sdelay $0x4  }
0x355: {  	v6 =	vmul.f32 v6, v7;
	v8 =	vmul.f32 v8, v7;
	_ =	sdelay $0x1  }
0x356: {  	[tilespmem:s29+$0xFFFFFFB0] =	vst v8  }
0x357: {  	[tilespmem:s29+$0xFFFFFFC0] =	vst v6;
	v6 =	vld [tilespmem:s29+$0xFFFFFFE0]  }
0x358: {  	v7 =	vld.idx.msk [tilespmem:v9+s14+$0x0], $0xffff  }
0x359: {  	v9 =	vor.u32 s25, v3;
	v8 =	vld [tilespmem:s29+$0xFFFFFFD0];
	_ =	sdelay $0x4  }
0x35a: {  	v6 =	vmul.f32 v6, v7;
	v8 =	vmul.f32 v8, v7  }
0x35b: {  	v7 =	vld [tilespmem:s29+$0xFFFFFFF0]  }
0x35c: {  	[tilespmem:s29+$0xFFFFFFD0] =	vst v8  }
0x35d: {  	[tilespmem:s29+$0xFFFFFFE0] =	vst v6  }
0x35e: {  	v8 =	vmov s28;
	v6 =	vld.idx.msk [tilespmem:v9+s14+$0x0], $0xffff  }
0x35f: {  	v9 =	vshrl.u32 v8, $0x3  }
0x360: {  	v9 =	vshll.u32 v9, v0  }
0x361: {  	v10 =	vadd.s32 $0x5, v9;
	v11 =	vadd.s32 $0x6, v9;
	v9 =	vadd.s32 $0x7, v9;
	_ =	sdelay $0x2  }
0x362: {  	v6 =	vmul.f32 v7, v6;
	_ =	sdelay $0x1  }
0x363: {  	v7 =	vbroadcast v10, $0x0;
	[tilespmem:s29+$0xFFFFFFF0] =	vst v6;
	v6 =	vld [tilespmem:s29+$0x10]  }
0x364: {  	v8 =	vld.idx.msk [tilespmem:v8+s14+$0x0], $0xffff  }
0x365: {  	v10 =	vld [tilespmem:s29+$0x0];
	_ =	sdelay $0x4  }
0x366: {  	v6 =	vmul.f32 v6, v8;
	v10 =	vmul.f32 v10, v8;
	_ =	sdelay $0x1  }
0x367: {  	v8 =	vbroadcast v11, $0x0;
	[tilespmem:s29+$0x0] =	vst v10  }
0x368: {  	[tilespmem:s29+$0x10] =	vst v6;
	v6 =	vld [tilespmem:s29+$0x30]  }
0x369: {  	v7 =	vld.idx.msk [tilespmem:v7+s14+$0x0], $0xffff  }
0x36a: {  	v10 =	vld [tilespmem:s29+$0x20];
	_ =	sdelay $0x4  }
0x36b: {  	v6 =	vmul.f32 v6, v7;
	v10 =	vmul.f32 v10, v7  }
0x36c: {  	v9 =	vbroadcast v9, $0x0  }
0x36d: {  	[tilespmem:s29+$0x20] =	vst v10  }
0x36e: {  	[tilespmem:s29+$0x30] =	vst v6;
	v6 =	vld [tilespmem:s29+$0x50]  }
0x36f: {  	v7 =	vld.idx.msk [tilespmem:v8+s14+$0x0], $0xffff  }
0x370: {  	v8 =	vld [tilespmem:s29+$0x40];
	_ =	sdelay $0x4  }
0x371: {  	v6 =	vmul.f32 v6, v7;
	v8 =	vmul.f32 v8, v7  }
0x372: {  	v7 =	vor.u32 s28, v5  }
0x373: {  	[tilespmem:s29+$0x40] =	vst v8  }
0x374: {  	[tilespmem:s29+$0x50] =	vst v6;
	v8 =	vld [tilespmem:s29+$0x70]  }
0x375: {  	v9 =	vld.idx.msk [tilespmem:v9+s14+$0x0], $0xffff  }
0x376: {  	v10 =	vld [tilespmem:s29+$0x60];
	_ =	sdelay $0x1  }
0x377: {  	v6 =	vld [tilespmem:s29+$0x80];
	_ =	sdelay $0x1  }
.Ltmp4:
0x378: {  	(pc) =	sbr.rel @p0 .LBB2_11-.Ltmp4, $3  }
0x379: {  	v8 =	vmul.f32 v8, v9;
	v10 =	vmul.f32 v10, v9;
	_ =	sdelay $0x1  }
0x37a: {  	[tilespmem:s29+$0x60] =	vst v10  }
0x37b: {  	[tilespmem:s29+$0x70] =	vst v8  }
0x37c: {  	_ =	sdelay $0x3  }
0x37d: {  	v0 =	vld.idx.msk [tilespmem:v7+s14+$0x0], $0xffff;
	_ =	sdelay $0x4  }
0x37e: {  	v0 =	vmul.f32 v6, v0;
	_ =	sdelay $0x1  }
0x37f: {  	[tilespmem:s21+$0x80] =	vst v0  }
0x380: {  	v0 =	vld [tilespmem:$0x86A0]  }
0x381: {  	v3 =	vld [tilespmem:$0x86B0]  }
0x382: {  	v5 =	vld [tilespmem:$0x86C0]  }
0x383: {  	v6 =	vld [tilespmem:$0x86D0]  }
0x384: {  	v7 =	vld [tilespmem:$0x86E0]  }
0x385: {  	[tilespmem:$0x8760] =	vst v0;
	v0 =	vld [tilespmem:$0x86F0]  }
0x386: {  	[tilespmem:$0x8770] =	vst v3  }
0x387: {  	[tilespmem:$0x8780] =	vst v5  }
0x388: {  	[tilespmem:$0x8790] =	vst v6  }
0x389: {  	s13 =	smin.u32 s13, $0x68;
	s29 =	rddreg [dreg:$0x2];
	[tilespmem:$0x87A0] =	vst v7  }
0x38a: {  	s23 =	simm.s32 $0x8760;
	s25 =	simm.s32 $0x3600;
	s13 =	smul.u32 $0x60, s13;
	[tilespmem:$0x87B0] =	vst v0  }
0x38b: {  	[spmem:s29] =	stream.indirect.scatter.add.f32 [tilespmem:s25], [sflag:$0xC], $0x90, s23, s19, $0xb8;
	[tilespmem:$0x1F8C0] =	vst v63  }
0x38c: {  	s12 =	sadd.s32 $0x1, s12;
	s29 =	rddreg [dreg:$0x9]  }
0x38d: {  	p0 =	sne.s32 s12, $0x36;
	s13 =	sadd.s32 s13, s29  }
.Ltmp5:
0x38e: {  	s28 =	simm.s32 $0x86A0;
	s13 =	sshrl.u32 s13, $0x3;
	(pc) =	sbr.rel @p0 .LBB2_8-.Ltmp5, $4  }
0x38f: {  	s25 =	smov.u32 s15;
	s29 =	simm.s32 $0x85E0;
	s15 =	sadd.s32 s15, s13  }
0x390: {  	[tilespmem:s29], [sflag:$0x8] =	stream.linear.gather [hbm4b:s15+s4], $0x60, $0x38;
	[tilespmem:$0x1F8C0] =	vst v63  }
0x391: {  	s21 =	simm.s32 $0x85E0;
	s23 =	simm.s32 $0x3600;
	s13 =	sadd.s32 s7, s13  }
0x392: {  	[tilespmem:s28], [sflag:$0xA] =	stream.linear.gather [hbm4b:s13+s4], $0x60, $0x38;
	[tilespmem:$0x1F8C0] =	vst v63  }
0x393: {  	_ =	swait.ge [sflag:s9], $0x3600  }
0x394: {  	[sflag:s9] =	ssyncset.done $0x0  }
0x395: {  	[sflag:s9] =	ssyncadd.s32 $0xFFFFCA00  }
0x396: {  	_ =	swait.ge [sflag:s10], $0x600  }
0x397: {  	[sflag:s10] =	ssyncset.done $0x0  }
0x398: {  	[sflag:s10] =	ssyncadd.s32 $0xFFFFFA00  }
0x399: {  	_ =	swait.ge [sflag:s11], $0x600  }
0x39a: {  	[sflag:s11] =	ssyncset.done $0x0  }
0x39b: {  	[sflag:s11] =	ssyncadd.s32 $0xFFFFFA00  }
0x39c: {  	_ =	swait.ge [sflag:s30], $0x60  }
0x39d: {  	[sflag:s30] =	ssyncset.done $0x0  }
0x39e: {  	[sflag:s30] =	ssyncadd.s32 $0xFFFFFFA0  }
0x39f: {  	_ =	swait.ge [sflag:s31], $0x60  }
0x3a0: {  	[sflag:s31] =	ssyncset.done $0x0  }
0x3a1: {  	[sflag:s31] =	ssyncadd.s32 $0xFFFFFFA0  }
0x3a2: {  	_ =	swait.ge [sflag:s0], $0x3600  }
0x3a3: {  	[sflag:s0] =	ssyncset.done $0x0  }
0x3a4: {  	[sflag:s0] =	ssyncadd.s32 $0xFFFFCA00  }
0x3a5: {  	s12 =	stileid.u32;
	[bflag:$0x0] =	sbarrier.arrive $0xFFFF  }
0x3a6: {  	s12 =	sshll.u32 s12, $0x6;
	s13 =	rddreg [dreg:$0xa]  }
0x3a7: {  	s12 =	sor.u32 $0x1C0D, s12;
	s15 =	rddreg [dreg:$0xc]  }
0x3a8: {  	[hbm:s13], [sflag:s12] =	dma.local [spmem:s15], $0x2D00  }
0x3a9: {  	_ =	swait.ge [sflag:s18], $0x2D00  }
0x3aa: {  	s15 =	rddreg [dreg:$0xd]  }
0x3ab: {  	s29 =	rddreg [dreg:$0xb];
	s13 =	sadd.s32 $0x1, s15  }
0x3ac: {  	p0 =	sne.s32 s13, s29  }
.Ltmp6:
0x3ad: {  	_ = 	snop;
	(pc) =	sbr.rel @p0 .LBB2_1-.Ltmp6, $3  }
0x3ae: {  	_ =	sdelay $0x1  }
0x3af: {  	[sflag:s18] =	ssyncset.done $0x0  }
0x3b0: {  	[sflag:s18] =	ssyncadd.s32 $0xFFFFD300  }
0x3b1: {  	_ =	sfence.sel $0x180000  }
0x3b2: {  	[bflag:$0x0] =	sbarrier.arrive $0xFFFF  }
0x3b3: {  	_ =	strace $0x90000047  }
0x3b4: {  	s0 =	stileid.u32;
	[bflag:$0x2] =	sbarrier.arrive $0xFFFF  }
0x3b5: {  	p0 =	sne.s32 s0, $0x0;
	s0 =	rddreg [dreg:$0x3]  }
0x3b6: {  	s0 =	sadd.s32 @!p0 $0x100000, s0  }
0x3b7: {  	[sflag:s0] =	ssyncadd.tile.s32 @!p0 $0x1;
	_ =	shalt  }
.Lfunc_end2:
_tile_overlayer_lowered:
.L_overlay_start_2:
0x3b8: {  	(tag) =	ssettag $0x2  }
0x3b9: {  	s0 =	rddreg [dreg:$0x0];
	s2 =	stileid.u32  }
0x3ba: {  	s1 =	rddreg [dreg:$0x1];
	p0 =	sne.s32 s2, $0x0  }
0x3bb: {  	s3 =	rddreg [dreg:$0x2];
	[bflag:$0x3] =	sbarrier.arrive $0xFFFF;
	s2 =	simm.s32 @!p0 $0x1C0D  }
0x3bc: {  	[timem:s3], [sflag:s2] =	dma.local @!p0 [hbm:s0], s1  }
0x3bd: {  	s0 =	simm.s32 @!p0 $0xD  }
0x3be: {  	_ =	swait.ge @!p0 [sflag:s0], s1  }
0x3bf: {  	s1 =	ssub.s32 @!p0 $0x0, s1;
	[sflag:s0] =	ssyncset.done @!p0 $0x0  }
0x3c0: {  	[sflag:s0] =	ssyncadd.s32 @!p0 s1  }
0x3c1: {  	[bflag:$0x3] =	sbarrier.arrive $0xFFFF  }
0x3c2: {  	_ =	shalt  }

</sc_bundles>
